<compile_context>
chip_gen: v7x
topology: tpu7x:2x2x1
jax: 0.10.2.dev20260603
libtpu: 0.0.44.dev20260713+nightly
codegen_flags: <defaults>
</compile_context>

<pallas_src>
import jax
import jax.numpy as jnp
from jax import lax
from jax.experimental import pallas as pl
from jax.experimental.pallas import tpu as pltpu
from jax.experimental.pallas import tpu_sc as plsc

N = 10000
E = 320000
IN_DIM = 128
HID = 64

NC = 2
NS = 16
NW = NC * NS
L = 16

C = 128
TCH = E // C
KBASE = TCH // NW
EXTRA = TCH - KBASE * NW
KMAX = KBASE + 1
SEG = 6
SEGS = KBASE // SEG
N_PAD = 10240
RPS = N_PAD // NS

f32 = jnp.float32


def _make_seg_sum(with_counts: bool):
    out_type = [jax.ShapeDtypeStruct((NC, N_PAD, HID), f32)]
    scratch = [
        pltpu.VMEM((KMAX, C), jnp.int32),
        pltpu.VMEM((KMAX, C), jnp.int32),
    ] + [pltpu.VMEM((C, HID), f32) for _ in range(SEG)] + [
        pltpu.VMEM((C, HID), f32),
        pltpu.VMEM_SHARED((N_PAD, HID), f32),
        pltpu.SemaphoreType.DMA,
        pltpu.SemaphoreType.DMA,
    ]
    if with_counts:
        out_type.append(jax.ShapeDtypeStruct((NC, N_PAD), f32))
        scratch += [
            pltpu.VMEM((C,), f32),
            pltpu.VMEM((RPS,), f32),
            pltpu.VMEM_SHARED((N_PAD,), f32),
        ]

    mesh = plsc.VectorSubcoreMesh(core_axis_name="c", subcore_axis_name="s")

    def body(table, edges, *refs):
        if with_counts:
            (out_sums, out_cnts, src_v, dst_v, *rows,
             zrow_v, acc_sh, semg, semv, ones_v, zcnt_v, cnt_sh) = refs
        else:
            (out_sums, src_v, dst_v, *rows,
             zrow_v, acc_sh, semg, semv) = refs
        assert len(rows) == SEG
        cid = lax.axis_index("c")
        sid = lax.axis_index("s")
        wid = sid * NC + cid
        start = KBASE * wid + jnp.minimum(wid, EXTRA)
        has_extra = wid < EXTRA

        zv = jnp.zeros((L,), f32)

        def zrow_body(i, _):
            for j in range(HID // L):
                zrow_v[i, pl.ds(j * L, L)] = zv
            return _

        lax.fori_loop(0, C, zrow_body, None)
        if with_counts:
            ov = jnp.ones((L,), f32)
            for j in range(C // L):
                ones_v[pl.ds(j * L, L)] = ov
            for j in range(RPS // L):
                zcnt_v[pl.ds(j * L, L)] = zv

        for b in range(RPS // C):
            pltpu.sync_copy(zrow_v, acc_sh.at[pl.ds(sid * RPS + b * C, C)])
        if with_counts:
            pltpu.sync_copy(zcnt_v, cnt_sh.at[pl.ds(sid * RPS, RPS)])
        plsc.subcore_barrier()

        pltpu.sync_copy(edges.at[0, pl.ds(start, KBASE)],
                        src_v.at[pl.ds(0, KBASE)])
        pltpu.sync_copy(edges.at[1, pl.ds(start, KBASE)],
                        dst_v.at[pl.ds(0, KBASE)])

        @pl.when(has_extra)
        def _():
            pltpu.sync_copy(edges.at[0, pl.ds(start + KBASE, 1)],
                            src_v.at[pl.ds(KBASE, 1)])
            pltpu.sync_copy(edges.at[1, pl.ds(start + KBASE, 1)],
                            dst_v.at[pl.ds(KBASE, 1)])

        def do_chunk(k, buf):
            descs = [pltpu.async_copy(buf, acc_sh.at[dst_v.at[k]], semv,
                                      add=True)]
            if with_counts:
                descs.append(pltpu.async_copy(ones_v, cnt_sh.at[dst_v.at[k]],
                                              semv, add=True))
            return descs

        def seg_body(i, _):
            base = i * SEG
            gd = [pltpu.async_copy(table.at[src_v.at[base + j]], rows[j],
                                   semg) for j in range(SEG)]
            sd = []
            for j in range(SEG):
                gd[j].wait()
                sd += do_chunk(base + j, rows[j])
            for d in sd:
                d.wait()
            return _

        lax.fori_loop(0, SEGS, seg_body, None)

        @pl.when(has_extra)
        def _():
            pltpu.async_copy(table.at[src_v.at[KBASE]], rows[0],
                             semg).wait()
            for d in do_chunk(KBASE, rows[0]):
                d.wait()

        plsc.subcore_barrier()

        rslice = pl.ds(sid * RPS, RPS)
        pltpu.sync_copy(acc_sh.at[rslice], out_sums.at[cid, rslice])
        if with_counts:
            pltpu.sync_copy(cnt_sh.at[rslice], out_cnts.at[cid, rslice])

    return pl.kernel(body, out_type=tuple(out_type), mesh=mesh,
                     scratch_types=scratch,
                     compiler_params=pltpu.CompilerParams(
                         use_tc_tiling_on_sc=False))


_seg_sum_cnt = _make_seg_sum(with_counts=True)
_seg_sum = _make_seg_sum(with_counts=False)


_DN = (((1,), (1,)), ((), ()))


def _matmul_body(x_ref, w_ref, out_ref):
    out_ref[...] = lax.dot_general(x_ref[...], w_ref[...], _DN,
                                   preferred_element_type=f32)


def _matmul(x, w):
    return pl.pallas_call(
        _matmul_body,
        out_shape=jax.ShapeDtypeStruct((x.shape[0], w.shape[0]), f32),
    )(x, w)


def _mid_body(s_ref, c_ref, xr_ref, b1_ref, h_ref):
    s = s_ref[0, pl.ds(0, N), :] + s_ref[1, pl.ds(0, N), :]
    c = jnp.maximum(c_ref[0, pl.ds(0, N)] + c_ref[1, pl.ds(0, N)], 1.0)
    h_ref[...] = jnp.maximum(s / c[:, None] + b1_ref[...] + xr_ref[...], 0.0)


def _head_body(s_ref, c_ref, hr_ref, b2_ref, w2l_ref, wh_ref,
               bh_ref, out_ref):
    s = s_ref[0, pl.ds(0, N), :] + s_ref[1, pl.ds(0, N), :]
    c = jnp.maximum(c_ref[0, pl.ds(0, N)] + c_ref[1, pl.ds(0, N)], 1.0)
    mean2 = s / c[:, None]
    h2 = jnp.maximum(
        lax.dot_general(mean2, w2l_ref[...], _DN, preferred_element_type=f32)
        + b2_ref[...] + hr_ref[...],
        0.0)
    out_ref[...] = lax.dot_general(h2, wh_ref[...], _DN,
                                   preferred_element_type=f32) + bh_ref[0, 0]


def kernel(x, edge_index, W1l, b1l, W1r, W2l, b2l, W2r, Wh, bh):
    edges = edge_index.astype(jnp.int32).reshape(2, TCH, C)

    xl = _matmul(x, W1l)
    sums1, cnts = _seg_sum_cnt(xl, edges)
    xr = _matmul(x, W1r)

    h = pl.pallas_call(
        _mid_body,
        out_shape=jax.ShapeDtypeStruct((N, HID), f32),
    )(sums1, cnts, xr, b1l.reshape(1, HID))

    (sums2,) = _seg_sum(h, edges)
    hr = _matmul(h, W2r)

    Wh_p = jnp.concatenate([Wh, jnp.zeros((7, HID), f32)])
    logits = pl.pallas_call(
        _head_body,
        out_shape=jax.ShapeDtypeStruct((N, 8), f32),
    )(sums2, cnts, hr, b2l.reshape(1, HID), W2l, Wh_p, bh.reshape(1, 1))

    return logits[:, 0]

# --- scband reference (transcript-rebuilt; emitter-appended) ---
"""Pipeline reference for scband-sagecredit-risk-67680094650381 (READ-ONLY COPY).

The authoritative reference and input builder live on the scoring server;
editing this copy changes nothing except your own understanding.
"""

import jax, jax.numpy as jnp
import numpy as np

N = 10000
E = 320000
IN_DIM = 128
HID = 64


def setup_inputs(seed: int = 0) -> dict:
    key = jax.random.key(seed)
    ks = jax.random.split(key, 12)
    x = jax.random.normal(ks[0], (N, IN_DIM), dtype=jnp.float32)
    edge_index = jax.random.randint(ks[1], (2, E), 0, N, dtype=jnp.int32).astype(jnp.int64)
    s_in = 1.0 / np.sqrt(IN_DIM)
    s_h = 1.0 / np.sqrt(HID)
    W1l = jax.random.uniform(ks[2], (HID, IN_DIM), jnp.float32, -s_in, s_in)
    b1l = jax.random.uniform(ks[3], (HID,), jnp.float32, -s_in, s_in)
    W1r = jax.random.uniform(ks[4], (HID, IN_DIM), jnp.float32, -s_in, s_in)
    W2l = jax.random.uniform(ks[5], (HID, HID), jnp.float32, -s_h, s_h)
    b2l = jax.random.uniform(ks[6], (HID,), jnp.float32, -s_h, s_h)
    W2r = jax.random.uniform(ks[7], (HID, HID), jnp.float32, -s_h, s_h)
    Wh = jax.random.uniform(ks[8], (1, HID), jnp.float32, -s_h, s_h)
    bh = jax.random.uniform(ks[9], (1,), jnp.float32, -s_h, s_h)
    return {"x": x, "edge_index": edge_index, "W1l": W1l, "b1l": b1l, "W1r": W1r,
            "W2l": W2l, "b2l": b2l, "W2r": W2r, "Wh": Wh, "bh": bh}


def _sage_conv(h, src, dst, Wl, bl, Wr):
    # PyG-style SAGEConv with mean aggregation:
    # out = lin_l(mean_{j in N(i)} h_j) + lin_r(h_i)
    msg = jnp.take(h, src, axis=0)
    summed = jax.ops.segment_sum(msg, dst, num_segments=N)
    cnt = jax.ops.segment_sum(jnp.ones((msg.shape[0], 1), h.dtype), dst, num_segments=N)
    mean = summed / jnp.maximum(cnt, 1.0)
    return mean @ Wl.T + bl + h @ Wr.T


def reference(x, edge_index, W1l, b1l, W1r, W2l, b2l, W2r, Wh, bh):
    src = edge_index[0]
    dst = edge_index[1]
    h = jax.nn.relu(_sage_conv(x, src, dst, W1l, b1l, W1r))
    # dropout is identity in eval mode
    h = jax.nn.relu(_sage_conv(h, src, dst, W2l, b2l, W2r))
    logits = (h @ Wh.T + bh).squeeze(-1)
    return logits

if __name__ == "__main__":
    import jax
    _d = setup_inputs()
    print(jax.jit(kernel)(*tuple(_d.values())))

</pallas_src>

<mosaic_0001>
#map = affine_map<(d0, d1) -> (0, 0)>
#map1 = affine_map<(d0, d1) -> (0, 0, 0)>
module attributes {stable_mosaic.version = 14 : i64} {
  func.func @body(%arg0: i32, %arg1: i32, %arg2: memref<10000x64xf32, #tpu.memory_space<hbm>>, %arg3: memref<2x2500x128xi32, #tpu.memory_space<hbm>>, %arg4: memref<2x10240x64xf32, #tpu.memory_space<hbm>>, %arg5: memref<2x10240xf32, #tpu.memory_space<hbm>>, %arg6: memref<79x128xi32, #tpu.memory_space<vmem>>, %arg7: memref<79x128xi32, #tpu.memory_space<vmem>>, %arg8: memref<128x64xf32, #tpu.memory_space<vmem>>, %arg9: memref<128x64xf32, #tpu.memory_space<vmem>>, %arg10: memref<128x64xf32, #tpu.memory_space<vmem>>, %arg11: memref<128x64xf32, #tpu.memory_space<vmem>>, %arg12: memref<128x64xf32, #tpu.memory_space<vmem>>, %arg13: memref<128x64xf32, #tpu.memory_space<vmem>>, %arg14: memref<128x64xf32, #tpu.memory_space<vmem>>, %arg15: memref<10240x64xf32, #tpu.memory_space<vmem_shared>>, %arg16: memref<!tpu.dma_semaphore, #tpu.memory_space<semaphore_mem>>, %arg17: memref<!tpu.dma_semaphore, #tpu.memory_space<semaphore_mem>>, %arg18: memref<128xf32, #tpu.memory_space<vmem>>, %arg19: memref<640xf32, #tpu.memory_space<vmem>>, %arg20: memref<10240xf32, #tpu.memory_space<vmem_shared>>) attributes {dimension_semantics = [#tpu.dimension_semantics<core_parallel>, #tpu.dimension_semantics<subcore_parallel>], iteration_bounds = array<i64: 2, 16>, scalar_prefetch = 0 : i64, scratch_operands = 15 : i64, tpu.core_type = #tpu.core_type<sc_vector_subcore>, window_params = [{transform_indices = #map}, {transform_indices = #map1}, {transform_indices = #map1}, {transform_indices = #map}]} {
    %mul3A = arith.constant 2 : i32
    %mul3A_0 = arith.muli %arg1, %mul3A : i32
    %add3A = arith.addi %mul3A_0, %arg0 : i32
    %mul3A_1 = arith.constant 78 : i32
    %mul3A_2 = arith.muli %mul3A_1, %add3A : i32
    %min3A = arith.constant 4 : i32
    %min3A_3 = arith.minsi %add3A, %min3A : i32
    %add3A_4 = arith.addi %mul3A_2, %min3A_3 : i32
    %lt3A = arith.constant 4 : i32
    %lt3A_5 = arith.cmpi slt, %add3A, %lt3A : i32
    %broadcast_in_dim3A = arith.constant 0.000000e+00 : f32
    %broadcast_in_dim3A_6 = vector.broadcast %broadcast_in_dim3A : f32 to vector<16xf32>
    %scan3A = arith.constant 0 : i32
    %scan3A_7 = arith.constant 128 : i32
    %scan3A_8 = arith.addi %scan3A, %scan3A_7 : i32
    %scan3A_9 = arith.constant 1 : i32
    scf.for %scan3A_239 = %scan3A to %scan3A_8 step %scan3A_9  : i32 {
      %swap3A_240 = arith.index_cast %scan3A_239 : i32 to index
      %swap3A_241 = arith.constant 0 : index
      %swap3A_242 = tpu.vector_load %arg14[%swap3A_240, %swap3A_241] {strides = array<i32>} : memref<128x64xf32, #tpu.memory_space<vmem>>, vector<1x16xf32>,
      %swap3A_243 = vector.shape_cast %swap3A_242 : vector<1x16xf32> to vector<16xf32>
      %swap3A_244 = vector.shape_cast %broadcast_in_dim3A_6 : vector<16xf32> to vector<1x16xf32>
      tpu.vector_store %arg14[%swap3A_240, %swap3A_241], %swap3A_244 {strides = array<i32>} : memref<128x64xf32, #tpu.memory_space<vmem>>, vector<1x16xf32>,
      %swap3A_245 = arith.index_cast %scan3A_239 : i32 to index
      %swap3A_246 = arith.constant 16 : index
      %swap3A_247 = tpu.vector_load %arg14[%swap3A_245, %swap3A_246] {strides = array<i32>} : memref<128x64xf32, #tpu.memory_space<vmem>>, vector<1x16xf32>,
      %swap3A_248 = vector.shape_cast %swap3A_247 : vector<1x16xf32> to vector<16xf32>
      %swap3A_249 = vector.shape_cast %broadcast_in_dim3A_6 : vector<16xf32> to vector<1x16xf32>
      tpu.vector_store %arg14[%swap3A_245, %swap3A_246], %swap3A_249 {strides = array<i32>} : memref<128x64xf32, #tpu.memory_space<vmem>>, vector<1x16xf32>,
      %swap3A_250 = arith.index_cast %scan3A_239 : i32 to index
      %swap3A_251 = arith.constant 32 : index
      %swap3A_252 = tpu.vector_load %arg14[%swap3A_250, %swap3A_251] {strides = array<i32>} : memref<128x64xf32, #tpu.memory_space<vmem>>, vector<1x16xf32>,
      %swap3A_253 = vector.shape_cast %swap3A_252 : vector<1x16xf32> to vector<16xf32>
      %swap3A_254 = vector.shape_cast %broadcast_in_dim3A_6 : vector<16xf32> to vector<1x16xf32>
      tpu.vector_store %arg14[%swap3A_250, %swap3A_251], %swap3A_254 {strides = array<i32>} : memref<128x64xf32, #tpu.memory_space<vmem>>, vector<1x16xf32>,
      %swap3A_255 = arith.index_cast %scan3A_239 : i32 to index
      %swap3A_256 = arith.constant 48 : index
      %swap3A_257 = tpu.vector_load %arg14[%swap3A_255, %swap3A_256] {strides = array<i32>} : memref<128x64xf32, #tpu.memory_space<vmem>>, vector<1x16xf32>,
      %swap3A_258 = vector.shape_cast %swap3A_257 : vector<1x16xf32> to vector<16xf32>
      %swap3A_259 = vector.shape_cast %broadcast_in_dim3A_6 : vector<16xf32> to vector<1x16xf32>
      tpu.vector_store %arg14[%swap3A_255, %swap3A_256], %swap3A_259 {strides = array<i32>} : memref<128x64xf32, #tpu.memory_space<vmem>>, vector<1x16xf32>,
    }
    %scan3A_10 = arith.constant 128 : i32
    %broadcast_in_dim3A_11 = arith.constant 1.000000e+00 : f32
    %broadcast_in_dim3A_12 = vector.broadcast %broadcast_in_dim3A_11 : f32 to vector<16xf32>
    %swap3A = arith.constant 0 : index
    %swap3A_13 = tpu.vector_load %arg18[%swap3A] {strides = array<i32>} : memref<128xf32, #tpu.memory_space<vmem>>, vector<16xf32>,
    %swap3A_14 = vector.shape_cast %swap3A_13 : vector<16xf32> to vector<16xf32>
    %swap3A_15 = vector.shape_cast %broadcast_in_dim3A_12 : vector<16xf32> to vector<16xf32>
    tpu.vector_store %arg18[%swap3A], %swap3A_15 {strides = array<i32>} : memref<128xf32, #tpu.memory_space<vmem>>, vector<16xf32>,
    %swap3A_16 = arith.constant 16 : index
    %swap3A_17 = tpu.vector_load %arg18[%swap3A_16] {strides = array<i32>} : memref<128xf32, #tpu.memory_space<vmem>>, vector<16xf32>,
    %swap3A_18 = vector.shape_cast %swap3A_17 : vector<16xf32> to vector<16xf32>
    %swap3A_19 = vector.shape_cast %broadcast_in_dim3A_12 : vector<16xf32> to vector<16xf32>
    tpu.vector_store %arg18[%swap3A_16], %swap3A_19 {strides = array<i32>} : memref<128xf32, #tpu.memory_space<vmem>>, vector<16xf32>,
    %swap3A_20 = arith.constant 32 : index
    %swap3A_21 = tpu.vector_load %arg18[%swap3A_20] {strides = array<i32>} : memref<128xf32, #tpu.memory_space<vmem>>, vector<16xf32>,
    %swap3A_22 = vector.shape_cast %swap3A_21 : vector<16xf32> to vector<16xf32>
    %swap3A_23 = vector.shape_cast %broadcast_in_dim3A_12 : vector<16xf32> to vector<16xf32>
    tpu.vector_store %arg18[%swap3A_20], %swap3A_23 {strides = array<i32>} : memref<128xf32, #tpu.memory_space<vmem>>, vector<16xf32>,
    %swap3A_24 = arith.constant 48 : index
    %swap3A_25 = tpu.vector_load %arg18[%swap3A_24] {strides = array<i32>} : memref<128xf32, #tpu.memory_space<vmem>>, vector<16xf32>,
    %swap3A_26 = vector.shape_cast %swap3A_25 : vector<16xf32> to vector<16xf32>
    %swap3A_27 = vector.shape_cast %broadcast_in_dim3A_12 : vector<16xf32> to vector<16xf32>
    tpu.vector_store %arg18[%swap3A_24], %swap3A_27 {strides = array<i32>} : memref<128xf32, #tpu.memory_space<vmem>>, vector<16xf32>,
    %swap3A_28 = arith.constant 64 : index
    %swap3A_29 = tpu.vector_load %arg18[%swap3A_28] {strides = array<i32>} : memref<128xf32, #tpu.memory_space<vmem>>, vector<16xf32>,
    %swap3A_30 = vector.shape_cast %swap3A_29 : vector<16xf32> to vector<16xf32>
    %swap3A_31 = vector.shape_cast %broadcast_in_dim3A_12 : vector<16xf32> to vector<16xf32>
    tpu.vector_store %arg18[%swap3A_28], %swap3A_31 {strides = array<i32>} : memref<128xf32, #tpu.memory_space<vmem>>, vector<16xf32>,
    %swap3A_32 = arith.constant 80 : index
    %swap3A_33 = tpu.vector_load %arg18[%swap3A_32] {strides = array<i32>} : memref<128xf32, #tpu.memory_space<vmem>>, vector<16xf32>,
    %swap3A_34 = vector.shape_cast %swap3A_33 : vector<16xf32> to vector<16xf32>
    %swap3A_35 = vector.shape_cast %broadcast_in_dim3A_12 : vector<16xf32> to vector<16xf32>
    tpu.vector_store %arg18[%swap3A_32], %swap3A_35 {strides = array<i32>} : memref<128xf32, #tpu.memory_space<vmem>>, vector<16xf32>,
    %swap3A_36 = arith.constant 96 : index
    %swap3A_37 = tpu.vector_load %arg18[%swap3A_36] {strides = array<i32>} : memref<128xf32, #tpu.memory_space<vmem>>, vector<16xf32>,
    %swap3A_38 = vector.shape_cast %swap3A_37 : vector<16xf32> to vector<16xf32>
    %swap3A_39 = vector.shape_cast %broadcast_in_dim3A_12 : vector<16xf32> to vector<16xf32>
    tpu.vector_store %arg18[%swap3A_36], %swap3A_39 {strides = array<i32>} : memref<128xf32, #tpu.memory_space<vmem>>, vector<16xf32>,
    %swap3A_40 = arith.constant 112 : index
    %swap3A_41 = tpu.vector_load %arg18[%swap3A_40] {strides = array<i32>} : memref<128xf32, #tpu.memory_space<vmem>>, vector<16xf32>,
    %swap3A_42 = vector.shape_cast %swap3A_41 : vector<16xf32> to vector<16xf32>
    %swap3A_43 = vector.shape_cast %broadcast_in_dim3A_12 : vector<16xf32> to vector<16xf32>
    tpu.vector_store %arg18[%swap3A_40], %swap3A_43 {strides = array<i32>} : memref<128xf32, #tpu.memory_space<vmem>>, vector<16xf32>,
    %swap3A_44 = arith.constant 0 : index
    %swap3A_45 = tpu.vector_load %arg19[%swap3A_44] {strides = array<i32>} : memref<640xf32, #tpu.memory_space<vmem>>, vector<16xf32>,
    %swap3A_46 = vector.shape_cast %swap3A_45 : vector<16xf32> to vector<16xf32>
    %swap3A_47 = vector.shape_cast %broadcast_in_dim3A_6 : vector<16xf32> to vector<16xf32>
    tpu.vector_store %arg19[%swap3A_44], %swap3A_47 {strides = array<i32>} : memref<640xf32, #tpu.memory_space<vmem>>, vector<16xf32>,
    %swap3A_48 = arith.constant 16 : index
    %swap3A_49 = tpu.vector_load %arg19[%swap3A_48] {strides = array<i32>} : memref<640xf32, #tpu.memory_space<vmem>>, vector<16xf32>,
    %swap3A_50 = vector.shape_cast %swap3A_49 : vector<16xf32> to vector<16xf32>
    %swap3A_51 = vector.shape_cast %broadcast_in_dim3A_6 : vector<16xf32> to vector<16xf32>
    tpu.vector_store %arg19[%swap3A_48], %swap3A_51 {strides = array<i32>} : memref<640xf32, #tpu.memory_space<vmem>>, vector<16xf32>,
    %swap3A_52 = arith.constant 32 : index
    %swap3A_53 = tpu.vector_load %arg19[%swap3A_52] {strides = array<i32>} : memref<640xf32, #tpu.memory_space<vmem>>, vector<16xf32>,
    %swap3A_54 = vector.shape_cast %swap3A_53 : vector<16xf32> to vector<16xf32>
    %swap3A_55 = vector.shape_cast %broadcast_in_dim3A_6 : vector<16xf32> to vector<16xf32>
    tpu.vector_store %arg19[%swap3A_52], %swap3A_55 {strides = array<i32>} : memref<640xf32, #tpu.memory_space<vmem>>, vector<16xf32>,
    %swap3A_56 = arith.constant 48 : index
    %swap3A_57 = tpu.vector_load %arg19[%swap3A_56] {strides = array<i32>} : memref<640xf32, #tpu.memory_space<vmem>>, vector<16xf32>,
    %swap3A_58 = vector.shape_cast %swap3A_57 : vector<16xf32> to vector<16xf32>
    %swap3A_59 = vector.shape_cast %broadcast_in_dim3A_6 : vector<16xf32> to vector<16xf32>
    tpu.vector_store %arg19[%swap3A_56], %swap3A_59 {strides = array<i32>} : memref<640xf32, #tpu.memory_space<vmem>>, vector<16xf32>,
    %swap3A_60 = arith.constant 64 : index
    %swap3A_61 = tpu.vector_load %arg19[%swap3A_60] {strides = array<i32>} : memref<640xf32, #tpu.memory_space<vmem>>, vector<16xf32>,
    %swap3A_62 = vector.shape_cast %swap3A_61 : vector<16xf32> to vector<16xf32>
    %swap3A_63 = vector.shape_cast %broadcast_in_dim3A_6 : vector<16xf32> to vector<16xf32>
    tpu.vector_store %arg19[%swap3A_60], %swap3A_63 {strides = array<i32>} : memref<640xf32, #tpu.memory_space<vmem>>, vector<16xf32>,
    %swap3A_64 = arith.constant 80 : index
    %swap3A_65 = tpu.vector_load %arg19[%swap3A_64] {strides = array<i32>} : memref<640xf32, #tpu.memory_space<vmem>>, vector<16xf32>,
    %swap3A_66 = vector.shape_cast %swap3A_65 : vector<16xf32> to vector<16xf32>
    %swap3A_67 = vector.shape_cast %broadcast_in_dim3A_6 : vector<16xf32> to vector<16xf32>
    tpu.vector_store %arg19[%swap3A_64], %swap3A_67 {strides = array<i32>} : memref<640xf32, #tpu.memory_space<vmem>>, vector<16xf32>,
    %swap3A_68 = arith.constant 96 : index
    %swap3A_69 = tpu.vector_load %arg19[%swap3A_68] {strides = array<i32>} : memref<640xf32, #tpu.memory_space<vmem>>, vector<16xf32>,
    %swap3A_70 = vector.shape_cast %swap3A_69 : vector<16xf32> to vector<16xf32>
    %swap3A_71 = vector.shape_cast %broadcast_in_dim3A_6 : vector<16xf32> to vector<16xf32>
    tpu.vector_store %arg19[%swap3A_68], %swap3A_71 {strides = array<i32>} : memref<640xf32, #tpu.memory_space<vmem>>, vector<16xf32>,
    %swap3A_72 = arith.constant 112 : index
    %swap3A_73 = tpu.vector_load %arg19[%swap3A_72] {strides = array<i32>} : memref<640xf32, #tpu.memory_space<vmem>>, vector<16xf32>,
    %swap3A_74 = vector.shape_cast %swap3A_73 : vector<16xf32> to vector<16xf32>
    %swap3A_75 = vector.shape_cast %broadcast_in_dim3A_6 : vector<16xf32> to vector<16xf32>
    tpu.vector_store %arg19[%swap3A_72], %swap3A_75 {strides = array<i32>} : memref<640xf32, #tpu.memory_space<vmem>>, vector<16xf32>,
    %swap3A_76 = arith.constant 128 : index
    %swap3A_77 = tpu.vector_load %arg19[%swap3A_76] {strides = array<i32>} : memref<640xf32, #tpu.memory_space<vmem>>, vector<16xf32>,
    %swap3A_78 = vector.shape_cast %swap3A_77 : vector<16xf32> to vector<16xf32>
    %swap3A_79 = vector.shape_cast %broadcast_in_dim3A_6 : vector<16xf32> to vector<16xf32>
    tpu.vector_store %arg19[%swap3A_76], %swap3A_79 {strides = array<i32>} : memref<640xf32, #tpu.memory_space<vmem>>, vector<16xf32>,
    %swap3A_80 = arith.constant 144 : index
    %swap3A_81 = tpu.vector_load %arg19[%swap3A_80] {strides = array<i32>} : memref<640xf32, #tpu.memory_space<vmem>>, vector<16xf32>,
    %swap3A_82 = vector.shape_cast %swap3A_81 : vector<16xf32> to vector<16xf32>
    %swap3A_83 = vector.shape_cast %broadcast_in_dim3A_6 : vector<16xf32> to vector<16xf32>
    tpu.vector_store %arg19[%swap3A_80], %swap3A_83 {strides = array<i32>} : memref<640xf32, #tpu.memory_space<vmem>>, vector<16xf32>,
    %swap3A_84 = arith.constant 160 : index
    %swap3A_85 = tpu.vector_load %arg19[%swap3A_84] {strides = array<i32>} : memref<640xf32, #tpu.memory_space<vmem>>, vector<16xf32>,
    %swap3A_86 = vector.shape_cast %swap3A_85 : vector<16xf32> to vector<16xf32>
    %swap3A_87 = vector.shape_cast %broadcast_in_dim3A_6 : vector<16xf32> to vector<16xf32>
    tpu.vector_store %arg19[%swap3A_84], %swap3A_87 {strides = array<i32>} : memref<640xf32, #tpu.memory_space<vmem>>, vector<16xf32>,
    %swap3A_88 = arith.constant 176 : index
    %swap3A_89 = tpu.vector_load %arg19[%swap3A_88] {strides = array<i32>} : memref<640xf32, #tpu.memory_space<vmem>>, vector<16xf32>,
    %swap3A_90 = vector.shape_cast %swap3A_89 : vector<16xf32> to vector<16xf32>
    %swap3A_91 = vector.shape_cast %broadcast_in_dim3A_6 : vector<16xf32> to vector<16xf32>
    tpu.vector_store %arg19[%swap3A_88], %swap3A_91 {strides = array<i32>} : memref<640xf32, #tpu.memory_space<vmem>>, vector<16xf32>,
    %swap3A_92 = arith.constant 192 : index
    %swap3A_93 = tpu.vector_load %arg19[%swap3A_92] {strides = array<i32>} : memref<640xf32, #tpu.memory_space<vmem>>, vector<16xf32>,
    %swap3A_94 = vector.shape_cast %swap3A_93 : vector<16xf32> to vector<16xf32>
    %swap3A_95 = vector.shape_cast %broadcast_in_dim3A_6 : vector<16xf32> to vector<16xf32>
    tpu.vector_store %arg19[%swap3A_92], %swap3A_95 {strides = array<i32>} : memref<640xf32, #tpu.memory_space<vmem>>, vector<16xf32>,
    %swap3A_96 = arith.constant 208 : index
    %swap3A_97 = tpu.vector_load %arg19[%swap3A_96] {strides = array<i32>} : memref<640xf32, #tpu.memory_space<vmem>>, vector<16xf32>,
    %swap3A_98 = vector.shape_cast %swap3A_97 : vector<16xf32> to vector<16xf32>
    %swap3A_99 = vector.shape_cast %broadcast_in_dim3A_6 : vector<16xf32> to vector<16xf32>
    tpu.vector_store %arg19[%swap3A_96], %swap3A_99 {strides = array<i32>} : memref<640xf32, #tpu.memory_space<vmem>>, vector<16xf32>,
    %swap3A_100 = arith.constant 224 : index
    %swap3A_101 = tpu.vector_load %arg19[%swap3A_100] {strides = array<i32>} : memref<640xf32, #tpu.memory_space<vmem>>, vector<16xf32>,
    %swap3A_102 = vector.shape_cast %swap3A_101 : vector<16xf32> to vector<16xf32>
    %swap3A_103 = vector.shape_cast %broadcast_in_dim3A_6 : vector<16xf32> to vector<16xf32>
    tpu.vector_store %arg19[%swap3A_100], %swap3A_103 {strides = array<i32>} : memref<640xf32, #tpu.memory_space<vmem>>, vector<16xf32>,
    %swap3A_104 = arith.constant 240 : index
    %swap3A_105 = tpu.vector_load %arg19[%swap3A_104] {strides = array<i32>} : memref<640xf32, #tpu.memory_space<vmem>>, vector<16xf32>,
    %swap3A_106 = vector.shape_cast %swap3A_105 : vector<16xf32> to vector<16xf32>
    %swap3A_107 = vector.shape_cast %broadcast_in_dim3A_6 : vector<16xf32> to vector<16xf32>
    tpu.vector_store %arg19[%swap3A_104], %swap3A_107 {strides = array<i32>} : memref<640xf32, #tpu.memory_space<vmem>>, vector<16xf32>,
    %swap3A_108 = arith.constant 256 : index
    %swap3A_109 = tpu.vector_load %arg19[%swap3A_108] {strides = array<i32>} : memref<640xf32, #tpu.memory_space<vmem>>, vector<16xf32>,
    %swap3A_110 = vector.shape_cast %swap3A_109 : vector<16xf32> to vector<16xf32>
    %swap3A_111 = vector.shape_cast %broadcast_in_dim3A_6 : vector<16xf32> to vector<16xf32>
    tpu.vector_store %arg19[%swap3A_108], %swap3A_111 {strides = array<i32>} : memref<640xf32, #tpu.memory_space<vmem>>, vector<16xf32>,
    %swap3A_112 = arith.constant 272 : index
    %swap3A_113 = tpu.vector_load %arg19[%swap3A_112] {strides = array<i32>} : memref<640xf32, #tpu.memory_space<vmem>>, vector<16xf32>,
    %swap3A_114 = vector.shape_cast %swap3A_113 : vector<16xf32> to vector<16xf32>
    %swap3A_115 = vector.shape_cast %broadcast_in_dim3A_6 : vector<16xf32> to vector<16xf32>
    tpu.vector_store %arg19[%swap3A_112], %swap3A_115 {strides = array<i32>} : memref<640xf32, #tpu.memory_space<vmem>>, vector<16xf32>,
    %swap3A_116 = arith.constant 288 : index
    %swap3A_117 = tpu.vector_load %arg19[%swap3A_116] {strides = array<i32>} : memref<640xf32, #tpu.memory_space<vmem>>, vector<16xf32>,
    %swap3A_118 = vector.shape_cast %swap3A_117 : vector<16xf32> to vector<16xf32>
    %swap3A_119 = vector.shape_cast %broadcast_in_dim3A_6 : vector<16xf32> to vector<16xf32>
    tpu.vector_store %arg19[%swap3A_116], %swap3A_119 {strides = array<i32>} : memref<640xf32, #tpu.memory_space<vmem>>, vector<16xf32>,
    %swap3A_120 = arith.constant 304 : index
    %swap3A_121 = tpu.vector_load %arg19[%swap3A_120] {strides = array<i32>} : memref<640xf32, #tpu.memory_space<vmem>>, vector<16xf32>,
    %swap3A_122 = vector.shape_cast %swap3A_121 : vector<16xf32> to vector<16xf32>
    %swap3A_123 = vector.shape_cast %broadcast_in_dim3A_6 : vector<16xf32> to vector<16xf32>
    tpu.vector_store %arg19[%swap3A_120], %swap3A_123 {strides = array<i32>} : memref<640xf32, #tpu.memory_space<vmem>>, vector<16xf32>,
    %swap3A_124 = arith.constant 320 : index
    %swap3A_125 = tpu.vector_load %arg19[%swap3A_124] {strides = array<i32>} : memref<640xf32, #tpu.memory_space<vmem>>, vector<16xf32>,
    %swap3A_126 = vector.shape_cast %swap3A_125 : vector<16xf32> to vector<16xf32>
    %swap3A_127 = vector.shape_cast %broadcast_in_dim3A_6 : vector<16xf32> to vector<16xf32>
    tpu.vector_store %arg19[%swap3A_124], %swap3A_127 {strides = array<i32>} : memref<640xf32, #tpu.memory_space<vmem>>, vector<16xf32>,
    %swap3A_128 = arith.constant 336 : index
    %swap3A_129 = tpu.vector_load %arg19[%swap3A_128] {strides = array<i32>} : memref<640xf32, #tpu.memory_space<vmem>>, vector<16xf32>,
    %swap3A_130 = vector.shape_cast %swap3A_129 : vector<16xf32> to vector<16xf32>
    %swap3A_131 = vector.shape_cast %broadcast_in_dim3A_6 : vector<16xf32> to vector<16xf32>
    tpu.vector_store %arg19[%swap3A_128], %swap3A_131 {strides = array<i32>} : memref<640xf32, #tpu.memory_space<vmem>>, vector<16xf32>,
    %swap3A_132 = arith.constant 352 : index
    %swap3A_133 = tpu.vector_load %arg19[%swap3A_132] {strides = array<i32>} : memref<640xf32, #tpu.memory_space<vmem>>, vector<16xf32>,
    %swap3A_134 = vector.shape_cast %swap3A_133 : vector<16xf32> to vector<16xf32>
    %swap3A_135 = vector.shape_cast %broadcast_in_dim3A_6 : vector<16xf32> to vector<16xf32>
    tpu.vector_store %arg19[%swap3A_132], %swap3A_135 {strides = array<i32>} : memref<640xf32, #tpu.memory_space<vmem>>, vector<16xf32>,
    %swap3A_136 = arith.constant 368 : index
    %swap3A_137 = tpu.vector_load %arg19[%swap3A_136] {strides = array<i32>} : memref<640xf32, #tpu.memory_space<vmem>>, vector<16xf32>,
    %swap3A_138 = vector.shape_cast %swap3A_137 : vector<16xf32> to vector<16xf32>
    %swap3A_139 = vector.shape_cast %broadcast_in_dim3A_6 : vector<16xf32> to vector<16xf32>
    tpu.vector_store %arg19[%swap3A_136], %swap3A_139 {strides = array<i32>} : memref<640xf32, #tpu.memory_space<vmem>>, vector<16xf32>,
    %swap3A_140 = arith.constant 384 : index
    %swap3A_141 = tpu.vector_load %arg19[%swap3A_140] {strides = array<i32>} : memref<640xf32, #tpu.memory_space<vmem>>, vector<16xf32>,
    %swap3A_142 = vector.shape_cast %swap3A_141 : vector<16xf32> to vector<16xf32>
    %swap3A_143 = vector.shape_cast %broadcast_in_dim3A_6 : vector<16xf32> to vector<16xf32>
    tpu.vector_store %arg19[%swap3A_140], %swap3A_143 {strides = array<i32>} : memref<640xf32, #tpu.memory_space<vmem>>, vector<16xf32>,
    %swap3A_144 = arith.constant 400 : index
    %swap3A_145 = tpu.vector_load %arg19[%swap3A_144] {strides = array<i32>} : memref<640xf32, #tpu.memory_space<vmem>>, vector<16xf32>,
    %swap3A_146 = vector.shape_cast %swap3A_145 : vector<16xf32> to vector<16xf32>
    %swap3A_147 = vector.shape_cast %broadcast_in_dim3A_6 : vector<16xf32> to vector<16xf32>
    tpu.vector_store %arg19[%swap3A_144], %swap3A_147 {strides = array<i32>} : memref<640xf32, #tpu.memory_space<vmem>>, vector<16xf32>,
    %swap3A_148 = arith.constant 416 : index
    %swap3A_149 = tpu.vector_load %arg19[%swap3A_148] {strides = array<i32>} : memref<640xf32, #tpu.memory_space<vmem>>, vector<16xf32>,
    %swap3A_150 = vector.shape_cast %swap3A_149 : vector<16xf32> to vector<16xf32>
    %swap3A_151 = vector.shape_cast %broadcast_in_dim3A_6 : vector<16xf32> to vector<16xf32>
    tpu.vector_store %arg19[%swap3A_148], %swap3A_151 {strides = array<i32>} : memref<640xf32, #tpu.memory_space<vmem>>, vector<16xf32>,
    %swap3A_152 = arith.constant 432 : index
    %swap3A_153 = tpu.vector_load %arg19[%swap3A_152] {strides = array<i32>} : memref<640xf32, #tpu.memory_space<vmem>>, vector<16xf32>,
    %swap3A_154 = vector.shape_cast %swap3A_153 : vector<16xf32> to vector<16xf32>
    %swap3A_155 = vector.shape_cast %broadcast_in_dim3A_6 : vector<16xf32> to vector<16xf32>
    tpu.vector_store %arg19[%swap3A_152], %swap3A_155 {strides = array<i32>} : memref<640xf32, #tpu.memory_space<vmem>>, vector<16xf32>,
    %swap3A_156 = arith.constant 448 : index
    %swap3A_157 = tpu.vector_load %arg19[%swap3A_156] {strides = array<i32>} : memref<640xf32, #tpu.memory_space<vmem>>, vector<16xf32>,
    %swap3A_158 = vector.shape_cast %swap3A_157 : vector<16xf32> to vector<16xf32>
    %swap3A_159 = vector.shape_cast %broadcast_in_dim3A_6 : vector<16xf32> to vector<16xf32>
    tpu.vector_store %arg19[%swap3A_156], %swap3A_159 {strides = array<i32>} : memref<640xf32, #tpu.memory_space<vmem>>, vector<16xf32>,
    %swap3A_160 = arith.constant 464 : index
    %swap3A_161 = tpu.vector_load %arg19[%swap3A_160] {strides = array<i32>} : memref<640xf32, #tpu.memory_space<vmem>>, vector<16xf32>,
    %swap3A_162 = vector.shape_cast %swap3A_161 : vector<16xf32> to vector<16xf32>
    %swap3A_163 = vector.shape_cast %broadcast_in_dim3A_6 : vector<16xf32> to vector<16xf32>
    tpu.vector_store %arg19[%swap3A_160], %swap3A_163 {strides = array<i32>} : memref<640xf32, #tpu.memory_space<vmem>>, vector<16xf32>,
    %swap3A_164 = arith.constant 480 : index
    %swap3A_165 = tpu.vector_load %arg19[%swap3A_164] {strides = array<i32>} : memref<640xf32, #tpu.memory_space<vmem>>, vector<16xf32>,
    %swap3A_166 = vector.shape_cast %swap3A_165 : vector<16xf32> to vector<16xf32>
    %swap3A_167 = vector.shape_cast %broadcast_in_dim3A_6 : vector<16xf32> to vector<16xf32>
    tpu.vector_store %arg19[%swap3A_164], %swap3A_167 {strides = array<i32>} : memref<640xf32, #tpu.memory_space<vmem>>, vector<16xf32>,
    %swap3A_168 = arith.constant 496 : index
    %swap3A_169 = tpu.vector_load %arg19[%swap3A_168] {strides = array<i32>} : memref<640xf32, #tpu.memory_space<vmem>>, vector<16xf32>,
    %swap3A_170 = vector.shape_cast %swap3A_169 : vector<16xf32> to vector<16xf32>
    %swap3A_171 = vector.shape_cast %broadcast_in_dim3A_6 : vector<16xf32> to vector<16xf32>
    tpu.vector_store %arg19[%swap3A_168], %swap3A_171 {strides = array<i32>} : memref<640xf32, #tpu.memory_space<vmem>>, vector<16xf32>,
    %swap3A_172 = arith.constant 512 : index
    %swap3A_173 = tpu.vector_load %arg19[%swap3A_172] {strides = array<i32>} : memref<640xf32, #tpu.memory_space<vmem>>, vector<16xf32>,
    %swap3A_174 = vector.shape_cast %swap3A_173 : vector<16xf32> to vector<16xf32>
    %swap3A_175 = vector.shape_cast %broadcast_in_dim3A_6 : vector<16xf32> to vector<16xf32>
    tpu.vector_store %arg19[%swap3A_172], %swap3A_175 {strides = array<i32>} : memref<640xf32, #tpu.memory_space<vmem>>, vector<16xf32>,
    %swap3A_176 = arith.constant 528 : index
    %swap3A_177 = tpu.vector_load %arg19[%swap3A_176] {strides = array<i32>} : memref<640xf32, #tpu.memory_space<vmem>>, vector<16xf32>,
    %swap3A_178 = vector.shape_cast %swap3A_177 : vector<16xf32> to vector<16xf32>
    %swap3A_179 = vector.shape_cast %broadcast_in_dim3A_6 : vector<16xf32> to vector<16xf32>
    tpu.vector_store %arg19[%swap3A_176], %swap3A_179 {strides = array<i32>} : memref<640xf32, #tpu.memory_space<vmem>>, vector<16xf32>,
    %swap3A_180 = arith.constant 544 : index
    %swap3A_181 = tpu.vector_load %arg19[%swap3A_180] {strides = array<i32>} : memref<640xf32, #tpu.memory_space<vmem>>, vector<16xf32>,
    %swap3A_182 = vector.shape_cast %swap3A_181 : vector<16xf32> to vector<16xf32>
    %swap3A_183 = vector.shape_cast %broadcast_in_dim3A_6 : vector<16xf32> to vector<16xf32>
    tpu.vector_store %arg19[%swap3A_180], %swap3A_183 {strides = array<i32>} : memref<640xf32, #tpu.memory_space<vmem>>, vector<16xf32>,
    %swap3A_184 = arith.constant 560 : index
    %swap3A_185 = tpu.vector_load %arg19[%swap3A_184] {strides = array<i32>} : memref<640xf32, #tpu.memory_space<vmem>>, vector<16xf32>,
    %swap3A_186 = vector.shape_cast %swap3A_185 : vector<16xf32> to vector<16xf32>
    %swap3A_187 = vector.shape_cast %broadcast_in_dim3A_6 : vector<16xf32> to vector<16xf32>
    tpu.vector_store %arg19[%swap3A_184], %swap3A_187 {strides = array<i32>} : memref<640xf32, #tpu.memory_space<vmem>>, vector<16xf32>,
    %swap3A_188 = arith.constant 576 : index
    %swap3A_189 = tpu.vector_load %arg19[%swap3A_188] {strides = array<i32>} : memref<640xf32, #tpu.memory_space<vmem>>, vector<16xf32>,
    %swap3A_190 = vector.shape_cast %swap3A_189 : vector<16xf32> to vector<16xf32>
    %swap3A_191 = vector.shape_cast %broadcast_in_dim3A_6 : vector<16xf32> to vector<16xf32>
    tpu.vector_store %arg19[%swap3A_188], %swap3A_191 {strides = array<i32>} : memref<640xf32, #tpu.memory_space<vmem>>, vector<16xf32>,
    %swap3A_192 = arith.constant 592 : index
    %swap3A_193 = tpu.vector_load %arg19[%swap3A_192] {strides = array<i32>} : memref<640xf32, #tpu.memory_space<vmem>>, vector<16xf32>,
    %swap3A_194 = vector.shape_cast %swap3A_193 : vector<16xf32> to vector<16xf32>
    %swap3A_195 = vector.shape_cast %broadcast_in_dim3A_6 : vector<16xf32> to vector<16xf32>
    tpu.vector_store %arg19[%swap3A_192], %swap3A_195 {strides = array<i32>} : memref<640xf32, #tpu.memory_space<vmem>>, vector<16xf32>,
    %swap3A_196 = arith.constant 608 : index
    %swap3A_197 = tpu.vector_load %arg19[%swap3A_196] {strides = array<i32>} : memref<640xf32, #tpu.memory_space<vmem>>, vector<16xf32>,
    %swap3A_198 = vector.shape_cast %swap3A_197 : vector<16xf32> to vector<16xf32>
    %swap3A_199 = vector.shape_cast %broadcast_in_dim3A_6 : vector<16xf32> to vector<16xf32>
    tpu.vector_store %arg19[%swap3A_196], %swap3A_199 {strides = array<i32>} : memref<640xf32, #tpu.memory_space<vmem>>, vector<16xf32>,
    %swap3A_200 = arith.constant 624 : index
    %swap3A_201 = tpu.vector_load %arg19[%swap3A_200] {strides = array<i32>} : memref<640xf32, #tpu.memory_space<vmem>>, vector<16xf32>,
    %swap3A_202 = vector.shape_cast %swap3A_201 : vector<16xf32> to vector<16xf32>
    %swap3A_203 = vector.shape_cast %broadcast_in_dim3A_6 : vector<16xf32> to vector<16xf32>
    tpu.vector_store %arg19[%swap3A_200], %swap3A_203 {strides = array<i32>} : memref<640xf32, #tpu.memory_space<vmem>>, vector<16xf32>,
    %mul3A_204 = arith.constant 640 : i32
    %mul3A_205 = arith.muli %arg1, %mul3A_204 : i32
    %add3A_206 = arith.constant 0 : i32
    %add3A_207 = arith.addi %mul3A_205, %add3A_206 : i32
    "tpu.region"() ({
      %run_scoped3A_239 = tpu.sem_alloc : memref<!tpu.dma_semaphore, #tpu.memory_space<semaphore_mem>>
      %dma_start3A = arith.constant 0 : i32
      %dma_start3A_240 = tpu.memref_slice %arg15[%add3A_207, %dma_start3A] : memref<10240x64xf32, #tpu.memory_space<vmem_shared>> -> memref<128x64xf32, #tpu.memory_space<vmem_shared>>
      %dma_start3A_241 = arith.constant 0 : i32
      %dma_start3A_242 = tpu.memref_slice %arg15[%add3A_207, %dma_start3A_241] : memref<10240x64xf32, #tpu.memory_space<vmem_shared>> -> memref<128x64xf32, #tpu.memory_space<vmem_shared>>
      tpu.enqueue_dma source(%arg14 : memref<128x64xf32, #tpu.memory_space<vmem>>) target(%dma_start3A_242 : memref<128x64xf32, #tpu.memory_space<vmem_shared>>) target_semaphore(%run_scoped3A_239 : memref<!tpu.dma_semaphore, #tpu.memory_space<semaphore_mem>>)
      %dma_wait3A = arith.constant 0 : i32
      %dma_wait3A_243 = tpu.memref_slice %arg15[%add3A_207, %dma_wait3A] : memref<10240x64xf32, #tpu.memory_space<vmem_shared>> -> memref<128x64xf32, #tpu.memory_space<vmem_shared>>
      %dma_wait3A_244 = arith.constant 0 : i32
      %dma_wait3A_245 = tpu.memref_slice %arg15[%add3A_207, %dma_wait3A_244] : memref<10240x64xf32, #tpu.memory_space<vmem_shared>> -> memref<128x64xf32, #tpu.memory_space<vmem_shared>>
      tpu.wait_dma2 semaphore(%run_scoped3A_239 : memref<!tpu.dma_semaphore, #tpu.memory_space<semaphore_mem>>) src(%arg14 : memref<128x64xf32, #tpu.memory_space<vmem>>) dst(%dma_wait3A_245 : memref<128x64xf32, #tpu.memory_space<vmem_shared>>)
      tpu.yield
    }) : () -> ()
    %mul3A_208 = arith.constant 640 : i32
    %mul3A_209 = arith.muli %arg1, %mul3A_208 : i32
    %add3A_210 = arith.constant 128 : i32
    %add3A_211 = arith.addi %mul3A_209, %add3A_210 : i32
    "tpu.region"() ({
      %run_scoped3A_239 = tpu.sem_alloc : memref<!tpu.dma_semaphore, #tpu.memory_space<semaphore_mem>>
      %dma_start3A = arith.constant 0 : i32
      %dma_start3A_240 = tpu.memref_slice %arg15[%add3A_211, %dma_start3A] : memref<10240x64xf32, #tpu.memory_space<vmem_shared>> -> memref<128x64xf32, #tpu.memory_space<vmem_shared>>
      %dma_start3A_241 = arith.constant 0 : i32
      %dma_start3A_242 = tpu.memref_slice %arg15[%add3A_211, %dma_start3A_241] : memref<10240x64xf32, #tpu.memory_space<vmem_shared>> -> memref<128x64xf32, #tpu.memory_space<vmem_shared>>
      tpu.enqueue_dma source(%arg14 : memref<128x64xf32, #tpu.memory_space<vmem>>) target(%dma_start3A_242 : memref<128x64xf32, #tpu.memory_space<vmem_shared>>) target_semaphore(%run_scoped3A_239 : memref<!tpu.dma_semaphore, #tpu.memory_space<semaphore_mem>>)
      %dma_wait3A = arith.constant 0 : i32
      %dma_wait3A_243 = tpu.memref_slice %arg15[%add3A_211, %dma_wait3A] : memref<10240x64xf32, #tpu.memory_space<vmem_shared>> -> memref<128x64xf32, #tpu.memory_space<vmem_shared>>
      %dma_wait3A_244 = arith.constant 0 : i32
      %dma_wait3A_245 = tpu.memref_slice %arg15[%add3A_211, %dma_wait3A_244] : memref<10240x64xf32, #tpu.memory_space<vmem_shared>> -> memref<128x64xf32, #tpu.memory_space<vmem_shared>>
      tpu.wait_dma2 semaphore(%run_scoped3A_239 : memref<!tpu.dma_semaphore, #tpu.memory_space<semaphore_mem>>) src(%arg14 : memref<128x64xf32, #tpu.memory_space<vmem>>) dst(%dma_wait3A_245 : memref<128x64xf32, #tpu.memory_space<vmem_shared>>)
      tpu.yield
    }) : () -> ()
    %mul3A_212 = arith.constant 640 : i32
    %mul3A_213 = arith.muli %arg1, %mul3A_212 : i32
    %add3A_214 = arith.constant 256 : i32
    %add3A_215 = arith.addi %mul3A_213, %add3A_214 : i32
    "tpu.region"() ({
      %run_scoped3A_239 = tpu.sem_alloc : memref<!tpu.dma_semaphore, #tpu.memory_space<semaphore_mem>>
      %dma_start3A = arith.constant 0 : i32
      %dma_start3A_240 = tpu.memref_slice %arg15[%add3A_215, %dma_start3A] : memref<10240x64xf32, #tpu.memory_space<vmem_shared>> -> memref<128x64xf32, #tpu.memory_space<vmem_shared>>
      %dma_start3A_241 = arith.constant 0 : i32
      %dma_start3A_242 = tpu.memref_slice %arg15[%add3A_215, %dma_start3A_241] : memref<10240x64xf32, #tpu.memory_space<vmem_shared>> -> memref<128x64xf32, #tpu.memory_space<vmem_shared>>
      tpu.enqueue_dma source(%arg14 : memref<128x64xf32, #tpu.memory_space<vmem>>) target(%dma_start3A_242 : memref<128x64xf32, #tpu.memory_space<vmem_shared>>) target_semaphore(%run_scoped3A_239 : memref<!tpu.dma_semaphore, #tpu.memory_space<semaphore_mem>>)
      %dma_wait3A = arith.constant 0 : i32
      %dma_wait3A_243 = tpu.memref_slice %arg15[%add3A_215, %dma_wait3A] : memref<10240x64xf32, #tpu.memory_space<vmem_shared>> -> memref<128x64xf32, #tpu.memory_space<vmem_shared>>
      %dma_wait3A_244 = arith.constant 0 : i32
      %dma_wait3A_245 = tpu.memref_slice %arg15[%add3A_215, %dma_wait3A_244] : memref<10240x64xf32, #tpu.memory_space<vmem_shared>> -> memref<128x64xf32, #tpu.memory_space<vmem_shared>>
      tpu.wait_dma2 semaphore(%run_scoped3A_239 : memref<!tpu.dma_semaphore, #tpu.memory_space<semaphore_mem>>) src(%arg14 : memref<128x64xf32, #tpu.memory_space<vmem>>) dst(%dma_wait3A_245 : memref<128x64xf32, #tpu.memory_space<vmem_shared>>)
      tpu.yield
    }) : () -> ()
    %mul3A_216 = arith.constant 640 : i32
    %mul3A_217 = arith.muli %arg1, %mul3A_216 : i32
    %add3A_218 = arith.constant 384 : i32
    %add3A_219 = arith.addi %mul3A_217, %add3A_218 : i32
    "tpu.region"() ({
      %run_scoped3A_239 = tpu.sem_alloc : memref<!tpu.dma_semaphore, #tpu.memory_space<semaphore_mem>>
      %dma_start3A = arith.constant 0 : i32
      %dma_start3A_240 = tpu.memref_slice %arg15[%add3A_219, %dma_start3A] : memref<10240x64xf32, #tpu.memory_space<vmem_shared>> -> memref<128x64xf32, #tpu.memory_space<vmem_shared>>
      %dma_start3A_241 = arith.constant 0 : i32
      %dma_start3A_242 = tpu.memref_slice %arg15[%add3A_219, %dma_start3A_241] : memref<10240x64xf32, #tpu.memory_space<vmem_shared>> -> memref<128x64xf32, #tpu.memory_space<vmem_shared>>
      tpu.enqueue_dma source(%arg14 : memref<128x64xf32, #tpu.memory_space<vmem>>) target(%dma_start3A_242 : memref<128x64xf32, #tpu.memory_space<vmem_shared>>) target_semaphore(%run_scoped3A_239 : memref<!tpu.dma_semaphore, #tpu.memory_space<semaphore_mem>>)
      %dma_wait3A = arith.constant 0 : i32
      %dma_wait3A_243 = tpu.memref_slice %arg15[%add3A_219, %dma_wait3A] : memref<10240x64xf32, #tpu.memory_space<vmem_shared>> -> memref<128x64xf32, #tpu.memory_space<vmem_shared>>
      %dma_wait3A_244 = arith.constant 0 : i32
      %dma_wait3A_245 = tpu.memref_slice %arg15[%add3A_219, %dma_wait3A_244] : memref<10240x64xf32, #tpu.memory_space<vmem_shared>> -> memref<128x64xf32, #tpu.memory_space<vmem_shared>>
      tpu.wait_dma2 semaphore(%run_scoped3A_239 : memref<!tpu.dma_semaphore, #tpu.memory_space<semaphore_mem>>) src(%arg14 : memref<128x64xf32, #tpu.memory_space<vmem>>) dst(%dma_wait3A_245 : memref<128x64xf32, #tpu.memory_space<vmem_shared>>)
      tpu.yield
    }) : () -> ()
    %mul3A_220 = arith.constant 640 : i32
    %mul3A_221 = arith.muli %arg1, %mul3A_220 : i32
    %add3A_222 = arith.constant 512 : i32
    %add3A_223 = arith.addi %mul3A_221, %add3A_222 : i32
    "tpu.region"() ({
      %run_scoped3A_239 = tpu.sem_alloc : memref<!tpu.dma_semaphore, #tpu.memory_space<semaphore_mem>>
      %dma_start3A = arith.constant 0 : i32
      %dma_start3A_240 = tpu.memref_slice %arg15[%add3A_223, %dma_start3A] : memref<10240x64xf32, #tpu.memory_space<vmem_shared>> -> memref<128x64xf32, #tpu.memory_space<vmem_shared>>
      %dma_start3A_241 = arith.constant 0 : i32
      %dma_start3A_242 = tpu.memref_slice %arg15[%add3A_223, %dma_start3A_241] : memref<10240x64xf32, #tpu.memory_space<vmem_shared>> -> memref<128x64xf32, #tpu.memory_space<vmem_shared>>
      tpu.enqueue_dma source(%arg14 : memref<128x64xf32, #tpu.memory_space<vmem>>) target(%dma_start3A_242 : memref<128x64xf32, #tpu.memory_space<vmem_shared>>) target_semaphore(%run_scoped3A_239 : memref<!tpu.dma_semaphore, #tpu.memory_space<semaphore_mem>>)
      %dma_wait3A = arith.constant 0 : i32
      %dma_wait3A_243 = tpu.memref_slice %arg15[%add3A_223, %dma_wait3A] : memref<10240x64xf32, #tpu.memory_space<vmem_shared>> -> memref<128x64xf32, #tpu.memory_space<vmem_shared>>
      %dma_wait3A_244 = arith.constant 0 : i32
      %dma_wait3A_245 = tpu.memref_slice %arg15[%add3A_223, %dma_wait3A_244] : memref<10240x64xf32, #tpu.memory_space<vmem_shared>> -> memref<128x64xf32, #tpu.memory_space<vmem_shared>>
      tpu.wait_dma2 semaphore(%run_scoped3A_239 : memref<!tpu.dma_semaphore, #tpu.memory_space<semaphore_mem>>) src(%arg14 : memref<128x64xf32, #tpu.memory_space<vmem>>) dst(%dma_wait3A_245 : memref<128x64xf32, #tpu.memory_space<vmem_shared>>)
      tpu.yield
    }) : () -> ()
    %mul3A_224 = arith.constant 640 : i32
    %mul3A_225 = arith.muli %arg1, %mul3A_224 : i32
    "tpu.region"() ({
      %run_scoped3A_239 = tpu.sem_alloc : memref<!tpu.dma_semaphore, #tpu.memory_space<semaphore_mem>>
      %dma_start3A = tpu.memref_slice %arg20[%mul3A_225] : memref<10240xf32, #tpu.memory_space<vmem_shared>> -> memref<640xf32, #tpu.memory_space<vmem_shared>>
      %dma_start3A_240 = tpu.memref_slice %arg20[%mul3A_225] : memref<10240xf32, #tpu.memory_space<vmem_shared>> -> memref<640xf32, #tpu.memory_space<vmem_shared>>
      tpu.enqueue_dma source(%arg19 : memref<640xf32, #tpu.memory_space<vmem>>) target(%dma_start3A_240 : memref<640xf32, #tpu.memory_space<vmem_shared>>) target_semaphore(%run_scoped3A_239 : memref<!tpu.dma_semaphore, #tpu.memory_space<semaphore_mem>>)
      %dma_wait3A = tpu.memref_slice %arg20[%mul3A_225] : memref<10240xf32, #tpu.memory_space<vmem_shared>> -> memref<640xf32, #tpu.memory_space<vmem_shared>>
      %dma_wait3A_241 = tpu.memref_slice %arg20[%mul3A_225] : memref<10240xf32, #tpu.memory_space<vmem_shared>> -> memref<640xf32, #tpu.memory_space<vmem_shared>>
      tpu.wait_dma2 semaphore(%run_scoped3A_239 : memref<!tpu.dma_semaphore, #tpu.memory_space<semaphore_mem>>) src(%arg19 : memref<640xf32, #tpu.memory_space<vmem>>) dst(%dma_wait3A_241 : memref<640xf32, #tpu.memory_space<vmem_shared>>)
      tpu.yield
    }) : () -> ()
    %barrier3A = arith.constant 0 : index
    tpu.barrier barrier_id(%barrier3A)
    %run_scoped3A = arith.constant 0 : i32
    "tpu.region"() ({
      %run_scoped3A_239 = tpu.sem_alloc : memref<!tpu.dma_semaphore, #tpu.memory_space<semaphore_mem>>
      %dma_start3A = arith.constant 0 : i32
      %dma_start3A_240 = arith.constant 0 : i32
      %dma_start3A_241 = tpu.memref_slice %arg6[%dma_start3A, %dma_start3A_240] : memref<79x128xi32, #tpu.memory_space<vmem>> -> memref<78x128xi32, #tpu.memory_space<vmem>>
      %dma_start3A_242 = arith.constant 0 : i32
      %dma_start3A_243 = tpu.memref_slice %arg3[%run_scoped3A, %add3A_4, %dma_start3A_242] : memref<2x2500x128xi32, #tpu.memory_space<hbm>> -> memref<1x78x128xi32, #tpu.memory_space<hbm>>
      %dma_start3A_244 = tpu.memref_squeeze %dma_start3A_243 : memref<1x78x128xi32, #tpu.memory_space<hbm>> -> memref<78x128xi32, #tpu.memory_space<hbm>>
      %dma_start3A_245 = arith.constant 0 : i32
      %dma_start3A_246 = arith.constant 0 : i32
      %dma_start3A_247 = tpu.memref_slice %arg6[%dma_start3A_245, %dma_start3A_246] : memref<79x128xi32, #tpu.memory_space<vmem>> -> memref<78x128xi32, #tpu.memory_space<vmem>>
      %dma_start3A_248 = arith.constant 0 : i32
      %dma_start3A_249 = tpu.memref_slice %arg3[%run_scoped3A, %add3A_4, %dma_start3A_248] : memref<2x2500x128xi32, #tpu.memory_space<hbm>> -> memref<1x78x128xi32, #tpu.memory_space<hbm>>
      %dma_start3A_250 = tpu.memref_squeeze %dma_start3A_249 : memref<1x78x128xi32, #tpu.memory_space<hbm>> -> memref<78x128xi32, #tpu.memory_space<hbm>>
      tpu.enqueue_dma source(%dma_start3A_250 : memref<78x128xi32, #tpu.memory_space<hbm>>) target(%dma_start3A_247 : memref<78x128xi32, #tpu.memory_space<vmem>>) target_semaphore(%run_scoped3A_239 : memref<!tpu.dma_semaphore, #tpu.memory_space<semaphore_mem>>)
      %dma_wait3A = arith.constant 0 : i32
      %dma_wait3A_251 = arith.constant 0 : i32
      %dma_wait3A_252 = tpu.memref_slice %arg6[%dma_wait3A, %dma_wait3A_251] : memref<79x128xi32, #tpu.memory_space<vmem>> -> memref<78x128xi32, #tpu.memory_space<vmem>>
      %dma_wait3A_253 = arith.constant 0 : i32
      %dma_wait3A_254 = tpu.memref_slice %arg3[%run_scoped3A, %add3A_4, %dma_wait3A_253] : memref<2x2500x128xi32, #tpu.memory_space<hbm>> -> memref<1x78x128xi32, #tpu.memory_space<hbm>>
      %dma_wait3A_255 = tpu.memref_squeeze %dma_wait3A_254 : memref<1x78x128xi32, #tpu.memory_space<hbm>> -> memref<78x128xi32, #tpu.memory_space<hbm>>
      %dma_wait3A_256 = arith.constant 0 : i32
      %dma_wait3A_257 = arith.constant 0 : i32
      %dma_wait3A_258 = tpu.memref_slice %arg6[%dma_wait3A_256, %dma_wait3A_257] : memref<79x128xi32, #tpu.memory_space<vmem>> -> memref<78x128xi32, #tpu.memory_space<vmem>>
      %dma_wait3A_259 = arith.constant 0 : i32
      %dma_wait3A_260 = tpu.memref_slice %arg3[%run_scoped3A, %add3A_4, %dma_wait3A_259] : memref<2x2500x128xi32, #tpu.memory_space<hbm>> -> memref<1x78x128xi32, #tpu.memory_space<hbm>>
      %dma_wait3A_261 = tpu.memref_squeeze %dma_wait3A_260 : memref<1x78x128xi32, #tpu.memory_space<hbm>> -> memref<78x128xi32, #tpu.memory_space<hbm>>
      tpu.wait_dma2 semaphore(%run_scoped3A_239 : memref<!tpu.dma_semaphore, #tpu.memory_space<semaphore_mem>>) src(%dma_wait3A_261 : memref<78x128xi32, #tpu.memory_space<hbm>>) dst(%dma_wait3A_258 : memref<78x128xi32, #tpu.memory_space<vmem>>)
      tpu.yield
    }) : () -> ()
    %run_scoped3A_226 = arith.constant 1 : i32
    "tpu.region"() ({
      %run_scoped3A_239 = tpu.sem_alloc : memref<!tpu.dma_semaphore, #tpu.memory_space<semaphore_mem>>
      %dma_start3A = arith.constant 0 : i32
      %dma_start3A_240 = arith.constant 0 : i32
      %dma_start3A_241 = tpu.memref_slice %arg7[%dma_start3A, %dma_start3A_240] : memref<79x128xi32, #tpu.memory_space<vmem>> -> memref<78x128xi32, #tpu.memory_space<vmem>>
      %dma_start3A_242 = arith.constant 0 : i32
      %dma_start3A_243 = tpu.memref_slice %arg3[%run_scoped3A_226, %add3A_4, %dma_start3A_242] : memref<2x2500x128xi32, #tpu.memory_space<hbm>> -> memref<1x78x128xi32, #tpu.memory_space<hbm>>
      %dma_start3A_244 = tpu.memref_squeeze %dma_start3A_243 : memref<1x78x128xi32, #tpu.memory_space<hbm>> -> memref<78x128xi32, #tpu.memory_space<hbm>>
      %dma_start3A_245 = arith.constant 0 : i32
      %dma_start3A_246 = arith.constant 0 : i32
      %dma_start3A_247 = tpu.memref_slice %arg7[%dma_start3A_245, %dma_start3A_246] : memref<79x128xi32, #tpu.memory_space<vmem>> -> memref<78x128xi32, #tpu.memory_space<vmem>>
      %dma_start3A_248 = arith.constant 0 : i32
      %dma_start3A_249 = tpu.memref_slice %arg3[%run_scoped3A_226, %add3A_4, %dma_start3A_248] : memref<2x2500x128xi32, #tpu.memory_space<hbm>> -> memref<1x78x128xi32, #tpu.memory_space<hbm>>
      %dma_start3A_250 = tpu.memref_squeeze %dma_start3A_249 : memref<1x78x128xi32, #tpu.memory_space<hbm>> -> memref<78x128xi32, #tpu.memory_space<hbm>>
      tpu.enqueue_dma source(%dma_start3A_250 : memref<78x128xi32, #tpu.memory_space<hbm>>) target(%dma_start3A_247 : memref<78x128xi32, #tpu.memory_space<vmem>>) target_semaphore(%run_scoped3A_239 : memref<!tpu.dma_semaphore, #tpu.memory_space<semaphore_mem>>)
      %dma_wait3A = arith.constant 0 : i32
      %dma_wait3A_251 = arith.constant 0 : i32
      %dma_wait3A_252 = tpu.memref_slice %arg7[%dma_wait3A, %dma_wait3A_251] : memref<79x128xi32, #tpu.memory_space<vmem>> -> memref<78x128xi32, #tpu.memory_space<vmem>>
      %dma_wait3A_253 = arith.constant 0 : i32
      %dma_wait3A_254 = tpu.memref_slice %arg3[%run_scoped3A_226, %add3A_4, %dma_wait3A_253] : memref<2x2500x128xi32, #tpu.memory_space<hbm>> -> memref<1x78x128xi32, #tpu.memory_space<hbm>>
      %dma_wait3A_255 = tpu.memref_squeeze %dma_wait3A_254 : memref<1x78x128xi32, #tpu.memory_space<hbm>> -> memref<78x128xi32, #tpu.memory_space<hbm>>
      %dma_wait3A_256 = arith.constant 0 : i32
      %dma_wait3A_257 = arith.constant 0 : i32
      %dma_wait3A_258 = tpu.memref_slice %arg7[%dma_wait3A_256, %dma_wait3A_257] : memref<79x128xi32, #tpu.memory_space<vmem>> -> memref<78x128xi32, #tpu.memory_space<vmem>>
      %dma_wait3A_259 = arith.constant 0 : i32
      %dma_wait3A_260 = tpu.memref_slice %arg3[%run_scoped3A_226, %add3A_4, %dma_wait3A_259] : memref<2x2500x128xi32, #tpu.memory_space<hbm>> -> memref<1x78x128xi32, #tpu.memory_space<hbm>>
      %dma_wait3A_261 = tpu.memref_squeeze %dma_wait3A_260 : memref<1x78x128xi32, #tpu.memory_space<hbm>> -> memref<78x128xi32, #tpu.memory_space<hbm>>
      tpu.wait_dma2 semaphore(%run_scoped3A_239 : memref<!tpu.dma_semaphore, #tpu.memory_space<semaphore_mem>>) src(%dma_wait3A_261 : memref<78x128xi32, #tpu.memory_space<hbm>>) dst(%dma_wait3A_258 : memref<78x128xi32, #tpu.memory_space<vmem>>)
      tpu.yield
    }) : () -> ()
    %convert_element_type3A = arith.extui %lt3A_5 : i1 to i32
    %cond3A = arith.constant 0 : i32
    %cond3A_227 = arith.cmpi ne, %convert_element_type3A, %cond3A : i32
    scf.if %cond3A_227 {
      %add3A_239 = arith.constant 78 : i32
      %add3A_240 = arith.addi %add3A_4, %add3A_239 : i32
      %run_scoped3A_241 = arith.constant 0 : i32
      "tpu.region"() ({
        %run_scoped3A_245 = tpu.sem_alloc : memref<!tpu.dma_semaphore, #tpu.memory_space<semaphore_mem>>
        %dma_start3A = arith.constant 78 : i32
        %dma_start3A_246 = arith.constant 0 : i32
        %dma_start3A_247 = tpu.memref_slice %arg6[%dma_start3A, %dma_start3A_246] : memref<79x128xi32, #tpu.memory_space<vmem>> -> memref<1x128xi32, #tpu.memory_space<vmem>>
        %dma_start3A_248 = arith.constant 0 : i32
        %dma_start3A_249 = tpu.memref_slice %arg3[%run_scoped3A_241, %add3A_240, %dma_start3A_248] : memref<2x2500x128xi32, #tpu.memory_space<hbm>> -> memref<1x1x128xi32, #tpu.memory_space<hbm>>
        %dma_start3A_250 = tpu.memref_squeeze %dma_start3A_249 : memref<1x1x128xi32, #tpu.memory_space<hbm>> -> memref<1x128xi32, #tpu.memory_space<hbm>>
        %dma_start3A_251 = arith.constant 78 : i32
        %dma_start3A_252 = arith.constant 0 : i32
        %dma_start3A_253 = tpu.memref_slice %arg6[%dma_start3A_251, %dma_start3A_252] : memref<79x128xi32, #tpu.memory_space<vmem>> -> memref<1x128xi32, #tpu.memory_space<vmem>>
        %dma_start3A_254 = arith.constant 0 : i32
        %dma_start3A_255 = tpu.memref_slice %arg3[%run_scoped3A_241, %add3A_240, %dma_start3A_254] : memref<2x2500x128xi32, #tpu.memory_space<hbm>> -> memref<1x1x128xi32, #tpu.memory_space<hbm>>
        %dma_start3A_256 = tpu.memref_squeeze %dma_start3A_255 : memref<1x1x128xi32, #tpu.memory_space<hbm>> -> memref<1x128xi32, #tpu.memory_space<hbm>>
        tpu.enqueue_dma source(%dma_start3A_256 : memref<1x128xi32, #tpu.memory_space<hbm>>) target(%dma_start3A_253 : memref<1x128xi32, #tpu.memory_space<vmem>>) target_semaphore(%run_scoped3A_245 : memref<!tpu.dma_semaphore, #tpu.memory_space<semaphore_mem>>)
        %dma_wait3A = arith.constant 78 : i32
        %dma_wait3A_257 = arith.constant 0 : i32
        %dma_wait3A_258 = tpu.memref_slice %arg6[%dma_wait3A, %dma_wait3A_257] : memref<79x128xi32, #tpu.memory_space<vmem>> -> memref<1x128xi32, #tpu.memory_space<vmem>>
        %dma_wait3A_259 = arith.constant 0 : i32
        %dma_wait3A_260 = tpu.memref_slice %arg3[%run_scoped3A_241, %add3A_240, %dma_wait3A_259] : memref<2x2500x128xi32, #tpu.memory_space<hbm>> -> memref<1x1x128xi32, #tpu.memory_space<hbm>>
        %dma_wait3A_261 = tpu.memref_squeeze %dma_wait3A_260 : memref<1x1x128xi32, #tpu.memory_space<hbm>> -> memref<1x128xi32, #tpu.memory_space<hbm>>
        %dma_wait3A_262 = arith.constant 78 : i32
        %dma_wait3A_263 = arith.constant 0 : i32
        %dma_wait3A_264 = tpu.memref_slice %arg6[%dma_wait3A_262, %dma_wait3A_263] : memref<79x128xi32, #tpu.memory_space<vmem>> -> memref<1x128xi32, #tpu.memory_space<vmem>>
        %dma_wait3A_265 = arith.constant 0 : i32
        %dma_wait3A_266 = tpu.memref_slice %arg3[%run_scoped3A_241, %add3A_240, %dma_wait3A_265] : memref<2x2500x128xi32, #tpu.memory_space<hbm>> -> memref<1x1x128xi32, #tpu.memory_space<hbm>>
        %dma_wait3A_267 = tpu.memref_squeeze %dma_wait3A_266 : memref<1x1x128xi32, #tpu.memory_space<hbm>> -> memref<1x128xi32, #tpu.memory_space<hbm>>
        tpu.wait_dma2 semaphore(%run_scoped3A_245 : memref<!tpu.dma_semaphore, #tpu.memory_space<semaphore_mem>>) src(%dma_wait3A_267 : memref<1x128xi32, #tpu.memory_space<hbm>>) dst(%dma_wait3A_264 : memref<1x128xi32, #tpu.memory_space<vmem>>)
        tpu.yield
      }) : () -> ()
      %add3A_242 = arith.constant 78 : i32
      %add3A_243 = arith.addi %add3A_4, %add3A_242 : i32
      %run_scoped3A_244 = arith.constant 1 : i32
      "tpu.region"() ({
        %run_scoped3A_245 = tpu.sem_alloc : memref<!tpu.dma_semaphore, #tpu.memory_space<semaphore_mem>>
        %dma_start3A = arith.constant 78 : i32
        %dma_start3A_246 = arith.constant 0 : i32
        %dma_start3A_247 = tpu.memref_slice %arg7[%dma_start3A, %dma_start3A_246] : memref<79x128xi32, #tpu.memory_space<vmem>> -> memref<1x128xi32, #tpu.memory_space<vmem>>
        %dma_start3A_248 = arith.constant 0 : i32
        %dma_start3A_249 = tpu.memref_slice %arg3[%run_scoped3A_244, %add3A_243, %dma_start3A_248] : memref<2x2500x128xi32, #tpu.memory_space<hbm>> -> memref<1x1x128xi32, #tpu.memory_space<hbm>>
        %dma_start3A_250 = tpu.memref_squeeze %dma_start3A_249 : memref<1x1x128xi32, #tpu.memory_space<hbm>> -> memref<1x128xi32, #tpu.memory_space<hbm>>
        %dma_start3A_251 = arith.constant 78 : i32
        %dma_start3A_252 = arith.constant 0 : i32
        %dma_start3A_253 = tpu.memref_slice %arg7[%dma_start3A_251, %dma_start3A_252] : memref<79x128xi32, #tpu.memory_space<vmem>> -> memref<1x128xi32, #tpu.memory_space<vmem>>
        %dma_start3A_254 = arith.constant 0 : i32
        %dma_start3A_255 = tpu.memref_slice %arg3[%run_scoped3A_244, %add3A_243, %dma_start3A_254] : memref<2x2500x128xi32, #tpu.memory_space<hbm>> -> memref<1x1x128xi32, #tpu.memory_space<hbm>>
        %dma_start3A_256 = tpu.memref_squeeze %dma_start3A_255 : memref<1x1x128xi32, #tpu.memory_space<hbm>> -> memref<1x128xi32, #tpu.memory_space<hbm>>
        tpu.enqueue_dma source(%dma_start3A_256 : memref<1x128xi32, #tpu.memory_space<hbm>>) target(%dma_start3A_253 : memref<1x128xi32, #tpu.memory_space<vmem>>) target_semaphore(%run_scoped3A_245 : memref<!tpu.dma_semaphore, #tpu.memory_space<semaphore_mem>>)
        %dma_wait3A = arith.constant 78 : i32
        %dma_wait3A_257 = arith.constant 0 : i32
        %dma_wait3A_258 = tpu.memref_slice %arg7[%dma_wait3A, %dma_wait3A_257] : memref<79x128xi32, #tpu.memory_space<vmem>> -> memref<1x128xi32, #tpu.memory_space<vmem>>
        %dma_wait3A_259 = arith.constant 0 : i32
        %dma_wait3A_260 = tpu.memref_slice %arg3[%run_scoped3A_244, %add3A_243, %dma_wait3A_259] : memref<2x2500x128xi32, #tpu.memory_space<hbm>> -> memref<1x1x128xi32, #tpu.memory_space<hbm>>
        %dma_wait3A_261 = tpu.memref_squeeze %dma_wait3A_260 : memref<1x1x128xi32, #tpu.memory_space<hbm>> -> memref<1x128xi32, #tpu.memory_space<hbm>>
        %dma_wait3A_262 = arith.constant 78 : i32
        %dma_wait3A_263 = arith.constant 0 : i32
        %dma_wait3A_264 = tpu.memref_slice %arg7[%dma_wait3A_262, %dma_wait3A_263] : memref<79x128xi32, #tpu.memory_space<vmem>> -> memref<1x128xi32, #tpu.memory_space<vmem>>
        %dma_wait3A_265 = arith.constant 0 : i32
        %dma_wait3A_266 = tpu.memref_slice %arg3[%run_scoped3A_244, %add3A_243, %dma_wait3A_265] : memref<2x2500x128xi32, #tpu.memory_space<hbm>> -> memref<1x1x128xi32, #tpu.memory_space<hbm>>
        %dma_wait3A_267 = tpu.memref_squeeze %dma_wait3A_266 : memref<1x1x128xi32, #tpu.memory_space<hbm>> -> memref<1x128xi32, #tpu.memory_space<hbm>>
        tpu.wait_dma2 semaphore(%run_scoped3A_245 : memref<!tpu.dma_semaphore, #tpu.memory_space<semaphore_mem>>) src(%dma_wait3A_267 : memref<1x128xi32, #tpu.memory_space<hbm>>) dst(%dma_wait3A_264 : memref<1x128xi32, #tpu.memory_space<vmem>>)
        tpu.yield
      }) : () -> ()
    } else {
    }
    %scan3A_228 = arith.constant 0 : i32
    %scan3A_229 = arith.constant 13 : i32
    %scan3A_230 = arith.addi %scan3A_228, %scan3A_229 : i32
    %scan3A_231 = arith.constant 1 : i32
    scf.for %scan3A_239 = %scan3A_228 to %scan3A_230 step %scan3A_231  : i32 {
      %mul3A_240 = arith.constant 6 : i32
      %mul3A_241 = arith.muli %scan3A_239, %mul3A_240 : i32
      %add3A_242 = arith.constant 0 : i32
      %add3A_243 = arith.addi %mul3A_241, %add3A_242 : i32
      %dma_start3A = arith.constant 0 : i32
      %dma_start3A_244 = tpu.memref_slice %arg6[%add3A_243, %dma_start3A] : memref<79x128xi32, #tpu.memory_space<vmem>> -> memref<1x128xi32, #tpu.memory_space<vmem>>
      %dma_start3A_245 = tpu.memref_squeeze %dma_start3A_244 : memref<1x128xi32, #tpu.memory_space<vmem>> -> memref<128xi32, #tpu.memory_space<vmem>>
      %dma_start3A_246 = arith.constant 0 : i32
      %dma_start3A_247 = arith.constant 0 : i32
      %dma_start3A_248 = tpu.memref_slice %arg2[%dma_start3A_246, %dma_start3A_247] : memref<10000x64xf32, #tpu.memory_space<hbm>> -> memref<10000x64xf32, #tpu.memory_space<hbm>>
      tpu.enqueue_indirect_dma source(%dma_start3A_248 : memref<10000x64xf32, #tpu.memory_space<hbm>>) target(%arg8 : memref<128x64xf32, #tpu.memory_space<vmem>>) offsets(%dma_start3A_245 : memref<128xi32, #tpu.memory_space<vmem>>) semaphore(%arg16 : memref<!tpu.dma_semaphore, #tpu.memory_space<semaphore_mem>>)
      %add3A_249 = arith.constant 1 : i32
      %add3A_250 = arith.addi %mul3A_241, %add3A_249 : i32
      %dma_start3A_251 = arith.constant 0 : i32
      %dma_start3A_252 = tpu.memref_slice %arg6[%add3A_250, %dma_start3A_251] : memref<79x128xi32, #tpu.memory_space<vmem>> -> memref<1x128xi32, #tpu.memory_space<vmem>>
      %dma_start3A_253 = tpu.memref_squeeze %dma_start3A_252 : memref<1x128xi32, #tpu.memory_space<vmem>> -> memref<128xi32, #tpu.memory_space<vmem>>
      %dma_start3A_254 = arith.constant 0 : i32
      %dma_start3A_255 = arith.constant 0 : i32
      %dma_start3A_256 = tpu.memref_slice %arg2[%dma_start3A_254, %dma_start3A_255] : memref<10000x64xf32, #tpu.memory_space<hbm>> -> memref<10000x64xf32, #tpu.memory_space<hbm>>
      tpu.enqueue_indirect_dma source(%dma_start3A_256 : memref<10000x64xf32, #tpu.memory_space<hbm>>) target(%arg9 : memref<128x64xf32, #tpu.memory_space<vmem>>) offsets(%dma_start3A_253 : memref<128xi32, #tpu.memory_space<vmem>>) semaphore(%arg16 : memref<!tpu.dma_semaphore, #tpu.memory_space<semaphore_mem>>)
      %add3A_257 = arith.constant 2 : i32
      %add3A_258 = arith.addi %mul3A_241, %add3A_257 : i32
      %dma_start3A_259 = arith.constant 0 : i32
      %dma_start3A_260 = tpu.memref_slice %arg6[%add3A_258, %dma_start3A_259] : memref<79x128xi32, #tpu.memory_space<vmem>> -> memref<1x128xi32, #tpu.memory_space<vmem>>
      %dma_start3A_261 = tpu.memref_squeeze %dma_start3A_260 : memref<1x128xi32, #tpu.memory_space<vmem>> -> memref<128xi32, #tpu.memory_space<vmem>>
      %dma_start3A_262 = arith.constant 0 : i32
      %dma_start3A_263 = arith.constant 0 : i32
      %dma_start3A_264 = tpu.memref_slice %arg2[%dma_start3A_262, %dma_start3A_263] : memref<10000x64xf32, #tpu.memory_space<hbm>> -> memref<10000x64xf32, #tpu.memory_space<hbm>>
      tpu.enqueue_indirect_dma source(%dma_start3A_264 : memref<10000x64xf32, #tpu.memory_space<hbm>>) target(%arg10 : memref<128x64xf32, #tpu.memory_space<vmem>>) offsets(%dma_start3A_261 : memref<128xi32, #tpu.memory_space<vmem>>) semaphore(%arg16 : memref<!tpu.dma_semaphore, #tpu.memory_space<semaphore_mem>>)
      %add3A_265 = arith.constant 3 : i32
      %add3A_266 = arith.addi %mul3A_241, %add3A_265 : i32
      %dma_start3A_267 = arith.constant 0 : i32
      %dma_start3A_268 = tpu.memref_slice %arg6[%add3A_266, %dma_start3A_267] : memref<79x128xi32, #tpu.memory_space<vmem>> -> memref<1x128xi32, #tpu.memory_space<vmem>>
      %dma_start3A_269 = tpu.memref_squeeze %dma_start3A_268 : memref<1x128xi32, #tpu.memory_space<vmem>> -> memref<128xi32, #tpu.memory_space<vmem>>
      %dma_start3A_270 = arith.constant 0 : i32
      %dma_start3A_271 = arith.constant 0 : i32
      %dma_start3A_272 = tpu.memref_slice %arg2[%dma_start3A_270, %dma_start3A_271] : memref<10000x64xf32, #tpu.memory_space<hbm>> -> memref<10000x64xf32, #tpu.memory_space<hbm>>
      tpu.enqueue_indirect_dma source(%dma_start3A_272 : memref<10000x64xf32, #tpu.memory_space<hbm>>) target(%arg11 : memref<128x64xf32, #tpu.memory_space<vmem>>) offsets(%dma_start3A_269 : memref<128xi32, #tpu.memory_space<vmem>>) semaphore(%arg16 : memref<!tpu.dma_semaphore, #tpu.memory_space<semaphore_mem>>)
      %add3A_273 = arith.constant 4 : i32
      %add3A_274 = arith.addi %mul3A_241, %add3A_273 : i32
      %dma_start3A_275 = arith.constant 0 : i32
      %dma_start3A_276 = tpu.memref_slice %arg6[%add3A_274, %dma_start3A_275] : memref<79x128xi32, #tpu.memory_space<vmem>> -> memref<1x128xi32, #tpu.memory_space<vmem>>
      %dma_start3A_277 = tpu.memref_squeeze %dma_start3A_276 : memref<1x128xi32, #tpu.memory_space<vmem>> -> memref<128xi32, #tpu.memory_space<vmem>>
      %dma_start3A_278 = arith.constant 0 : i32
      %dma_start3A_279 = arith.constant 0 : i32
      %dma_start3A_280 = tpu.memref_slice %arg2[%dma_start3A_278, %dma_start3A_279] : memref<10000x64xf32, #tpu.memory_space<hbm>> -> memref<10000x64xf32, #tpu.memory_space<hbm>>
      tpu.enqueue_indirect_dma source(%dma_start3A_280 : memref<10000x64xf32, #tpu.memory_space<hbm>>) target(%arg12 : memref<128x64xf32, #tpu.memory_space<vmem>>) offsets(%dma_start3A_277 : memref<128xi32, #tpu.memory_space<vmem>>) semaphore(%arg16 : memref<!tpu.dma_semaphore, #tpu.memory_space<semaphore_mem>>)
      %add3A_281 = arith.constant 5 : i32
      %add3A_282 = arith.addi %mul3A_241, %add3A_281 : i32
      %dma_start3A_283 = arith.constant 0 : i32
      %dma_start3A_284 = tpu.memref_slice %arg6[%add3A_282, %dma_start3A_283] : memref<79x128xi32, #tpu.memory_space<vmem>> -> memref<1x128xi32, #tpu.memory_space<vmem>>
      %dma_start3A_285 = tpu.memref_squeeze %dma_start3A_284 : memref<1x128xi32, #tpu.memory_space<vmem>> -> memref<128xi32, #tpu.memory_space<vmem>>
      %dma_start3A_286 = arith.constant 0 : i32
      %dma_start3A_287 = arith.constant 0 : i32
      %dma_start3A_288 = tpu.memref_slice %arg2[%dma_start3A_286, %dma_start3A_287] : memref<10000x64xf32, #tpu.memory_space<hbm>> -> memref<10000x64xf32, #tpu.memory_space<hbm>>
      tpu.enqueue_indirect_dma source(%dma_start3A_288 : memref<10000x64xf32, #tpu.memory_space<hbm>>) target(%arg13 : memref<128x64xf32, #tpu.memory_space<vmem>>) offsets(%dma_start3A_285 : memref<128xi32, #tpu.memory_space<vmem>>) semaphore(%arg16 : memref<!tpu.dma_semaphore, #tpu.memory_space<semaphore_mem>>)
      %dma_wait3A = arith.constant 0 : i32
      %dma_wait3A_289 = tpu.memref_slice %arg6[%add3A_243, %dma_wait3A] : memref<79x128xi32, #tpu.memory_space<vmem>> -> memref<1x128xi32, #tpu.memory_space<vmem>>
      %dma_wait3A_290 = tpu.memref_squeeze %dma_wait3A_289 : memref<1x128xi32, #tpu.memory_space<vmem>> -> memref<128xi32, #tpu.memory_space<vmem>>
      %dma_wait3A_291 = arith.constant 0 : i32
      %dma_wait3A_292 = arith.constant 0 : i32
      %dma_wait3A_293 = tpu.memref_slice %arg2[%dma_wait3A_291, %dma_wait3A_292] : memref<10000x64xf32, #tpu.memory_space<hbm>> -> memref<10000x64xf32, #tpu.memory_space<hbm>>
      tpu.wait_indirect_dma semaphore(%arg16 : memref<!tpu.dma_semaphore, #tpu.memory_space<semaphore_mem>>) src(%dma_wait3A_293 : memref<10000x64xf32, #tpu.memory_space<hbm>>) dst(%arg8 : memref<128x64xf32, #tpu.memory_space<vmem>>)
      %add3A_294 = arith.constant 0 : i32
      %add3A_295 = arith.addi %mul3A_241, %add3A_294 : i32
      %dma_start3A_296 = arith.constant 0 : i32
      %dma_start3A_297 = tpu.memref_slice %arg7[%add3A_295, %dma_start3A_296] : memref<79x128xi32, #tpu.memory_space<vmem>> -> memref<1x128xi32, #tpu.memory_space<vmem>>
      %dma_start3A_298 = tpu.memref_squeeze %dma_start3A_297 : memref<1x128xi32, #tpu.memory_space<vmem>> -> memref<128xi32, #tpu.memory_space<vmem>>
      %dma_start3A_299 = arith.constant 0 : i32
      %dma_start3A_300 = arith.constant 0 : i32
      %dma_start3A_301 = tpu.memref_slice %arg15[%dma_start3A_299, %dma_start3A_300] : memref<10240x64xf32, #tpu.memory_space<vmem_shared>> -> memref<10240x64xf32, #tpu.memory_space<vmem_shared>>
      tpu.enqueue_indirect_dma source(%arg8 : memref<128x64xf32, #tpu.memory_space<vmem>>) target(%dma_start3A_301 : memref<10240x64xf32, #tpu.memory_space<vmem_shared>>) offsets(%dma_start3A_298 : memref<128xi32, #tpu.memory_space<vmem>>) semaphore(%arg17 : memref<!tpu.dma_semaphore, #tpu.memory_space<semaphore_mem>>) {add = true}
      %dma_start3A_302 = arith.constant 0 : i32
      %dma_start3A_303 = tpu.memref_slice %arg7[%add3A_295, %dma_start3A_302] : memref<79x128xi32, #tpu.memory_space<vmem>> -> memref<1x128xi32, #tpu.memory_space<vmem>>
      %dma_start3A_304 = tpu.memref_squeeze %dma_start3A_303 : memref<1x128xi32, #tpu.memory_space<vmem>> -> memref<128xi32, #tpu.memory_space<vmem>>
      %dma_start3A_305 = arith.constant 0 : i32
      %dma_start3A_306 = tpu.memref_slice %arg20[%dma_start3A_305] : memref<10240xf32, #tpu.memory_space<vmem_shared>> -> memref<10240xf32, #tpu.memory_space<vmem_shared>>
      tpu.enqueue_indirect_dma source(%arg18 : memref<128xf32, #tpu.memory_space<vmem>>) target(%dma_start3A_306 : memref<10240xf32, #tpu.memory_space<vmem_shared>>) offsets(%dma_start3A_304 : memref<128xi32, #tpu.memory_space<vmem>>) semaphore(%arg17 : memref<!tpu.dma_semaphore, #tpu.memory_space<semaphore_mem>>) {add = true}
      %dma_wait3A_307 = arith.constant 0 : i32
      %dma_wait3A_308 = tpu.memref_slice %arg6[%add3A_250, %dma_wait3A_307] : memref<79x128xi32, #tpu.memory_space<vmem>> -> memref<1x128xi32, #tpu.memory_space<vmem>>
      %dma_wait3A_309 = tpu.memref_squeeze %dma_wait3A_308 : memref<1x128xi32, #tpu.memory_space<vmem>> -> memref<128xi32, #tpu.memory_space<vmem>>
      %dma_wait3A_310 = arith.constant 0 : i32
      %dma_wait3A_311 = arith.constant 0 : i32
      %dma_wait3A_312 = tpu.memref_slice %arg2[%dma_wait3A_310, %dma_wait3A_311] : memref<10000x64xf32, #tpu.memory_space<hbm>> -> memref<10000x64xf32, #tpu.memory_space<hbm>>
      tpu.wait_indirect_dma semaphore(%arg16 : memref<!tpu.dma_semaphore, #tpu.memory_space<semaphore_mem>>) src(%dma_wait3A_312 : memref<10000x64xf32, #tpu.memory_space<hbm>>) dst(%arg9 : memref<128x64xf32, #tpu.memory_space<vmem>>)
      %add3A_313 = arith.constant 1 : i32
      %add3A_314 = arith.addi %mul3A_241, %add3A_313 : i32
      %dma_start3A_315 = arith.constant 0 : i32
      %dma_start3A_316 = tpu.memref_slice %arg7[%add3A_314, %dma_start3A_315] : memref<79x128xi32, #tpu.memory_space<vmem>> -> memref<1x128xi32, #tpu.memory_space<vmem>>
      %dma_start3A_317 = tpu.memref_squeeze %dma_start3A_316 : memref<1x128xi32, #tpu.memory_space<vmem>> -> memref<128xi32, #tpu.memory_space<vmem>>
      %dma_start3A_318 = arith.constant 0 : i32
      %dma_start3A_319 = arith.constant 0 : i32
      %dma_start3A_320 = tpu.memref_slice %arg15[%dma_start3A_318, %dma_start3A_319] : memref<10240x64xf32, #tpu.memory_space<vmem_shared>> -> memref<10240x64xf32, #tpu.memory_space<vmem_shared>>
      tpu.enqueue_indirect_dma source(%arg9 : memref<128x64xf32, #tpu.memory_space<vmem>>) target(%dma_start3A_320 : memref<10240x64xf32, #tpu.memory_space<vmem_shared>>) offsets(%dma_start3A_317 : memref<128xi32, #tpu.memory_space<vmem>>) semaphore(%arg17 : memref<!tpu.dma_semaphore, #tpu.memory_space<semaphore_mem>>) {add = true}
      %dma_start3A_321 = arith.constant 0 : i32
      %dma_start3A_322 = tpu.memref_slice %arg7[%add3A_314, %dma_start3A_321] : memref<79x128xi32, #tpu.memory_space<vmem>> -> memref<1x128xi32, #tpu.memory_space<vmem>>
      %dma_start3A_323 = tpu.memref_squeeze %dma_start3A_322 : memref<1x128xi32, #tpu.memory_space<vmem>> -> memref<128xi32, #tpu.memory_space<vmem>>
      %dma_start3A_324 = arith.constant 0 : i32
      %dma_start3A_325 = tpu.memref_slice %arg20[%dma_start3A_324] : memref<10240xf32, #tpu.memory_space<vmem_shared>> -> memref<10240xf32, #tpu.memory_space<vmem_shared>>
      tpu.enqueue_indirect_dma source(%arg18 : memref<128xf32, #tpu.memory_space<vmem>>) target(%dma_start3A_325 : memref<10240xf32, #tpu.memory_space<vmem_shared>>) offsets(%dma_start3A_323 : memref<128xi32, #tpu.memory_space<vmem>>) semaphore(%arg17 : memref<!tpu.dma_semaphore, #tpu.memory_space<semaphore_mem>>) {add = true}
      %dma_wait3A_326 = arith.constant 0 : i32
      %dma_wait3A_327 = tpu.memref_slice %arg6[%add3A_258, %dma_wait3A_326] : memref<79x128xi32, #tpu.memory_space<vmem>> -> memref<1x128xi32, #tpu.memory_space<vmem>>
      %dma_wait3A_328 = tpu.memref_squeeze %dma_wait3A_327 : memref<1x128xi32, #tpu.memory_space<vmem>> -> memref<128xi32, #tpu.memory_space<vmem>>
      %dma_wait3A_329 = arith.constant 0 : i32
      %dma_wait3A_330 = arith.constant 0 : i32
      %dma_wait3A_331 = tpu.memref_slice %arg2[%dma_wait3A_329, %dma_wait3A_330] : memref<10000x64xf32, #tpu.memory_space<hbm>> -> memref<10000x64xf32, #tpu.memory_space<hbm>>
      tpu.wait_indirect_dma semaphore(%arg16 : memref<!tpu.dma_semaphore, #tpu.memory_space<semaphore_mem>>) src(%dma_wait3A_331 : memref<10000x64xf32, #tpu.memory_space<hbm>>) dst(%arg10 : memref<128x64xf32, #tpu.memory_space<vmem>>)
      %add3A_332 = arith.constant 2 : i32
      %add3A_333 = arith.addi %mul3A_241, %add3A_332 : i32
      %dma_start3A_334 = arith.constant 0 : i32
      %dma_start3A_335 = tpu.memref_slice %arg7[%add3A_333, %dma_start3A_334] : memref<79x128xi32, #tpu.memory_space<vmem>> -> memref<1x128xi32, #tpu.memory_space<vmem>>
      %dma_start3A_336 = tpu.memref_squeeze %dma_start3A_335 : memref<1x128xi32, #tpu.memory_space<vmem>> -> memref<128xi32, #tpu.memory_space<vmem>>
      %dma_start3A_337 = arith.constant 0 : i32
      %dma_start3A_338 = arith.constant 0 : i32
      %dma_start3A_339 = tpu.memref_slice %arg15[%dma_start3A_337, %dma_start3A_338] : memref<10240x64xf32, #tpu.memory_space<vmem_shared>> -> memref<10240x64xf32, #tpu.memory_space<vmem_shared>>
      tpu.enqueue_indirect_dma source(%arg10 : memref<128x64xf32, #tpu.memory_space<vmem>>) target(%dma_start3A_339 : memref<10240x64xf32, #tpu.memory_space<vmem_shared>>) offsets(%dma_start3A_336 : memref<128xi32, #tpu.memory_space<vmem>>) semaphore(%arg17 : memref<!tpu.dma_semaphore, #tpu.memory_space<semaphore_mem>>) {add = true}
      %dma_start3A_340 = arith.constant 0 : i32
      %dma_start3A_341 = tpu.memref_slice %arg7[%add3A_333, %dma_start3A_340] : memref<79x128xi32, #tpu.memory_space<vmem>> -> memref<1x128xi32, #tpu.memory_space<vmem>>
      %dma_start3A_342 = tpu.memref_squeeze %dma_start3A_341 : memref<1x128xi32, #tpu.memory_space<vmem>> -> memref<128xi32, #tpu.memory_space<vmem>>
      %dma_start3A_343 = arith.constant 0 : i32
      %dma_start3A_344 = tpu.memref_slice %arg20[%dma_start3A_343] : memref<10240xf32, #tpu.memory_space<vmem_shared>> -> memref<10240xf32, #tpu.memory_space<vmem_shared>>
      tpu.enqueue_indirect_dma source(%arg18 : memref<128xf32, #tpu.memory_space<vmem>>) target(%dma_start3A_344 : memref<10240xf32, #tpu.memory_space<vmem_shared>>) offsets(%dma_start3A_342 : memref<128xi32, #tpu.memory_space<vmem>>) semaphore(%arg17 : memref<!tpu.dma_semaphore, #tpu.memory_space<semaphore_mem>>) {add = true}
      %dma_wait3A_345 = arith.constant 0 : i32
      %dma_wait3A_346 = tpu.memref_slice %arg6[%add3A_266, %dma_wait3A_345] : memref<79x128xi32, #tpu.memory_space<vmem>> -> memref<1x128xi32, #tpu.memory_space<vmem>>
      %dma_wait3A_347 = tpu.memref_squeeze %dma_wait3A_346 : memref<1x128xi32, #tpu.memory_space<vmem>> -> memref<128xi32, #tpu.memory_space<vmem>>
      %dma_wait3A_348 = arith.constant 0 : i32
      %dma_wait3A_349 = arith.constant 0 : i32
      %dma_wait3A_350 = tpu.memref_slice %arg2[%dma_wait3A_348, %dma_wait3A_349] : memref<10000x64xf32, #tpu.memory_space<hbm>> -> memref<10000x64xf32, #tpu.memory_space<hbm>>
      tpu.wait_indirect_dma semaphore(%arg16 : memref<!tpu.dma_semaphore, #tpu.memory_space<semaphore_mem>>) src(%dma_wait3A_350 : memref<10000x64xf32, #tpu.memory_space<hbm>>) dst(%arg11 : memref<128x64xf32, #tpu.memory_space<vmem>>)
      %add3A_351 = arith.constant 3 : i32
      %add3A_352 = arith.addi %mul3A_241, %add3A_351 : i32
      %dma_start3A_353 = arith.constant 0 : i32
      %dma_start3A_354 = tpu.memref_slice %arg7[%add3A_352, %dma_start3A_353] : memref<79x128xi32, #tpu.memory_space<vmem>> -> memref<1x128xi32, #tpu.memory_space<vmem>>
      %dma_start3A_355 = tpu.memref_squeeze %dma_start3A_354 : memref<1x128xi32, #tpu.memory_space<vmem>> -> memref<128xi32, #tpu.memory_space<vmem>>
      %dma_start3A_356 = arith.constant 0 : i32
      %dma_start3A_357 = arith.constant 0 : i32
      %dma_start3A_358 = tpu.memref_slice %arg15[%dma_start3A_356, %dma_start3A_357] : memref<10240x64xf32, #tpu.memory_space<vmem_shared>> -> memref<10240x64xf32, #tpu.memory_space<vmem_shared>>
      tpu.enqueue_indirect_dma source(%arg11 : memref<128x64xf32, #tpu.memory_space<vmem>>) target(%dma_start3A_358 : memref<10240x64xf32, #tpu.memory_space<vmem_shared>>) offsets(%dma_start3A_355 : memref<128xi32, #tpu.memory_space<vmem>>) semaphore(%arg17 : memref<!tpu.dma_semaphore, #tpu.memory_space<semaphore_mem>>) {add = true}
      %dma_start3A_359 = arith.constant 0 : i32
      %dma_start3A_360 = tpu.memref_slice %arg7[%add3A_352, %dma_start3A_359] : memref<79x128xi32, #tpu.memory_space<vmem>> -> memref<1x128xi32, #tpu.memory_space<vmem>>
      %dma_start3A_361 = tpu.memref_squeeze %dma_start3A_360 : memref<1x128xi32, #tpu.memory_space<vmem>> -> memref<128xi32, #tpu.memory_space<vmem>>
      %dma_start3A_362 = arith.constant 0 : i32
      %dma_start3A_363 = tpu.memref_slice %arg20[%dma_start3A_362] : memref<10240xf32, #tpu.memory_space<vmem_shared>> -> memref<10240xf32, #tpu.memory_space<vmem_shared>>
      tpu.enqueue_indirect_dma source(%arg18 : memref<128xf32, #tpu.memory_space<vmem>>) target(%dma_start3A_363 : memref<10240xf32, #tpu.memory_space<vmem_shared>>) offsets(%dma_start3A_361 : memref<128xi32, #tpu.memory_space<vmem>>) semaphore(%arg17 : memref<!tpu.dma_semaphore, #tpu.memory_space<semaphore_mem>>) {add = true}
      %dma_wait3A_364 = arith.constant 0 : i32
      %dma_wait3A_365 = tpu.memref_slice %arg6[%add3A_274, %dma_wait3A_364] : memref<79x128xi32, #tpu.memory_space<vmem>> -> memref<1x128xi32, #tpu.memory_space<vmem>>
      %dma_wait3A_366 = tpu.memref_squeeze %dma_wait3A_365 : memref<1x128xi32, #tpu.memory_space<vmem>> -> memref<128xi32, #tpu.memory_space<vmem>>
      %dma_wait3A_367 = arith.constant 0 : i32
      %dma_wait3A_368 = arith.constant 0 : i32
      %dma_wait3A_369 = tpu.memref_slice %arg2[%dma_wait3A_367, %dma_wait3A_368] : memref<10000x64xf32, #tpu.memory_space<hbm>> -> memref<10000x64xf32, #tpu.memory_space<hbm>>
      tpu.wait_indirect_dma semaphore(%arg16 : memref<!tpu.dma_semaphore, #tpu.memory_space<semaphore_mem>>) src(%dma_wait3A_369 : memref<10000x64xf32, #tpu.memory_space<hbm>>) dst(%arg12 : memref<128x64xf32, #tpu.memory_space<vmem>>)
      %add3A_370 = arith.constant 4 : i32
      %add3A_371 = arith.addi %mul3A_241, %add3A_370 : i32
      %dma_start3A_372 = arith.constant 0 : i32
      %dma_start3A_373 = tpu.memref_slice %arg7[%add3A_371, %dma_start3A_372] : memref<79x128xi32, #tpu.memory_space<vmem>> -> memref<1x128xi32, #tpu.memory_space<vmem>>
      %dma_start3A_374 = tpu.memref_squeeze %dma_start3A_373 : memref<1x128xi32, #tpu.memory_space<vmem>> -> memref<128xi32, #tpu.memory_space<vmem>>
      %dma_start3A_375 = arith.constant 0 : i32
      %dma_start3A_376 = arith.constant 0 : i32
      %dma_start3A_377 = tpu.memref_slice %arg15[%dma_start3A_375, %dma_start3A_376] : memref<10240x64xf32, #tpu.memory_space<vmem_shared>> -> memref<10240x64xf32, #tpu.memory_space<vmem_shared>>
      tpu.enqueue_indirect_dma source(%arg12 : memref<128x64xf32, #tpu.memory_space<vmem>>) target(%dma_start3A_377 : memref<10240x64xf32, #tpu.memory_space<vmem_shared>>) offsets(%dma_start3A_374 : memref<128xi32, #tpu.memory_space<vmem>>) semaphore(%arg17 : memref<!tpu.dma_semaphore, #tpu.memory_space<semaphore_mem>>) {add = true}
      %dma_start3A_378 = arith.constant 0 : i32
      %dma_start3A_379 = tpu.memref_slice %arg7[%add3A_371, %dma_start3A_378] : memref<79x128xi32, #tpu.memory_space<vmem>> -> memref<1x128xi32, #tpu.memory_space<vmem>>
      %dma_start3A_380 = tpu.memref_squeeze %dma_start3A_379 : memref<1x128xi32, #tpu.memory_space<vmem>> -> memref<128xi32, #tpu.memory_space<vmem>>
      %dma_start3A_381 = arith.constant 0 : i32
      %dma_start3A_382 = tpu.memref_slice %arg20[%dma_start3A_381] : memref<10240xf32, #tpu.memory_space<vmem_shared>> -> memref<10240xf32, #tpu.memory_space<vmem_shared>>
      tpu.enqueue_indirect_dma source(%arg18 : memref<128xf32, #tpu.memory_space<vmem>>) target(%dma_start3A_382 : memref<10240xf32, #tpu.memory_space<vmem_shared>>) offsets(%dma_start3A_380 : memref<128xi32, #tpu.memory_space<vmem>>) semaphore(%arg17 : memref<!tpu.dma_semaphore, #tpu.memory_space<semaphore_mem>>) {add = true}
      %dma_wait3A_383 = arith.constant 0 : i32
      %dma_wait3A_384 = tpu.memref_slice %arg6[%add3A_282, %dma_wait3A_383] : memref<79x128xi32, #tpu.memory_space<vmem>> -> memref<1x128xi32, #tpu.memory_space<vmem>>
      %dma_wait3A_385 = tpu.memref_squeeze %dma_wait3A_384 : memref<1x128xi32, #tpu.memory_space<vmem>> -> memref<128xi32, #tpu.memory_space<vmem>>
      %dma_wait3A_386 = arith.constant 0 : i32
      %dma_wait3A_387 = arith.constant 0 : i32
      %dma_wait3A_388 = tpu.memref_slice %arg2[%dma_wait3A_386, %dma_wait3A_387] : memref<10000x64xf32, #tpu.memory_space<hbm>> -> memref<10000x64xf32, #tpu.memory_space<hbm>>
      tpu.wait_indirect_dma semaphore(%arg16 : memref<!tpu.dma_semaphore, #tpu.memory_space<semaphore_mem>>) src(%dma_wait3A_388 : memref<10000x64xf32, #tpu.memory_space<hbm>>) dst(%arg13 : memref<128x64xf32, #tpu.memory_space<vmem>>)
      %add3A_389 = arith.constant 5 : i32
      %add3A_390 = arith.addi %mul3A_241, %add3A_389 : i32
      %dma_start3A_391 = arith.constant 0 : i32
      %dma_start3A_392 = tpu.memref_slice %arg7[%add3A_390, %dma_start3A_391] : memref<79x128xi32, #tpu.memory_space<vmem>> -> memref<1x128xi32, #tpu.memory_space<vmem>>
      %dma_start3A_393 = tpu.memref_squeeze %dma_start3A_392 : memref<1x128xi32, #tpu.memory_space<vmem>> -> memref<128xi32, #tpu.memory_space<vmem>>
      %dma_start3A_394 = arith.constant 0 : i32
      %dma_start3A_395 = arith.constant 0 : i32
      %dma_start3A_396 = tpu.memref_slice %arg15[%dma_start3A_394, %dma_start3A_395] : memref<10240x64xf32, #tpu.memory_space<vmem_shared>> -> memref<10240x64xf32, #tpu.memory_space<vmem_shared>>
      tpu.enqueue_indirect_dma source(%arg13 : memref<128x64xf32, #tpu.memory_space<vmem>>) target(%dma_start3A_396 : memref<10240x64xf32, #tpu.memory_space<vmem_shared>>) offsets(%dma_start3A_393 : memref<128xi32, #tpu.memory_space<vmem>>) semaphore(%arg17 : memref<!tpu.dma_semaphore, #tpu.memory_space<semaphore_mem>>) {add = true}
      %dma_start3A_397 = arith.constant 0 : i32
      %dma_start3A_398 = tpu.memref_slice %arg7[%add3A_390, %dma_start3A_397] : memref<79x128xi32, #tpu.memory_space<vmem>> -> memref<1x128xi32, #tpu.memory_space<vmem>>
      %dma_start3A_399 = tpu.memref_squeeze %dma_start3A_398 : memref<1x128xi32, #tpu.memory_space<vmem>> -> memref<128xi32, #tpu.memory_space<vmem>>
      %dma_start3A_400 = arith.constant 0 : i32
      %dma_start3A_401 = tpu.memref_slice %arg20[%dma_start3A_400] : memref<10240xf32, #tpu.memory_space<vmem_shared>> -> memref<10240xf32, #tpu.memory_space<vmem_shared>>
      tpu.enqueue_indirect_dma source(%arg18 : memref<128xf32, #tpu.memory_space<vmem>>) target(%dma_start3A_401 : memref<10240xf32, #tpu.memory_space<vmem_shared>>) offsets(%dma_start3A_399 : memref<128xi32, #tpu.memory_space<vmem>>) semaphore(%arg17 : memref<!tpu.dma_semaphore, #tpu.memory_space<semaphore_mem>>) {add = true}
      %dma_wait3A_402 = arith.constant 0 : i32
      %dma_wait3A_403 = tpu.memref_slice %arg7[%add3A_295, %dma_wait3A_402] : memref<79x128xi32, #tpu.memory_space<vmem>> -> memref<1x128xi32, #tpu.memory_space<vmem>>
      %dma_wait3A_404 = tpu.memref_squeeze %dma_wait3A_403 : memref<1x128xi32, #tpu.memory_space<vmem>> -> memref<128xi32, #tpu.memory_space<vmem>>
      %dma_wait3A_405 = arith.constant 0 : i32
      %dma_wait3A_406 = arith.constant 0 : i32
      %dma_wait3A_407 = tpu.memref_slice %arg15[%dma_wait3A_405, %dma_wait3A_406] : memref<10240x64xf32, #tpu.memory_space<vmem_shared>> -> memref<10240x64xf32, #tpu.memory_space<vmem_shared>>
      tpu.wait_indirect_dma semaphore(%arg17 : memref<!tpu.dma_semaphore, #tpu.memory_space<semaphore_mem>>) src(%arg8 : memref<128x64xf32, #tpu.memory_space<vmem>>) dst(%dma_wait3A_407 : memref<10240x64xf32, #tpu.memory_space<vmem_shared>>)
      %dma_wait3A_408 = arith.constant 0 : i32
      %dma_wait3A_409 = tpu.memref_slice %arg7[%add3A_295, %dma_wait3A_408] : memref<79x128xi32, #tpu.memory_space<vmem>> -> memref<1x128xi32, #tpu.memory_space<vmem>>
      %dma_wait3A_410 = tpu.memref_squeeze %dma_wait3A_409 : memref<1x128xi32, #tpu.memory_space<vmem>> -> memref<128xi32, #tpu.memory_space<vmem>>
      %dma_wait3A_411 = arith.constant 0 : i32
      %dma_wait3A_412 = tpu.memref_slice %arg20[%dma_wait3A_411] : memref<10240xf32, #tpu.memory_space<vmem_shared>> -> memref<10240xf32, #tpu.memory_space<vmem_shared>>
      tpu.wait_indirect_dma semaphore(%arg17 : memref<!tpu.dma_semaphore, #tpu.memory_space<semaphore_mem>>) src(%arg18 : memref<128xf32, #tpu.memory_space<vmem>>) dst(%dma_wait3A_412 : memref<10240xf32, #tpu.memory_space<vmem_shared>>)
      %dma_wait3A_413 = arith.constant 0 : i32
      %dma_wait3A_414 = tpu.memref_slice %arg7[%add3A_314, %dma_wait3A_413] : memref<79x128xi32, #tpu.memory_space<vmem>> -> memref<1x128xi32, #tpu.memory_space<vmem>>
      %dma_wait3A_415 = tpu.memref_squeeze %dma_wait3A_414 : memref<1x128xi32, #tpu.memory_space<vmem>> -> memref<128xi32, #tpu.memory_space<vmem>>
      %dma_wait3A_416 = arith.constant 0 : i32
      %dma_wait3A_417 = arith.constant 0 : i32
      %dma_wait3A_418 = tpu.memref_slice %arg15[%dma_wait3A_416, %dma_wait3A_417] : memref<10240x64xf32, #tpu.memory_space<vmem_shared>> -> memref<10240x64xf32, #tpu.memory_space<vmem_shared>>
      tpu.wait_indirect_dma semaphore(%arg17 : memref<!tpu.dma_semaphore, #tpu.memory_space<semaphore_mem>>) src(%arg9 : memref<128x64xf32, #tpu.memory_space<vmem>>) dst(%dma_wait3A_418 : memref<10240x64xf32, #tpu.memory_space<vmem_shared>>)
      %dma_wait3A_419 = arith.constant 0 : i32
      %dma_wait3A_420 = tpu.memref_slice %arg7[%add3A_314, %dma_wait3A_419] : memref<79x128xi32, #tpu.memory_space<vmem>> -> memref<1x128xi32, #tpu.memory_space<vmem>>
      %dma_wait3A_421 = tpu.memref_squeeze %dma_wait3A_420 : memref<1x128xi32, #tpu.memory_space<vmem>> -> memref<128xi32, #tpu.memory_space<vmem>>
      %dma_wait3A_422 = arith.constant 0 : i32
      %dma_wait3A_423 = tpu.memref_slice %arg20[%dma_wait3A_422] : memref<10240xf32, #tpu.memory_space<vmem_shared>> -> memref<10240xf32, #tpu.memory_space<vmem_shared>>
      tpu.wait_indirect_dma semaphore(%arg17 : memref<!tpu.dma_semaphore, #tpu.memory_space<semaphore_mem>>) src(%arg18 : memref<128xf32, #tpu.memory_space<vmem>>) dst(%dma_wait3A_423 : memref<10240xf32, #tpu.memory_space<vmem_shared>>)
      %dma_wait3A_424 = arith.constant 0 : i32
      %dma_wait3A_425 = tpu.memref_slice %arg7[%add3A_333, %dma_wait3A_424] : memref<79x128xi32, #tpu.memory_space<vmem>> -> memref<1x128xi32, #tpu.memory_space<vmem>>
      %dma_wait3A_426 = tpu.memref_squeeze %dma_wait3A_425 : memref<1x128xi32, #tpu.memory_space<vmem>> -> memref<128xi32, #tpu.memory_space<vmem>>
      %dma_wait3A_427 = arith.constant 0 : i32
      %dma_wait3A_428 = arith.constant 0 : i32
      %dma_wait3A_429 = tpu.memref_slice %arg15[%dma_wait3A_427, %dma_wait3A_428] : memref<10240x64xf32, #tpu.memory_space<vmem_shared>> -> memref<10240x64xf32, #tpu.memory_space<vmem_shared>>
      tpu.wait_indirect_dma semaphore(%arg17 : memref<!tpu.dma_semaphore, #tpu.memory_space<semaphore_mem>>) src(%arg10 : memref<128x64xf32, #tpu.memory_space<vmem>>) dst(%dma_wait3A_429 : memref<10240x64xf32, #tpu.memory_space<vmem_shared>>)
      %dma_wait3A_430 = arith.constant 0 : i32
      %dma_wait3A_431 = tpu.memref_slice %arg7[%add3A_333, %dma_wait3A_430] : memref<79x128xi32, #tpu.memory_space<vmem>> -> memref<1x128xi32, #tpu.memory_space<vmem>>
      %dma_wait3A_432 = tpu.memref_squeeze %dma_wait3A_431 : memref<1x128xi32, #tpu.memory_space<vmem>> -> memref<128xi32, #tpu.memory_space<vmem>>
      %dma_wait3A_433 = arith.constant 0 : i32
      %dma_wait3A_434 = tpu.memref_slice %arg20[%dma_wait3A_433] : memref<10240xf32, #tpu.memory_space<vmem_shared>> -> memref<10240xf32, #tpu.memory_space<vmem_shared>>
      tpu.wait_indirect_dma semaphore(%arg17 : memref<!tpu.dma_semaphore, #tpu.memory_space<semaphore_mem>>) src(%arg18 : memref<128xf32, #tpu.memory_space<vmem>>) dst(%dma_wait3A_434 : memref<10240xf32, #tpu.memory_space<vmem_shared>>)
      %dma_wait3A_435 = arith.constant 0 : i32
      %dma_wait3A_436 = tpu.memref_slice %arg7[%add3A_352, %dma_wait3A_435] : memref<79x128xi32, #tpu.memory_space<vmem>> -> memref<1x128xi32, #tpu.memory_space<vmem>>
      %dma_wait3A_437 = tpu.memref_squeeze %dma_wait3A_436 : memref<1x128xi32, #tpu.memory_space<vmem>> -> memref<128xi32, #tpu.memory_space<vmem>>
      %dma_wait3A_438 = arith.constant 0 : i32
      %dma_wait3A_439 = arith.constant 0 : i32
      %dma_wait3A_440 = tpu.memref_slice %arg15[%dma_wait3A_438, %dma_wait3A_439] : memref<10240x64xf32, #tpu.memory_space<vmem_shared>> -> memref<10240x64xf32, #tpu.memory_space<vmem_shared>>
      tpu.wait_indirect_dma semaphore(%arg17 : memref<!tpu.dma_semaphore, #tpu.memory_space<semaphore_mem>>) src(%arg11 : memref<128x64xf32, #tpu.memory_space<vmem>>) dst(%dma_wait3A_440 : memref<10240x64xf32, #tpu.memory_space<vmem_shared>>)
      %dma_wait3A_441 = arith.constant 0 : i32
      %dma_wait3A_442 = tpu.memref_slice %arg7[%add3A_352, %dma_wait3A_441] : memref<79x128xi32, #tpu.memory_space<vmem>> -> memref<1x128xi32, #tpu.memory_space<vmem>>
      %dma_wait3A_443 = tpu.memref_squeeze %dma_wait3A_442 : memref<1x128xi32, #tpu.memory_space<vmem>> -> memref<128xi32, #tpu.memory_space<vmem>>
      %dma_wait3A_444 = arith.constant 0 : i32
      %dma_wait3A_445 = tpu.memref_slice %arg20[%dma_wait3A_444] : memref<10240xf32, #tpu.memory_space<vmem_shared>> -> memref<10240xf32, #tpu.memory_space<vmem_shared>>
      tpu.wait_indirect_dma semaphore(%arg17 : memref<!tpu.dma_semaphore, #tpu.memory_space<semaphore_mem>>) src(%arg18 : memref<128xf32, #tpu.memory_space<vmem>>) dst(%dma_wait3A_445 : memref<10240xf32, #tpu.memory_space<vmem_shared>>)
      %dma_wait3A_446 = arith.constant 0 : i32
      %dma_wait3A_447 = tpu.memref_slice %arg7[%add3A_371, %dma_wait3A_446] : memref<79x128xi32, #tpu.memory_space<vmem>> -> memref<1x128xi32, #tpu.memory_space<vmem>>
      %dma_wait3A_448 = tpu.memref_squeeze %dma_wait3A_447 : memref<1x128xi32, #tpu.memory_space<vmem>> -> memref<128xi32, #tpu.memory_space<vmem>>
      %dma_wait3A_449 = arith.constant 0 : i32
      %dma_wait3A_450 = arith.constant 0 : i32
      %dma_wait3A_451 = tpu.memref_slice %arg15[%dma_wait3A_449, %dma_wait3A_450] : memref<10240x64xf32, #tpu.memory_space<vmem_shared>> -> memref<10240x64xf32, #tpu.memory_space<vmem_shared>>
      tpu.wait_indirect_dma semaphore(%arg17 : memref<!tpu.dma_semaphore, #tpu.memory_space<semaphore_mem>>) src(%arg12 : memref<128x64xf32, #tpu.memory_space<vmem>>) dst(%dma_wait3A_451 : memref<10240x64xf32, #tpu.memory_space<vmem_shared>>)
      %dma_wait3A_452 = arith.constant 0 : i32
      %dma_wait3A_453 = tpu.memref_slice %arg7[%add3A_371, %dma_wait3A_452] : memref<79x128xi32, #tpu.memory_space<vmem>> -> memref<1x128xi32, #tpu.memory_space<vmem>>
      %dma_wait3A_454 = tpu.memref_squeeze %dma_wait3A_453 : memref<1x128xi32, #tpu.memory_space<vmem>> -> memref<128xi32, #tpu.memory_space<vmem>>
      %dma_wait3A_455 = arith.constant 0 : i32
      %dma_wait3A_456 = tpu.memref_slice %arg20[%dma_wait3A_455] : memref<10240xf32, #tpu.memory_space<vmem_shared>> -> memref<10240xf32, #tpu.memory_space<vmem_shared>>
      tpu.wait_indirect_dma semaphore(%arg17 : memref<!tpu.dma_semaphore, #tpu.memory_space<semaphore_mem>>) src(%arg18 : memref<128xf32, #tpu.memory_space<vmem>>) dst(%dma_wait3A_456 : memref<10240xf32, #tpu.memory_space<vmem_shared>>)
      %dma_wait3A_457 = arith.constant 0 : i32
      %dma_wait3A_458 = tpu.memref_slice %arg7[%add3A_390, %dma_wait3A_457] : memref<79x128xi32, #tpu.memory_space<vmem>> -> memref<1x128xi32, #tpu.memory_space<vmem>>
      %dma_wait3A_459 = tpu.memref_squeeze %dma_wait3A_458 : memref<1x128xi32, #tpu.memory_space<vmem>> -> memref<128xi32, #tpu.memory_space<vmem>>
      %dma_wait3A_460 = arith.constant 0 : i32
      %dma_wait3A_461 = arith.constant 0 : i32
      %dma_wait3A_462 = tpu.memref_slice %arg15[%dma_wait3A_460, %dma_wait3A_461] : memref<10240x64xf32, #tpu.memory_space<vmem_shared>> -> memref<10240x64xf32, #tpu.memory_space<vmem_shared>>
      tpu.wait_indirect_dma semaphore(%arg17 : memref<!tpu.dma_semaphore, #tpu.memory_space<semaphore_mem>>) src(%arg13 : memref<128x64xf32, #tpu.memory_space<vmem>>) dst(%dma_wait3A_462 : memref<10240x64xf32, #tpu.memory_space<vmem_shared>>)
      %dma_wait3A_463 = arith.constant 0 : i32
      %dma_wait3A_464 = tpu.memref_slice %arg7[%add3A_390, %dma_wait3A_463] : memref<79x128xi32, #tpu.memory_space<vmem>> -> memref<1x128xi32, #tpu.memory_space<vmem>>
      %dma_wait3A_465 = tpu.memref_squeeze %dma_wait3A_464 : memref<1x128xi32, #tpu.memory_space<vmem>> -> memref<128xi32, #tpu.memory_space<vmem>>
      %dma_wait3A_466 = arith.constant 0 : i32
      %dma_wait3A_467 = tpu.memref_slice %arg20[%dma_wait3A_466] : memref<10240xf32, #tpu.memory_space<vmem_shared>> -> memref<10240xf32, #tpu.memory_space<vmem_shared>>
      tpu.wait_indirect_dma semaphore(%arg17 : memref<!tpu.dma_semaphore, #tpu.memory_space<semaphore_mem>>) src(%arg18 : memref<128xf32, #tpu.memory_space<vmem>>) dst(%dma_wait3A_467 : memref<10240xf32, #tpu.memory_space<vmem_shared>>)
    }
    %scan3A_232 = arith.constant 13 : i32
    %convert_element_type3A_233 = arith.extui %lt3A_5 : i1 to i32
    %cond3A_234 = arith.constant 0 : i32
    %cond3A_235 = arith.cmpi ne, %convert_element_type3A_233, %cond3A_234 : i32
    scf.if %cond3A_235 {
      %dma_start3A = arith.constant 78 : i32
      %dma_start3A_239 = arith.constant 0 : i32
      %dma_start3A_240 = tpu.memref_slice %arg6[%dma_start3A, %dma_start3A_239] : memref<79x128xi32, #tpu.memory_space<vmem>> -> memref<1x128xi32, #tpu.memory_space<vmem>>
      %dma_start3A_241 = tpu.memref_squeeze %dma_start3A_240 : memref<1x128xi32, #tpu.memory_space<vmem>> -> memref<128xi32, #tpu.memory_space<vmem>>
      %dma_start3A_242 = arith.constant 0 : i32
      %dma_start3A_243 = arith.constant 0 : i32
      %dma_start3A_244 = tpu.memref_slice %arg2[%dma_start3A_242, %dma_start3A_243] : memref<10000x64xf32, #tpu.memory_space<hbm>> -> memref<10000x64xf32, #tpu.memory_space<hbm>>
      tpu.enqueue_indirect_dma source(%dma_start3A_244 : memref<10000x64xf32, #tpu.memory_space<hbm>>) target(%arg8 : memref<128x64xf32, #tpu.memory_space<vmem>>) offsets(%dma_start3A_241 : memref<128xi32, #tpu.memory_space<vmem>>) semaphore(%arg16 : memref<!tpu.dma_semaphore, #tpu.memory_space<semaphore_mem>>)
      %dma_wait3A = arith.constant 78 : i32
      %dma_wait3A_245 = arith.constant 0 : i32
      %dma_wait3A_246 = tpu.memref_slice %arg6[%dma_wait3A, %dma_wait3A_245] : memref<79x128xi32, #tpu.memory_space<vmem>> -> memref<1x128xi32, #tpu.memory_space<vmem>>
      %dma_wait3A_247 = tpu.memref_squeeze %dma_wait3A_246 : memref<1x128xi32, #tpu.memory_space<vmem>> -> memref<128xi32, #tpu.memory_space<vmem>>
      %dma_wait3A_248 = arith.constant 0 : i32
      %dma_wait3A_249 = arith.constant 0 : i32
      %dma_wait3A_250 = tpu.memref_slice %arg2[%dma_wait3A_248, %dma_wait3A_249] : memref<10000x64xf32, #tpu.memory_space<hbm>> -> memref<10000x64xf32, #tpu.memory_space<hbm>>
      tpu.wait_indirect_dma semaphore(%arg16 : memref<!tpu.dma_semaphore, #tpu.memory_space<semaphore_mem>>) src(%dma_wait3A_250 : memref<10000x64xf32, #tpu.memory_space<hbm>>) dst(%arg8 : memref<128x64xf32, #tpu.memory_space<vmem>>)
      %dma_start3A_251 = arith.constant 78 : i32
      %dma_start3A_252 = arith.constant 0 : i32
      %dma_start3A_253 = tpu.memref_slice %arg7[%dma_start3A_251, %dma_start3A_252] : memref<79x128xi32, #tpu.memory_space<vmem>> -> memref<1x128xi32, #tpu.memory_space<vmem>>
      %dma_start3A_254 = tpu.memref_squeeze %dma_start3A_253 : memref<1x128xi32, #tpu.memory_space<vmem>> -> memref<128xi32, #tpu.memory_space<vmem>>
      %dma_start3A_255 = arith.constant 0 : i32
      %dma_start3A_256 = arith.constant 0 : i32
      %dma_start3A_257 = tpu.memref_slice %arg15[%dma_start3A_255, %dma_start3A_256] : memref<10240x64xf32, #tpu.memory_space<vmem_shared>> -> memref<10240x64xf32, #tpu.memory_space<vmem_shared>>
      tpu.enqueue_indirect_dma source(%arg8 : memref<128x64xf32, #tpu.memory_space<vmem>>) target(%dma_start3A_257 : memref<10240x64xf32, #tpu.memory_space<vmem_shared>>) offsets(%dma_start3A_254 : memref<128xi32, #tpu.memory_space<vmem>>) semaphore(%arg17 : memref<!tpu.dma_semaphore, #tpu.memory_space<semaphore_mem>>) {add = true}
      %dma_start3A_258 = arith.constant 78 : i32
      %dma_start3A_259 = arith.constant 0 : i32
      %dma_start3A_260 = tpu.memref_slice %arg7[%dma_start3A_258, %dma_start3A_259] : memref<79x128xi32, #tpu.memory_space<vmem>> -> memref<1x128xi32, #tpu.memory_space<vmem>>
      %dma_start3A_261 = tpu.memref_squeeze %dma_start3A_260 : memref<1x128xi32, #tpu.memory_space<vmem>> -> memref<128xi32, #tpu.memory_space<vmem>>
      %dma_start3A_262 = arith.constant 0 : i32
      %dma_start3A_263 = tpu.memref_slice %arg20[%dma_start3A_262] : memref<10240xf32, #tpu.memory_space<vmem_shared>> -> memref<10240xf32, #tpu.memory_space<vmem_shared>>
      tpu.enqueue_indirect_dma source(%arg18 : memref<128xf32, #tpu.memory_space<vmem>>) target(%dma_start3A_263 : memref<10240xf32, #tpu.memory_space<vmem_shared>>) offsets(%dma_start3A_261 : memref<128xi32, #tpu.memory_space<vmem>>) semaphore(%arg17 : memref<!tpu.dma_semaphore, #tpu.memory_space<semaphore_mem>>) {add = true}
      %dma_wait3A_264 = arith.constant 78 : i32
      %dma_wait3A_265 = arith.constant 0 : i32
      %dma_wait3A_266 = tpu.memref_slice %arg7[%dma_wait3A_264, %dma_wait3A_265] : memref<79x128xi32, #tpu.memory_space<vmem>> -> memref<1x128xi32, #tpu.memory_space<vmem>>
      %dma_wait3A_267 = tpu.memref_squeeze %dma_wait3A_266 : memref<1x128xi32, #tpu.memory_space<vmem>> -> memref<128xi32, #tpu.memory_space<vmem>>
      %dma_wait3A_268 = arith.constant 0 : i32
      %dma_wait3A_269 = arith.constant 0 : i32
      %dma_wait3A_270 = tpu.memref_slice %arg15[%dma_wait3A_268, %dma_wait3A_269] : memref<10240x64xf32, #tpu.memory_space<vmem_shared>> -> memref<10240x64xf32, #tpu.memory_space<vmem_shared>>
      tpu.wait_indirect_dma semaphore(%arg17 : memref<!tpu.dma_semaphore, #tpu.memory_space<semaphore_mem>>) src(%arg8 : memref<128x64xf32, #tpu.memory_space<vmem>>) dst(%dma_wait3A_270 : memref<10240x64xf32, #tpu.memory_space<vmem_shared>>)
      %dma_wait3A_271 = arith.constant 78 : i32
      %dma_wait3A_272 = arith.constant 0 : i32
      %dma_wait3A_273 = tpu.memref_slice %arg7[%dma_wait3A_271, %dma_wait3A_272] : memref<79x128xi32, #tpu.memory_space<vmem>> -> memref<1x128xi32, #tpu.memory_space<vmem>>
      %dma_wait3A_274 = tpu.memref_squeeze %dma_wait3A_273 : memref<1x128xi32, #tpu.memory_space<vmem>> -> memref<128xi32, #tpu.memory_space<vmem>>
      %dma_wait3A_275 = arith.constant 0 : i32
      %dma_wait3A_276 = tpu.memref_slice %arg20[%dma_wait3A_275] : memref<10240xf32, #tpu.memory_space<vmem_shared>> -> memref<10240xf32, #tpu.memory_space<vmem_shared>>
      tpu.wait_indirect_dma semaphore(%arg17 : memref<!tpu.dma_semaphore, #tpu.memory_space<semaphore_mem>>) src(%arg18 : memref<128xf32, #tpu.memory_space<vmem>>) dst(%dma_wait3A_276 : memref<10240xf32, #tpu.memory_space<vmem_shared>>)
    } else {
    }
    %barrier3A_236 = arith.constant 0 : index
    tpu.barrier barrier_id(%barrier3A_236)
    %mul3A_237 = arith.constant 640 : i32
    %mul3A_238 = arith.muli %arg1, %mul3A_237 : i32
    "tpu.region"() ({
      %run_scoped3A_239 = tpu.sem_alloc : memref<!tpu.dma_semaphore, #tpu.memory_space<semaphore_mem>>
      %dma_start3A = arith.constant 0 : i32
      %dma_start3A_240 = tpu.memref_slice %arg4[%arg0, %mul3A_238, %dma_start3A] : memref<2x10240x64xf32, #tpu.memory_space<hbm>> -> memref<1x640x64xf32, #tpu.memory_space<hbm>>
      %dma_start3A_241 = tpu.memref_squeeze %dma_start3A_240 : memref<1x640x64xf32, #tpu.memory_space<hbm>> -> memref<640x64xf32, #tpu.memory_space<hbm>>
      %dma_start3A_242 = arith.constant 0 : i32
      %dma_start3A_243 = tpu.memref_slice %arg15[%mul3A_238, %dma_start3A_242] : memref<10240x64xf32, #tpu.memory_space<vmem_shared>> -> memref<640x64xf32, #tpu.memory_space<vmem_shared>>
      tpu.enqueue_dma source(%dma_start3A_243 : memref<640x64xf32, #tpu.memory_space<vmem_shared>>) target(%dma_start3A_241 : memref<640x64xf32, #tpu.memory_space<hbm>>) target_semaphore(%run_scoped3A_239 : memref<!tpu.dma_semaphore, #tpu.memory_space<semaphore_mem>>)
      %dma_wait3A = arith.constant 0 : i32
      %dma_wait3A_244 = tpu.memref_slice %arg4[%arg0, %mul3A_238, %dma_wait3A] : memref<2x10240x64xf32, #tpu.memory_space<hbm>> -> memref<1x640x64xf32, #tpu.memory_space<hbm>>
      %dma_wait3A_245 = tpu.memref_squeeze %dma_wait3A_244 : memref<1x640x64xf32, #tpu.memory_space<hbm>> -> memref<640x64xf32, #tpu.memory_space<hbm>>
      %dma_wait3A_246 = arith.constant 0 : i32
      %dma_wait3A_247 = tpu.memref_slice %arg15[%mul3A_238, %dma_wait3A_246] : memref<10240x64xf32, #tpu.memory_space<vmem_shared>> -> memref<640x64xf32, #tpu.memory_space<vmem_shared>>
      tpu.wait_dma2 semaphore(%run_scoped3A_239 : memref<!tpu.dma_semaphore, #tpu.memory_space<semaphore_mem>>) src(%dma_wait3A_247 : memref<640x64xf32, #tpu.memory_space<vmem_shared>>) dst(%dma_wait3A_245 : memref<640x64xf32, #tpu.memory_space<hbm>>)
      tpu.yield
    }) : () -> ()
    "tpu.region"() ({
      %run_scoped3A_239 = tpu.sem_alloc : memref<!tpu.dma_semaphore, #tpu.memory_space<semaphore_mem>>
      %dma_start3A = tpu.memref_slice %arg5[%arg0, %mul3A_238] : memref<2x10240xf32, #tpu.memory_space<hbm>> -> memref<1x640xf32, #tpu.memory_space<hbm>>
      %dma_start3A_240 = tpu.memref_squeeze %dma_start3A : memref<1x640xf32, #tpu.memory_space<hbm>> -> memref<640xf32, #tpu.memory_space<hbm>>
      %dma_start3A_241 = tpu.memref_slice %arg20[%mul3A_238] : memref<10240xf32, #tpu.memory_space<vmem_shared>> -> memref<640xf32, #tpu.memory_space<vmem_shared>>
      tpu.enqueue_dma source(%dma_start3A_241 : memref<640xf32, #tpu.memory_space<vmem_shared>>) target(%dma_start3A_240 : memref<640xf32, #tpu.memory_space<hbm>>) target_semaphore(%run_scoped3A_239 : memref<!tpu.dma_semaphore, #tpu.memory_space<semaphore_mem>>)
      %dma_wait3A = tpu.memref_slice %arg5[%arg0, %mul3A_238] : memref<2x10240xf32, #tpu.memory_space<hbm>> -> memref<1x640xf32, #tpu.memory_space<hbm>>
      %dma_wait3A_242 = tpu.memref_squeeze %dma_wait3A : memref<1x640xf32, #tpu.memory_space<hbm>> -> memref<640xf32, #tpu.memory_space<hbm>>
      %dma_wait3A_243 = tpu.memref_slice %arg20[%mul3A_238] : memref<10240xf32, #tpu.memory_space<vmem_shared>> -> memref<640xf32, #tpu.memory_space<vmem_shared>>
      tpu.wait_dma2 semaphore(%run_scoped3A_239 : memref<!tpu.dma_semaphore, #tpu.memory_space<semaphore_mem>>) src(%dma_wait3A_243 : memref<640xf32, #tpu.memory_space<vmem_shared>>) dst(%dma_wait3A_242 : memref<640xf32, #tpu.memory_space<hbm>>)
      tpu.yield
    }) : () -> ()
    return
  }
}

#map = affine_map<(d0, d1) -> (0, 0)>
#map1 = affine_map<(d0, d1) -> (0, 0, 0)>
module attributes {stable_mosaic.version = 14 : i64} {
  func.func @body(%arg0: i32, %arg1: i32, %arg2: memref<10000x64xf32, #tpu.memory_space<hbm>>, %arg3: memref<2x2500x128xi32, #tpu.memory_space<hbm>>, %arg4: memref<2x10240x64xf32, #tpu.memory_space<hbm>>, %arg5: memref<79x128xi32, #tpu.memory_space<vmem>>, %arg6: memref<79x128xi32, #tpu.memory_space<vmem>>, %arg7: memref<128x64xf32, #tpu.memory_space<vmem>>, %arg8: memref<128x64xf32, #tpu.memory_space<vmem>>, %arg9: memref<128x64xf32, #tpu.memory_space<vmem>>, %arg10: memref<128x64xf32, #tpu.memory_space<vmem>>, %arg11: memref<128x64xf32, #tpu.memory_space<vmem>>, %arg12: memref<128x64xf32, #tpu.memory_space<vmem>>, %arg13: memref<128x64xf32, #tpu.memory_space<vmem>>, %arg14: memref<10240x64xf32, #tpu.memory_space<vmem_shared>>, %arg15: memref<!tpu.dma_semaphore, #tpu.memory_space<semaphore_mem>>, %arg16: memref<!tpu.dma_semaphore, #tpu.memory_space<semaphore_mem>>) attributes {dimension_semantics = [#tpu.dimension_semantics<core_parallel>, #tpu.dimension_semantics<subcore_parallel>], iteration_bounds = array<i64: 2, 16>, scalar_prefetch = 0 : i64, scratch_operands = 12 : i64, tpu.core_type = #tpu.core_type<sc_vector_subcore>, window_params = [{transform_indices = #map}, {transform_indices = #map1}, {transform_indices = #map1}]} {
    %mul3A = arith.constant 2 : i32
    %mul3A_0 = arith.muli %arg1, %mul3A : i32
    %add3A = arith.addi %mul3A_0, %arg0 : i32
    %mul3A_1 = arith.constant 78 : i32
    %mul3A_2 = arith.muli %mul3A_1, %add3A : i32
    %min3A = arith.constant 4 : i32
    %min3A_3 = arith.minsi %add3A, %min3A : i32
    %add3A_4 = arith.addi %mul3A_2, %min3A_3 : i32
    %lt3A = arith.constant 4 : i32
    %lt3A_5 = arith.cmpi slt, %add3A, %lt3A : i32
    %broadcast_in_dim3A = arith.constant 0.000000e+00 : f32
    %broadcast_in_dim3A_6 = vector.broadcast %broadcast_in_dim3A : f32 to vector<16xf32>
    %scan3A = arith.constant 0 : i32
    %scan3A_7 = arith.constant 128 : i32
    %scan3A_8 = arith.addi %scan3A, %scan3A_7 : i32
    %scan3A_9 = arith.constant 1 : i32
    scf.for %scan3A_44 = %scan3A to %scan3A_8 step %scan3A_9  : i32 {
      %swap3A = arith.index_cast %scan3A_44 : i32 to index
      %swap3A_45 = arith.constant 0 : index
      %swap3A_46 = tpu.vector_load %arg13[%swap3A, %swap3A_45] {strides = array<i32>} : memref<128x64xf32, #tpu.memory_space<vmem>>, vector<1x16xf32>,
      %swap3A_47 = vector.shape_cast %swap3A_46 : vector<1x16xf32> to vector<16xf32>
      %swap3A_48 = vector.shape_cast %broadcast_in_dim3A_6 : vector<16xf32> to vector<1x16xf32>
      tpu.vector_store %arg13[%swap3A, %swap3A_45], %swap3A_48 {strides = array<i32>} : memref<128x64xf32, #tpu.memory_space<vmem>>, vector<1x16xf32>,
      %swap3A_49 = arith.index_cast %scan3A_44 : i32 to index
      %swap3A_50 = arith.constant 16 : index
      %swap3A_51 = tpu.vector_load %arg13[%swap3A_49, %swap3A_50] {strides = array<i32>} : memref<128x64xf32, #tpu.memory_space<vmem>>, vector<1x16xf32>,
      %swap3A_52 = vector.shape_cast %swap3A_51 : vector<1x16xf32> to vector<16xf32>
      %swap3A_53 = vector.shape_cast %broadcast_in_dim3A_6 : vector<16xf32> to vector<1x16xf32>
      tpu.vector_store %arg13[%swap3A_49, %swap3A_50], %swap3A_53 {strides = array<i32>} : memref<128x64xf32, #tpu.memory_space<vmem>>, vector<1x16xf32>,
      %swap3A_54 = arith.index_cast %scan3A_44 : i32 to index
      %swap3A_55 = arith.constant 32 : index
      %swap3A_56 = tpu.vector_load %arg13[%swap3A_54, %swap3A_55] {strides = array<i32>} : memref<128x64xf32, #tpu.memory_space<vmem>>, vector<1x16xf32>,
      %swap3A_57 = vector.shape_cast %swap3A_56 : vector<1x16xf32> to vector<16xf32>
      %swap3A_58 = vector.shape_cast %broadcast_in_dim3A_6 : vector<16xf32> to vector<1x16xf32>
      tpu.vector_store %arg13[%swap3A_54, %swap3A_55], %swap3A_58 {strides = array<i32>} : memref<128x64xf32, #tpu.memory_space<vmem>>, vector<1x16xf32>,
      %swap3A_59 = arith.index_cast %scan3A_44 : i32 to index
      %swap3A_60 = arith.constant 48 : index
      %swap3A_61 = tpu.vector_load %arg13[%swap3A_59, %swap3A_60] {strides = array<i32>} : memref<128x64xf32, #tpu.memory_space<vmem>>, vector<1x16xf32>,
      %swap3A_62 = vector.shape_cast %swap3A_61 : vector<1x16xf32> to vector<16xf32>
      %swap3A_63 = vector.shape_cast %broadcast_in_dim3A_6 : vector<16xf32> to vector<1x16xf32>
      tpu.vector_store %arg13[%swap3A_59, %swap3A_60], %swap3A_63 {strides = array<i32>} : memref<128x64xf32, #tpu.memory_space<vmem>>, vector<1x16xf32>,
    }
    %scan3A_10 = arith.constant 128 : i32
    %mul3A_11 = arith.constant 640 : i32
    %mul3A_12 = arith.muli %arg1, %mul3A_11 : i32
    %add3A_13 = arith.constant 0 : i32
    %add3A_14 = arith.addi %mul3A_12, %add3A_13 : i32
    "tpu.region"() ({
      %run_scoped3A_44 = tpu.sem_alloc : memref<!tpu.dma_semaphore, #tpu.memory_space<semaphore_mem>>
      %dma_start3A = arith.constant 0 : i32
      %dma_start3A_45 = tpu.memref_slice %arg14[%add3A_14, %dma_start3A] : memref<10240x64xf32, #tpu.memory_space<vmem_shared>> -> memref<128x64xf32, #tpu.memory_space<vmem_shared>>
      %dma_start3A_46 = arith.constant 0 : i32
      %dma_start3A_47 = tpu.memref_slice %arg14[%add3A_14, %dma_start3A_46] : memref<10240x64xf32, #tpu.memory_space<vmem_shared>> -> memref<128x64xf32, #tpu.memory_space<vmem_shared>>
      tpu.enqueue_dma source(%arg13 : memref<128x64xf32, #tpu.memory_space<vmem>>) target(%dma_start3A_47 : memref<128x64xf32, #tpu.memory_space<vmem_shared>>) target_semaphore(%run_scoped3A_44 : memref<!tpu.dma_semaphore, #tpu.memory_space<semaphore_mem>>)
      %dma_wait3A = arith.constant 0 : i32
      %dma_wait3A_48 = tpu.memref_slice %arg14[%add3A_14, %dma_wait3A] : memref<10240x64xf32, #tpu.memory_space<vmem_shared>> -> memref<128x64xf32, #tpu.memory_space<vmem_shared>>
      %dma_wait3A_49 = arith.constant 0 : i32
      %dma_wait3A_50 = tpu.memref_slice %arg14[%add3A_14, %dma_wait3A_49] : memref<10240x64xf32, #tpu.memory_space<vmem_shared>> -> memref<128x64xf32, #tpu.memory_space<vmem_shared>>
      tpu.wait_dma2 semaphore(%run_scoped3A_44 : memref<!tpu.dma_semaphore, #tpu.memory_space<semaphore_mem>>) src(%arg13 : memref<128x64xf32, #tpu.memory_space<vmem>>) dst(%dma_wait3A_50 : memref<128x64xf32, #tpu.memory_space<vmem_shared>>)
      tpu.yield
    }) : () -> ()
    %mul3A_15 = arith.constant 640 : i32
    %mul3A_16 = arith.muli %arg1, %mul3A_15 : i32
    %add3A_17 = arith.constant 128 : i32
    %add3A_18 = arith.addi %mul3A_16, %add3A_17 : i32
    "tpu.region"() ({
      %run_scoped3A_44 = tpu.sem_alloc : memref<!tpu.dma_semaphore, #tpu.memory_space<semaphore_mem>>
      %dma_start3A = arith.constant 0 : i32
      %dma_start3A_45 = tpu.memref_slice %arg14[%add3A_18, %dma_start3A] : memref<10240x64xf32, #tpu.memory_space<vmem_shared>> -> memref<128x64xf32, #tpu.memory_space<vmem_shared>>
      %dma_start3A_46 = arith.constant 0 : i32
      %dma_start3A_47 = tpu.memref_slice %arg14[%add3A_18, %dma_start3A_46] : memref<10240x64xf32, #tpu.memory_space<vmem_shared>> -> memref<128x64xf32, #tpu.memory_space<vmem_shared>>
      tpu.enqueue_dma source(%arg13 : memref<128x64xf32, #tpu.memory_space<vmem>>) target(%dma_start3A_47 : memref<128x64xf32, #tpu.memory_space<vmem_shared>>) target_semaphore(%run_scoped3A_44 : memref<!tpu.dma_semaphore, #tpu.memory_space<semaphore_mem>>)
      %dma_wait3A = arith.constant 0 : i32
      %dma_wait3A_48 = tpu.memref_slice %arg14[%add3A_18, %dma_wait3A] : memref<10240x64xf32, #tpu.memory_space<vmem_shared>> -> memref<128x64xf32, #tpu.memory_space<vmem_shared>>
      %dma_wait3A_49 = arith.constant 0 : i32
      %dma_wait3A_50 = tpu.memref_slice %arg14[%add3A_18, %dma_wait3A_49] : memref<10240x64xf32, #tpu.memory_space<vmem_shared>> -> memref<128x64xf32, #tpu.memory_space<vmem_shared>>
      tpu.wait_dma2 semaphore(%run_scoped3A_44 : memref<!tpu.dma_semaphore, #tpu.memory_space<semaphore_mem>>) src(%arg13 : memref<128x64xf32, #tpu.memory_space<vmem>>) dst(%dma_wait3A_50 : memref<128x64xf32, #tpu.memory_space<vmem_shared>>)
      tpu.yield
    }) : () -> ()
    %mul3A_19 = arith.constant 640 : i32
    %mul3A_20 = arith.muli %arg1, %mul3A_19 : i32
    %add3A_21 = arith.constant 256 : i32
    %add3A_22 = arith.addi %mul3A_20, %add3A_21 : i32
    "tpu.region"() ({
      %run_scoped3A_44 = tpu.sem_alloc : memref<!tpu.dma_semaphore, #tpu.memory_space<semaphore_mem>>
      %dma_start3A = arith.constant 0 : i32
      %dma_start3A_45 = tpu.memref_slice %arg14[%add3A_22, %dma_start3A] : memref<10240x64xf32, #tpu.memory_space<vmem_shared>> -> memref<128x64xf32, #tpu.memory_space<vmem_shared>>
      %dma_start3A_46 = arith.constant 0 : i32
      %dma_start3A_47 = tpu.memref_slice %arg14[%add3A_22, %dma_start3A_46] : memref<10240x64xf32, #tpu.memory_space<vmem_shared>> -> memref<128x64xf32, #tpu.memory_space<vmem_shared>>
      tpu.enqueue_dma source(%arg13 : memref<128x64xf32, #tpu.memory_space<vmem>>) target(%dma_start3A_47 : memref<128x64xf32, #tpu.memory_space<vmem_shared>>) target_semaphore(%run_scoped3A_44 : memref<!tpu.dma_semaphore, #tpu.memory_space<semaphore_mem>>)
      %dma_wait3A = arith.constant 0 : i32
      %dma_wait3A_48 = tpu.memref_slice %arg14[%add3A_22, %dma_wait3A] : memref<10240x64xf32, #tpu.memory_space<vmem_shared>> -> memref<128x64xf32, #tpu.memory_space<vmem_shared>>
      %dma_wait3A_49 = arith.constant 0 : i32
      %dma_wait3A_50 = tpu.memref_slice %arg14[%add3A_22, %dma_wait3A_49] : memref<10240x64xf32, #tpu.memory_space<vmem_shared>> -> memref<128x64xf32, #tpu.memory_space<vmem_shared>>
      tpu.wait_dma2 semaphore(%run_scoped3A_44 : memref<!tpu.dma_semaphore, #tpu.memory_space<semaphore_mem>>) src(%arg13 : memref<128x64xf32, #tpu.memory_space<vmem>>) dst(%dma_wait3A_50 : memref<128x64xf32, #tpu.memory_space<vmem_shared>>)
      tpu.yield
    }) : () -> ()
    %mul3A_23 = arith.constant 640 : i32
    %mul3A_24 = arith.muli %arg1, %mul3A_23 : i32
    %add3A_25 = arith.constant 384 : i32
    %add3A_26 = arith.addi %mul3A_24, %add3A_25 : i32
    "tpu.region"() ({
      %run_scoped3A_44 = tpu.sem_alloc : memref<!tpu.dma_semaphore, #tpu.memory_space<semaphore_mem>>
      %dma_start3A = arith.constant 0 : i32
      %dma_start3A_45 = tpu.memref_slice %arg14[%add3A_26, %dma_start3A] : memref<10240x64xf32, #tpu.memory_space<vmem_shared>> -> memref<128x64xf32, #tpu.memory_space<vmem_shared>>
      %dma_start3A_46 = arith.constant 0 : i32
      %dma_start3A_47 = tpu.memref_slice %arg14[%add3A_26, %dma_start3A_46] : memref<10240x64xf32, #tpu.memory_space<vmem_shared>> -> memref<128x64xf32, #tpu.memory_space<vmem_shared>>
      tpu.enqueue_dma source(%arg13 : memref<128x64xf32, #tpu.memory_space<vmem>>) target(%dma_start3A_47 : memref<128x64xf32, #tpu.memory_space<vmem_shared>>) target_semaphore(%run_scoped3A_44 : memref<!tpu.dma_semaphore, #tpu.memory_space<semaphore_mem>>)
      %dma_wait3A = arith.constant 0 : i32
      %dma_wait3A_48 = tpu.memref_slice %arg14[%add3A_26, %dma_wait3A] : memref<10240x64xf32, #tpu.memory_space<vmem_shared>> -> memref<128x64xf32, #tpu.memory_space<vmem_shared>>
      %dma_wait3A_49 = arith.constant 0 : i32
      %dma_wait3A_50 = tpu.memref_slice %arg14[%add3A_26, %dma_wait3A_49] : memref<10240x64xf32, #tpu.memory_space<vmem_shared>> -> memref<128x64xf32, #tpu.memory_space<vmem_shared>>
      tpu.wait_dma2 semaphore(%run_scoped3A_44 : memref<!tpu.dma_semaphore, #tpu.memory_space<semaphore_mem>>) src(%arg13 : memref<128x64xf32, #tpu.memory_space<vmem>>) dst(%dma_wait3A_50 : memref<128x64xf32, #tpu.memory_space<vmem_shared>>)
      tpu.yield
    }) : () -> ()
    %mul3A_27 = arith.constant 640 : i32
    %mul3A_28 = arith.muli %arg1, %mul3A_27 : i32
    %add3A_29 = arith.constant 512 : i32
    %add3A_30 = arith.addi %mul3A_28, %add3A_29 : i32
    "tpu.region"() ({
      %run_scoped3A_44 = tpu.sem_alloc : memref<!tpu.dma_semaphore, #tpu.memory_space<semaphore_mem>>
      %dma_start3A = arith.constant 0 : i32
      %dma_start3A_45 = tpu.memref_slice %arg14[%add3A_30, %dma_start3A] : memref<10240x64xf32, #tpu.memory_space<vmem_shared>> -> memref<128x64xf32, #tpu.memory_space<vmem_shared>>
      %dma_start3A_46 = arith.constant 0 : i32
      %dma_start3A_47 = tpu.memref_slice %arg14[%add3A_30, %dma_start3A_46] : memref<10240x64xf32, #tpu.memory_space<vmem_shared>> -> memref<128x64xf32, #tpu.memory_space<vmem_shared>>
      tpu.enqueue_dma source(%arg13 : memref<128x64xf32, #tpu.memory_space<vmem>>) target(%dma_start3A_47 : memref<128x64xf32, #tpu.memory_space<vmem_shared>>) target_semaphore(%run_scoped3A_44 : memref<!tpu.dma_semaphore, #tpu.memory_space<semaphore_mem>>)
      %dma_wait3A = arith.constant 0 : i32
      %dma_wait3A_48 = tpu.memref_slice %arg14[%add3A_30, %dma_wait3A] : memref<10240x64xf32, #tpu.memory_space<vmem_shared>> -> memref<128x64xf32, #tpu.memory_space<vmem_shared>>
      %dma_wait3A_49 = arith.constant 0 : i32
      %dma_wait3A_50 = tpu.memref_slice %arg14[%add3A_30, %dma_wait3A_49] : memref<10240x64xf32, #tpu.memory_space<vmem_shared>> -> memref<128x64xf32, #tpu.memory_space<vmem_shared>>
      tpu.wait_dma2 semaphore(%run_scoped3A_44 : memref<!tpu.dma_semaphore, #tpu.memory_space<semaphore_mem>>) src(%arg13 : memref<128x64xf32, #tpu.memory_space<vmem>>) dst(%dma_wait3A_50 : memref<128x64xf32, #tpu.memory_space<vmem_shared>>)
      tpu.yield
    }) : () -> ()
    %barrier3A = arith.constant 0 : index
    tpu.barrier barrier_id(%barrier3A)
    %run_scoped3A = arith.constant 0 : i32
    "tpu.region"() ({
      %run_scoped3A_44 = tpu.sem_alloc : memref<!tpu.dma_semaphore, #tpu.memory_space<semaphore_mem>>
      %dma_start3A = arith.constant 0 : i32
      %dma_start3A_45 = arith.constant 0 : i32
      %dma_start3A_46 = tpu.memref_slice %arg5[%dma_start3A, %dma_start3A_45] : memref<79x128xi32, #tpu.memory_space<vmem>> -> memref<78x128xi32, #tpu.memory_space<vmem>>
      %dma_start3A_47 = arith.constant 0 : i32
      %dma_start3A_48 = tpu.memref_slice %arg3[%run_scoped3A, %add3A_4, %dma_start3A_47] : memref<2x2500x128xi32, #tpu.memory_space<hbm>> -> memref<1x78x128xi32, #tpu.memory_space<hbm>>
      %dma_start3A_49 = tpu.memref_squeeze %dma_start3A_48 : memref<1x78x128xi32, #tpu.memory_space<hbm>> -> memref<78x128xi32, #tpu.memory_space<hbm>>
      %dma_start3A_50 = arith.constant 0 : i32
      %dma_start3A_51 = arith.constant 0 : i32
      %dma_start3A_52 = tpu.memref_slice %arg5[%dma_start3A_50, %dma_start3A_51] : memref<79x128xi32, #tpu.memory_space<vmem>> -> memref<78x128xi32, #tpu.memory_space<vmem>>
      %dma_start3A_53 = arith.constant 0 : i32
      %dma_start3A_54 = tpu.memref_slice %arg3[%run_scoped3A, %add3A_4, %dma_start3A_53] : memref<2x2500x128xi32, #tpu.memory_space<hbm>> -> memref<1x78x128xi32, #tpu.memory_space<hbm>>
      %dma_start3A_55 = tpu.memref_squeeze %dma_start3A_54 : memref<1x78x128xi32, #tpu.memory_space<hbm>> -> memref<78x128xi32, #tpu.memory_space<hbm>>
      tpu.enqueue_dma source(%dma_start3A_55 : memref<78x128xi32, #tpu.memory_space<hbm>>) target(%dma_start3A_52 : memref<78x128xi32, #tpu.memory_space<vmem>>) target_semaphore(%run_scoped3A_44 : memref<!tpu.dma_semaphore, #tpu.memory_space<semaphore_mem>>)
      %dma_wait3A = arith.constant 0 : i32
      %dma_wait3A_56 = arith.constant 0 : i32
      %dma_wait3A_57 = tpu.memref_slice %arg5[%dma_wait3A, %dma_wait3A_56] : memref<79x128xi32, #tpu.memory_space<vmem>> -> memref<78x128xi32, #tpu.memory_space<vmem>>
      %dma_wait3A_58 = arith.constant 0 : i32
      %dma_wait3A_59 = tpu.memref_slice %arg3[%run_scoped3A, %add3A_4, %dma_wait3A_58] : memref<2x2500x128xi32, #tpu.memory_space<hbm>> -> memref<1x78x128xi32, #tpu.memory_space<hbm>>
      %dma_wait3A_60 = tpu.memref_squeeze %dma_wait3A_59 : memref<1x78x128xi32, #tpu.memory_space<hbm>> -> memref<78x128xi32, #tpu.memory_space<hbm>>
      %dma_wait3A_61 = arith.constant 0 : i32
      %dma_wait3A_62 = arith.constant 0 : i32
      %dma_wait3A_63 = tpu.memref_slice %arg5[%dma_wait3A_61, %dma_wait3A_62] : memref<79x128xi32, #tpu.memory_space<vmem>> -> memref<78x128xi32, #tpu.memory_space<vmem>>
      %dma_wait3A_64 = arith.constant 0 : i32
      %dma_wait3A_65 = tpu.memref_slice %arg3[%run_scoped3A, %add3A_4, %dma_wait3A_64] : memref<2x2500x128xi32, #tpu.memory_space<hbm>> -> memref<1x78x128xi32, #tpu.memory_space<hbm>>
      %dma_wait3A_66 = tpu.memref_squeeze %dma_wait3A_65 : memref<1x78x128xi32, #tpu.memory_space<hbm>> -> memref<78x128xi32, #tpu.memory_space<hbm>>
      tpu.wait_dma2 semaphore(%run_scoped3A_44 : memref<!tpu.dma_semaphore, #tpu.memory_space<semaphore_mem>>) src(%dma_wait3A_66 : memref<78x128xi32, #tpu.memory_space<hbm>>) dst(%dma_wait3A_63 : memref<78x128xi32, #tpu.memory_space<vmem>>)
      tpu.yield
    }) : () -> ()
    %run_scoped3A_31 = arith.constant 1 : i32
    "tpu.region"() ({
      %run_scoped3A_44 = tpu.sem_alloc : memref<!tpu.dma_semaphore, #tpu.memory_space<semaphore_mem>>
      %dma_start3A = arith.constant 0 : i32
      %dma_start3A_45 = arith.constant 0 : i32
      %dma_start3A_46 = tpu.memref_slice %arg6[%dma_start3A, %dma_start3A_45] : memref<79x128xi32, #tpu.memory_space<vmem>> -> memref<78x128xi32, #tpu.memory_space<vmem>>
      %dma_start3A_47 = arith.constant 0 : i32
      %dma_start3A_48 = tpu.memref_slice %arg3[%run_scoped3A_31, %add3A_4, %dma_start3A_47] : memref<2x2500x128xi32, #tpu.memory_space<hbm>> -> memref<1x78x128xi32, #tpu.memory_space<hbm>>
      %dma_start3A_49 = tpu.memref_squeeze %dma_start3A_48 : memref<1x78x128xi32, #tpu.memory_space<hbm>> -> memref<78x128xi32, #tpu.memory_space<hbm>>
      %dma_start3A_50 = arith.constant 0 : i32
      %dma_start3A_51 = arith.constant 0 : i32
      %dma_start3A_52 = tpu.memref_slice %arg6[%dma_start3A_50, %dma_start3A_51] : memref<79x128xi32, #tpu.memory_space<vmem>> -> memref<78x128xi32, #tpu.memory_space<vmem>>
      %dma_start3A_53 = arith.constant 0 : i32
      %dma_start3A_54 = tpu.memref_slice %arg3[%run_scoped3A_31, %add3A_4, %dma_start3A_53] : memref<2x2500x128xi32, #tpu.memory_space<hbm>> -> memref<1x78x128xi32, #tpu.memory_space<hbm>>
      %dma_start3A_55 = tpu.memref_squeeze %dma_start3A_54 : memref<1x78x128xi32, #tpu.memory_space<hbm>> -> memref<78x128xi32, #tpu.memory_space<hbm>>
      tpu.enqueue_dma source(%dma_start3A_55 : memref<78x128xi32, #tpu.memory_space<hbm>>) target(%dma_start3A_52 : memref<78x128xi32, #tpu.memory_space<vmem>>) target_semaphore(%run_scoped3A_44 : memref<!tpu.dma_semaphore, #tpu.memory_space<semaphore_mem>>)
      %dma_wait3A = arith.constant 0 : i32
      %dma_wait3A_56 = arith.constant 0 : i32
      %dma_wait3A_57 = tpu.memref_slice %arg6[%dma_wait3A, %dma_wait3A_56] : memref<79x128xi32, #tpu.memory_space<vmem>> -> memref<78x128xi32, #tpu.memory_space<vmem>>
      %dma_wait3A_58 = arith.constant 0 : i32
      %dma_wait3A_59 = tpu.memref_slice %arg3[%run_scoped3A_31, %add3A_4, %dma_wait3A_58] : memref<2x2500x128xi32, #tpu.memory_space<hbm>> -> memref<1x78x128xi32, #tpu.memory_space<hbm>>
      %dma_wait3A_60 = tpu.memref_squeeze %dma_wait3A_59 : memref<1x78x128xi32, #tpu.memory_space<hbm>> -> memref<78x128xi32, #tpu.memory_space<hbm>>
      %dma_wait3A_61 = arith.constant 0 : i32
      %dma_wait3A_62 = arith.constant 0 : i32
      %dma_wait3A_63 = tpu.memref_slice %arg6[%dma_wait3A_61, %dma_wait3A_62] : memref<79x128xi32, #tpu.memory_space<vmem>> -> memref<78x128xi32, #tpu.memory_space<vmem>>
      %dma_wait3A_64 = arith.constant 0 : i32
      %dma_wait3A_65 = tpu.memref_slice %arg3[%run_scoped3A_31, %add3A_4, %dma_wait3A_64] : memref<2x2500x128xi32, #tpu.memory_space<hbm>> -> memref<1x78x128xi32, #tpu.memory_space<hbm>>
      %dma_wait3A_66 = tpu.memref_squeeze %dma_wait3A_65 : memref<1x78x128xi32, #tpu.memory_space<hbm>> -> memref<78x128xi32, #tpu.memory_space<hbm>>
      tpu.wait_dma2 semaphore(%run_scoped3A_44 : memref<!tpu.dma_semaphore, #tpu.memory_space<semaphore_mem>>) src(%dma_wait3A_66 : memref<78x128xi32, #tpu.memory_space<hbm>>) dst(%dma_wait3A_63 : memref<78x128xi32, #tpu.memory_space<vmem>>)
      tpu.yield
    }) : () -> ()
    %convert_element_type3A = arith.extui %lt3A_5 : i1 to i32
    %cond3A = arith.constant 0 : i32
    %cond3A_32 = arith.cmpi ne, %convert_element_type3A, %cond3A : i32
    scf.if %cond3A_32 {
      %add3A_44 = arith.constant 78 : i32
      %add3A_45 = arith.addi %add3A_4, %add3A_44 : i32
      %run_scoped3A_46 = arith.constant 0 : i32
      "tpu.region"() ({
        %run_scoped3A_50 = tpu.sem_alloc : memref<!tpu.dma_semaphore, #tpu.memory_space<semaphore_mem>>
        %dma_start3A = arith.constant 78 : i32
        %dma_start3A_51 = arith.constant 0 : i32
        %dma_start3A_52 = tpu.memref_slice %arg5[%dma_start3A, %dma_start3A_51] : memref<79x128xi32, #tpu.memory_space<vmem>> -> memref<1x128xi32, #tpu.memory_space<vmem>>
        %dma_start3A_53 = arith.constant 0 : i32
        %dma_start3A_54 = tpu.memref_slice %arg3[%run_scoped3A_46, %add3A_45, %dma_start3A_53] : memref<2x2500x128xi32, #tpu.memory_space<hbm>> -> memref<1x1x128xi32, #tpu.memory_space<hbm>>
        %dma_start3A_55 = tpu.memref_squeeze %dma_start3A_54 : memref<1x1x128xi32, #tpu.memory_space<hbm>> -> memref<1x128xi32, #tpu.memory_space<hbm>>
        %dma_start3A_56 = arith.constant 78 : i32
        %dma_start3A_57 = arith.constant 0 : i32
        %dma_start3A_58 = tpu.memref_slice %arg5[%dma_start3A_56, %dma_start3A_57] : memref<79x128xi32, #tpu.memory_space<vmem>> -> memref<1x128xi32, #tpu.memory_space<vmem>>
        %dma_start3A_59 = arith.constant 0 : i32
        %dma_start3A_60 = tpu.memref_slice %arg3[%run_scoped3A_46, %add3A_45, %dma_start3A_59] : memref<2x2500x128xi32, #tpu.memory_space<hbm>> -> memref<1x1x128xi32, #tpu.memory_space<hbm>>
        %dma_start3A_61 = tpu.memref_squeeze %dma_start3A_60 : memref<1x1x128xi32, #tpu.memory_space<hbm>> -> memref<1x128xi32, #tpu.memory_space<hbm>>
        tpu.enqueue_dma source(%dma_start3A_61 : memref<1x128xi32, #tpu.memory_space<hbm>>) target(%dma_start3A_58 : memref<1x128xi32, #tpu.memory_space<vmem>>) target_semaphore(%run_scoped3A_50 : memref<!tpu.dma_semaphore, #tpu.memory_space<semaphore_mem>>)
        %dma_wait3A = arith.constant 78 : i32
        %dma_wait3A_62 = arith.constant 0 : i32
        %dma_wait3A_63 = tpu.memref_slice %arg5[%dma_wait3A, %dma_wait3A_62] : memref<79x128xi32, #tpu.memory_space<vmem>> -> memref<1x128xi32, #tpu.memory_space<vmem>>
        %dma_wait3A_64 = arith.constant 0 : i32
        %dma_wait3A_65 = tpu.memref_slice %arg3[%run_scoped3A_46, %add3A_45, %dma_wait3A_64] : memref<2x2500x128xi32, #tpu.memory_space<hbm>> -> memref<1x1x128xi32, #tpu.memory_space<hbm>>
        %dma_wait3A_66 = tpu.memref_squeeze %dma_wait3A_65 : memref<1x1x128xi32, #tpu.memory_space<hbm>> -> memref<1x128xi32, #tpu.memory_space<hbm>>
        %dma_wait3A_67 = arith.constant 78 : i32
        %dma_wait3A_68 = arith.constant 0 : i32
        %dma_wait3A_69 = tpu.memref_slice %arg5[%dma_wait3A_67, %dma_wait3A_68] : memref<79x128xi32, #tpu.memory_space<vmem>> -> memref<1x128xi32, #tpu.memory_space<vmem>>
        %dma_wait3A_70 = arith.constant 0 : i32
        %dma_wait3A_71 = tpu.memref_slice %arg3[%run_scoped3A_46, %add3A_45, %dma_wait3A_70] : memref<2x2500x128xi32, #tpu.memory_space<hbm>> -> memref<1x1x128xi32, #tpu.memory_space<hbm>>
        %dma_wait3A_72 = tpu.memref_squeeze %dma_wait3A_71 : memref<1x1x128xi32, #tpu.memory_space<hbm>> -> memref<1x128xi32, #tpu.memory_space<hbm>>
        tpu.wait_dma2 semaphore(%run_scoped3A_50 : memref<!tpu.dma_semaphore, #tpu.memory_space<semaphore_mem>>) src(%dma_wait3A_72 : memref<1x128xi32, #tpu.memory_space<hbm>>) dst(%dma_wait3A_69 : memref<1x128xi32, #tpu.memory_space<vmem>>)
        tpu.yield
      }) : () -> ()
      %add3A_47 = arith.constant 78 : i32
      %add3A_48 = arith.addi %add3A_4, %add3A_47 : i32
      %run_scoped3A_49 = arith.constant 1 : i32
      "tpu.region"() ({
        %run_scoped3A_50 = tpu.sem_alloc : memref<!tpu.dma_semaphore, #tpu.memory_space<semaphore_mem>>
        %dma_start3A = arith.constant 78 : i32
        %dma_start3A_51 = arith.constant 0 : i32
        %dma_start3A_52 = tpu.memref_slice %arg6[%dma_start3A, %dma_start3A_51] : memref<79x128xi32, #tpu.memory_space<vmem>> -> memref<1x128xi32, #tpu.memory_space<vmem>>
        %dma_start3A_53 = arith.constant 0 : i32
        %dma_start3A_54 = tpu.memref_slice %arg3[%run_scoped3A_49, %add3A_48, %dma_start3A_53] : memref<2x2500x128xi32, #tpu.memory_space<hbm>> -> memref<1x1x128xi32, #tpu.memory_space<hbm>>
        %dma_start3A_55 = tpu.memref_squeeze %dma_start3A_54 : memref<1x1x128xi32, #tpu.memory_space<hbm>> -> memref<1x128xi32, #tpu.memory_space<hbm>>
        %dma_start3A_56 = arith.constant 78 : i32
        %dma_start3A_57 = arith.constant 0 : i32
        %dma_start3A_58 = tpu.memref_slice %arg6[%dma_start3A_56, %dma_start3A_57] : memref<79x128xi32, #tpu.memory_space<vmem>> -> memref<1x128xi32, #tpu.memory_space<vmem>>
        %dma_start3A_59 = arith.constant 0 : i32
        %dma_start3A_60 = tpu.memref_slice %arg3[%run_scoped3A_49, %add3A_48, %dma_start3A_59] : memref<2x2500x128xi32, #tpu.memory_space<hbm>> -> memref<1x1x128xi32, #tpu.memory_space<hbm>>
        %dma_start3A_61 = tpu.memref_squeeze %dma_start3A_60 : memref<1x1x128xi32, #tpu.memory_space<hbm>> -> memref<1x128xi32, #tpu.memory_space<hbm>>
        tpu.enqueue_dma source(%dma_start3A_61 : memref<1x128xi32, #tpu.memory_space<hbm>>) target(%dma_start3A_58 : memref<1x128xi32, #tpu.memory_space<vmem>>) target_semaphore(%run_scoped3A_50 : memref<!tpu.dma_semaphore, #tpu.memory_space<semaphore_mem>>)
        %dma_wait3A = arith.constant 78 : i32
        %dma_wait3A_62 = arith.constant 0 : i32
        %dma_wait3A_63 = tpu.memref_slice %arg6[%dma_wait3A, %dma_wait3A_62] : memref<79x128xi32, #tpu.memory_space<vmem>> -> memref<1x128xi32, #tpu.memory_space<vmem>>
        %dma_wait3A_64 = arith.constant 0 : i32
        %dma_wait3A_65 = tpu.memref_slice %arg3[%run_scoped3A_49, %add3A_48, %dma_wait3A_64] : memref<2x2500x128xi32, #tpu.memory_space<hbm>> -> memref<1x1x128xi32, #tpu.memory_space<hbm>>
        %dma_wait3A_66 = tpu.memref_squeeze %dma_wait3A_65 : memref<1x1x128xi32, #tpu.memory_space<hbm>> -> memref<1x128xi32, #tpu.memory_space<hbm>>
        %dma_wait3A_67 = arith.constant 78 : i32
        %dma_wait3A_68 = arith.constant 0 : i32
        %dma_wait3A_69 = tpu.memref_slice %arg6[%dma_wait3A_67, %dma_wait3A_68] : memref<79x128xi32, #tpu.memory_space<vmem>> -> memref<1x128xi32, #tpu.memory_space<vmem>>
        %dma_wait3A_70 = arith.constant 0 : i32
        %dma_wait3A_71 = tpu.memref_slice %arg3[%run_scoped3A_49, %add3A_48, %dma_wait3A_70] : memref<2x2500x128xi32, #tpu.memory_space<hbm>> -> memref<1x1x128xi32, #tpu.memory_space<hbm>>
        %dma_wait3A_72 = tpu.memref_squeeze %dma_wait3A_71 : memref<1x1x128xi32, #tpu.memory_space<hbm>> -> memref<1x128xi32, #tpu.memory_space<hbm>>
        tpu.wait_dma2 semaphore(%run_scoped3A_50 : memref<!tpu.dma_semaphore, #tpu.memory_space<semaphore_mem>>) src(%dma_wait3A_72 : memref<1x128xi32, #tpu.memory_space<hbm>>) dst(%dma_wait3A_69 : memref<1x128xi32, #tpu.memory_space<vmem>>)
        tpu.yield
      }) : () -> ()
    } else {
    }
    %scan3A_33 = arith.constant 0 : i32
    %scan3A_34 = arith.constant 13 : i32
    %scan3A_35 = arith.addi %scan3A_33, %scan3A_34 : i32
    %scan3A_36 = arith.constant 1 : i32
    scf.for %scan3A_44 = %scan3A_33 to %scan3A_35 step %scan3A_36  : i32 {
      %mul3A_45 = arith.constant 6 : i32
      %mul3A_46 = arith.muli %scan3A_44, %mul3A_45 : i32
      %add3A_47 = arith.constant 0 : i32
      %add3A_48 = arith.addi %mul3A_46, %add3A_47 : i32
      %dma_start3A = arith.constant 0 : i32
      %dma_start3A_49 = tpu.memref_slice %arg5[%add3A_48, %dma_start3A] : memref<79x128xi32, #tpu.memory_space<vmem>> -> memref<1x128xi32, #tpu.memory_space<vmem>>
      %dma_start3A_50 = tpu.memref_squeeze %dma_start3A_49 : memref<1x128xi32, #tpu.memory_space<vmem>> -> memref<128xi32, #tpu.memory_space<vmem>>
      %dma_start3A_51 = arith.constant 0 : i32
      %dma_start3A_52 = arith.constant 0 : i32
      %dma_start3A_53 = tpu.memref_slice %arg2[%dma_start3A_51, %dma_start3A_52] : memref<10000x64xf32, #tpu.memory_space<hbm>> -> memref<10000x64xf32, #tpu.memory_space<hbm>>
      tpu.enqueue_indirect_dma source(%dma_start3A_53 : memref<10000x64xf32, #tpu.memory_space<hbm>>) target(%arg7 : memref<128x64xf32, #tpu.memory_space<vmem>>) offsets(%dma_start3A_50 : memref<128xi32, #tpu.memory_space<vmem>>) semaphore(%arg15 : memref<!tpu.dma_semaphore, #tpu.memory_space<semaphore_mem>>)
      %add3A_54 = arith.constant 1 : i32
      %add3A_55 = arith.addi %mul3A_46, %add3A_54 : i32
      %dma_start3A_56 = arith.constant 0 : i32
      %dma_start3A_57 = tpu.memref_slice %arg5[%add3A_55, %dma_start3A_56] : memref<79x128xi32, #tpu.memory_space<vmem>> -> memref<1x128xi32, #tpu.memory_space<vmem>>
      %dma_start3A_58 = tpu.memref_squeeze %dma_start3A_57 : memref<1x128xi32, #tpu.memory_space<vmem>> -> memref<128xi32, #tpu.memory_space<vmem>>
      %dma_start3A_59 = arith.constant 0 : i32
      %dma_start3A_60 = arith.constant 0 : i32
      %dma_start3A_61 = tpu.memref_slice %arg2[%dma_start3A_59, %dma_start3A_60] : memref<10000x64xf32, #tpu.memory_space<hbm>> -> memref<10000x64xf32, #tpu.memory_space<hbm>>
      tpu.enqueue_indirect_dma source(%dma_start3A_61 : memref<10000x64xf32, #tpu.memory_space<hbm>>) target(%arg8 : memref<128x64xf32, #tpu.memory_space<vmem>>) offsets(%dma_start3A_58 : memref<128xi32, #tpu.memory_space<vmem>>) semaphore(%arg15 : memref<!tpu.dma_semaphore, #tpu.memory_space<semaphore_mem>>)
      %add3A_62 = arith.constant 2 : i32
      %add3A_63 = arith.addi %mul3A_46, %add3A_62 : i32
      %dma_start3A_64 = arith.constant 0 : i32
      %dma_start3A_65 = tpu.memref_slice %arg5[%add3A_63, %dma_start3A_64] : memref<79x128xi32, #tpu.memory_space<vmem>> -> memref<1x128xi32, #tpu.memory_space<vmem>>
      %dma_start3A_66 = tpu.memref_squeeze %dma_start3A_65 : memref<1x128xi32, #tpu.memory_space<vmem>> -> memref<128xi32, #tpu.memory_space<vmem>>
      %dma_start3A_67 = arith.constant 0 : i32
      %dma_start3A_68 = arith.constant 0 : i32
      %dma_start3A_69 = tpu.memref_slice %arg2[%dma_start3A_67, %dma_start3A_68] : memref<10000x64xf32, #tpu.memory_space<hbm>> -> memref<10000x64xf32, #tpu.memory_space<hbm>>
      tpu.enqueue_indirect_dma source(%dma_start3A_69 : memref<10000x64xf32, #tpu.memory_space<hbm>>) target(%arg9 : memref<128x64xf32, #tpu.memory_space<vmem>>) offsets(%dma_start3A_66 : memref<128xi32, #tpu.memory_space<vmem>>) semaphore(%arg15 : memref<!tpu.dma_semaphore, #tpu.memory_space<semaphore_mem>>)
      %add3A_70 = arith.constant 3 : i32
      %add3A_71 = arith.addi %mul3A_46, %add3A_70 : i32
      %dma_start3A_72 = arith.constant 0 : i32
      %dma_start3A_73 = tpu.memref_slice %arg5[%add3A_71, %dma_start3A_72] : memref<79x128xi32, #tpu.memory_space<vmem>> -> memref<1x128xi32, #tpu.memory_space<vmem>>
      %dma_start3A_74 = tpu.memref_squeeze %dma_start3A_73 : memref<1x128xi32, #tpu.memory_space<vmem>> -> memref<128xi32, #tpu.memory_space<vmem>>
      %dma_start3A_75 = arith.constant 0 : i32
      %dma_start3A_76 = arith.constant 0 : i32
      %dma_start3A_77 = tpu.memref_slice %arg2[%dma_start3A_75, %dma_start3A_76] : memref<10000x64xf32, #tpu.memory_space<hbm>> -> memref<10000x64xf32, #tpu.memory_space<hbm>>
      tpu.enqueue_indirect_dma source(%dma_start3A_77 : memref<10000x64xf32, #tpu.memory_space<hbm>>) target(%arg10 : memref<128x64xf32, #tpu.memory_space<vmem>>) offsets(%dma_start3A_74 : memref<128xi32, #tpu.memory_space<vmem>>) semaphore(%arg15 : memref<!tpu.dma_semaphore, #tpu.memory_space<semaphore_mem>>)
      %add3A_78 = arith.constant 4 : i32
      %add3A_79 = arith.addi %mul3A_46, %add3A_78 : i32
      %dma_start3A_80 = arith.constant 0 : i32
      %dma_start3A_81 = tpu.memref_slice %arg5[%add3A_79, %dma_start3A_80] : memref<79x128xi32, #tpu.memory_space<vmem>> -> memref<1x128xi32, #tpu.memory_space<vmem>>
      %dma_start3A_82 = tpu.memref_squeeze %dma_start3A_81 : memref<1x128xi32, #tpu.memory_space<vmem>> -> memref<128xi32, #tpu.memory_space<vmem>>
      %dma_start3A_83 = arith.constant 0 : i32
      %dma_start3A_84 = arith.constant 0 : i32
      %dma_start3A_85 = tpu.memref_slice %arg2[%dma_start3A_83, %dma_start3A_84] : memref<10000x64xf32, #tpu.memory_space<hbm>> -> memref<10000x64xf32, #tpu.memory_space<hbm>>
      tpu.enqueue_indirect_dma source(%dma_start3A_85 : memref<10000x64xf32, #tpu.memory_space<hbm>>) target(%arg11 : memref<128x64xf32, #tpu.memory_space<vmem>>) offsets(%dma_start3A_82 : memref<128xi32, #tpu.memory_space<vmem>>) semaphore(%arg15 : memref<!tpu.dma_semaphore, #tpu.memory_space<semaphore_mem>>)
      %add3A_86 = arith.constant 5 : i32
      %add3A_87 = arith.addi %mul3A_46, %add3A_86 : i32
      %dma_start3A_88 = arith.constant 0 : i32
      %dma_start3A_89 = tpu.memref_slice %arg5[%add3A_87, %dma_start3A_88] : memref<79x128xi32, #tpu.memory_space<vmem>> -> memref<1x128xi32, #tpu.memory_space<vmem>>
      %dma_start3A_90 = tpu.memref_squeeze %dma_start3A_89 : memref<1x128xi32, #tpu.memory_space<vmem>> -> memref<128xi32, #tpu.memory_space<vmem>>
      %dma_start3A_91 = arith.constant 0 : i32
      %dma_start3A_92 = arith.constant 0 : i32
      %dma_start3A_93 = tpu.memref_slice %arg2[%dma_start3A_91, %dma_start3A_92] : memref<10000x64xf32, #tpu.memory_space<hbm>> -> memref<10000x64xf32, #tpu.memory_space<hbm>>
      tpu.enqueue_indirect_dma source(%dma_start3A_93 : memref<10000x64xf32, #tpu.memory_space<hbm>>) target(%arg12 : memref<128x64xf32, #tpu.memory_space<vmem>>) offsets(%dma_start3A_90 : memref<128xi32, #tpu.memory_space<vmem>>) semaphore(%arg15 : memref<!tpu.dma_semaphore, #tpu.memory_space<semaphore_mem>>)
      %dma_wait3A = arith.constant 0 : i32
      %dma_wait3A_94 = tpu.memref_slice %arg5[%add3A_48, %dma_wait3A] : memref<79x128xi32, #tpu.memory_space<vmem>> -> memref<1x128xi32, #tpu.memory_space<vmem>>
      %dma_wait3A_95 = tpu.memref_squeeze %dma_wait3A_94 : memref<1x128xi32, #tpu.memory_space<vmem>> -> memref<128xi32, #tpu.memory_space<vmem>>
      %dma_wait3A_96 = arith.constant 0 : i32
      %dma_wait3A_97 = arith.constant 0 : i32
      %dma_wait3A_98 = tpu.memref_slice %arg2[%dma_wait3A_96, %dma_wait3A_97] : memref<10000x64xf32, #tpu.memory_space<hbm>> -> memref<10000x64xf32, #tpu.memory_space<hbm>>
      tpu.wait_indirect_dma semaphore(%arg15 : memref<!tpu.dma_semaphore, #tpu.memory_space<semaphore_mem>>) src(%dma_wait3A_98 : memref<10000x64xf32, #tpu.memory_space<hbm>>) dst(%arg7 : memref<128x64xf32, #tpu.memory_space<vmem>>)
      %add3A_99 = arith.constant 0 : i32
      %add3A_100 = arith.addi %mul3A_46, %add3A_99 : i32
      %dma_start3A_101 = arith.constant 0 : i32
      %dma_start3A_102 = tpu.memref_slice %arg6[%add3A_100, %dma_start3A_101] : memref<79x128xi32, #tpu.memory_space<vmem>> -> memref<1x128xi32, #tpu.memory_space<vmem>>
      %dma_start3A_103 = tpu.memref_squeeze %dma_start3A_102 : memref<1x128xi32, #tpu.memory_space<vmem>> -> memref<128xi32, #tpu.memory_space<vmem>>
      %dma_start3A_104 = arith.constant 0 : i32
      %dma_start3A_105 = arith.constant 0 : i32
      %dma_start3A_106 = tpu.memref_slice %arg14[%dma_start3A_104, %dma_start3A_105] : memref<10240x64xf32, #tpu.memory_space<vmem_shared>> -> memref<10240x64xf32, #tpu.memory_space<vmem_shared>>
      tpu.enqueue_indirect_dma source(%arg7 : memref<128x64xf32, #tpu.memory_space<vmem>>) target(%dma_start3A_106 : memref<10240x64xf32, #tpu.memory_space<vmem_shared>>) offsets(%dma_start3A_103 : memref<128xi32, #tpu.memory_space<vmem>>) semaphore(%arg16 : memref<!tpu.dma_semaphore, #tpu.memory_space<semaphore_mem>>) {add = true}
      %dma_wait3A_107 = arith.constant 0 : i32
      %dma_wait3A_108 = tpu.memref_slice %arg5[%add3A_55, %dma_wait3A_107] : memref<79x128xi32, #tpu.memory_space<vmem>> -> memref<1x128xi32, #tpu.memory_space<vmem>>
      %dma_wait3A_109 = tpu.memref_squeeze %dma_wait3A_108 : memref<1x128xi32, #tpu.memory_space<vmem>> -> memref<128xi32, #tpu.memory_space<vmem>>
      %dma_wait3A_110 = arith.constant 0 : i32
      %dma_wait3A_111 = arith.constant 0 : i32
      %dma_wait3A_112 = tpu.memref_slice %arg2[%dma_wait3A_110, %dma_wait3A_111] : memref<10000x64xf32, #tpu.memory_space<hbm>> -> memref<10000x64xf32, #tpu.memory_space<hbm>>
      tpu.wait_indirect_dma semaphore(%arg15 : memref<!tpu.dma_semaphore, #tpu.memory_space<semaphore_mem>>) src(%dma_wait3A_112 : memref<10000x64xf32, #tpu.memory_space<hbm>>) dst(%arg8 : memref<128x64xf32, #tpu.memory_space<vmem>>)
      %add3A_113 = arith.constant 1 : i32
      %add3A_114 = arith.addi %mul3A_46, %add3A_113 : i32
      %dma_start3A_115 = arith.constant 0 : i32
      %dma_start3A_116 = tpu.memref_slice %arg6[%add3A_114, %dma_start3A_115] : memref<79x128xi32, #tpu.memory_space<vmem>> -> memref<1x128xi32, #tpu.memory_space<vmem>>
      %dma_start3A_117 = tpu.memref_squeeze %dma_start3A_116 : memref<1x128xi32, #tpu.memory_space<vmem>> -> memref<128xi32, #tpu.memory_space<vmem>>
      %dma_start3A_118 = arith.constant 0 : i32
      %dma_start3A_119 = arith.constant 0 : i32
      %dma_start3A_120 = tpu.memref_slice %arg14[%dma_start3A_118, %dma_start3A_119] : memref<10240x64xf32, #tpu.memory_space<vmem_shared>> -> memref<10240x64xf32, #tpu.memory_space<vmem_shared>>
      tpu.enqueue_indirect_dma source(%arg8 : memref<128x64xf32, #tpu.memory_space<vmem>>) target(%dma_start3A_120 : memref<10240x64xf32, #tpu.memory_space<vmem_shared>>) offsets(%dma_start3A_117 : memref<128xi32, #tpu.memory_space<vmem>>) semaphore(%arg16 : memref<!tpu.dma_semaphore, #tpu.memory_space<semaphore_mem>>) {add = true}
      %dma_wait3A_121 = arith.constant 0 : i32
      %dma_wait3A_122 = tpu.memref_slice %arg5[%add3A_63, %dma_wait3A_121] : memref<79x128xi32, #tpu.memory_space<vmem>> -> memref<1x128xi32, #tpu.memory_space<vmem>>
      %dma_wait3A_123 = tpu.memref_squeeze %dma_wait3A_122 : memref<1x128xi32, #tpu.memory_space<vmem>> -> memref<128xi32, #tpu.memory_space<vmem>>
      %dma_wait3A_124 = arith.constant 0 : i32
      %dma_wait3A_125 = arith.constant 0 : i32
      %dma_wait3A_126 = tpu.memref_slice %arg2[%dma_wait3A_124, %dma_wait3A_125] : memref<10000x64xf32, #tpu.memory_space<hbm>> -> memref<10000x64xf32, #tpu.memory_space<hbm>>
      tpu.wait_indirect_dma semaphore(%arg15 : memref<!tpu.dma_semaphore, #tpu.memory_space<semaphore_mem>>) src(%dma_wait3A_126 : memref<10000x64xf32, #tpu.memory_space<hbm>>) dst(%arg9 : memref<128x64xf32, #tpu.memory_space<vmem>>)
      %add3A_127 = arith.constant 2 : i32
      %add3A_128 = arith.addi %mul3A_46, %add3A_127 : i32
      %dma_start3A_129 = arith.constant 0 : i32
      %dma_start3A_130 = tpu.memref_slice %arg6[%add3A_128, %dma_start3A_129] : memref<79x128xi32, #tpu.memory_space<vmem>> -> memref<1x128xi32, #tpu.memory_space<vmem>>
      %dma_start3A_131 = tpu.memref_squeeze %dma_start3A_130 : memref<1x128xi32, #tpu.memory_space<vmem>> -> memref<128xi32, #tpu.memory_space<vmem>>
      %dma_start3A_132 = arith.constant 0 : i32
      %dma_start3A_133 = arith.constant 0 : i32
      %dma_start3A_134 = tpu.memref_slice %arg14[%dma_start3A_132, %dma_start3A_133] : memref<10240x64xf32, #tpu.memory_space<vmem_shared>> -> memref<10240x64xf32, #tpu.memory_space<vmem_shared>>
      tpu.enqueue_indirect_dma source(%arg9 : memref<128x64xf32, #tpu.memory_space<vmem>>) target(%dma_start3A_134 : memref<10240x64xf32, #tpu.memory_space<vmem_shared>>) offsets(%dma_start3A_131 : memref<128xi32, #tpu.memory_space<vmem>>) semaphore(%arg16 : memref<!tpu.dma_semaphore, #tpu.memory_space<semaphore_mem>>) {add = true}
      %dma_wait3A_135 = arith.constant 0 : i32
      %dma_wait3A_136 = tpu.memref_slice %arg5[%add3A_71, %dma_wait3A_135] : memref<79x128xi32, #tpu.memory_space<vmem>> -> memref<1x128xi32, #tpu.memory_space<vmem>>
      %dma_wait3A_137 = tpu.memref_squeeze %dma_wait3A_136 : memref<1x128xi32, #tpu.memory_space<vmem>> -> memref<128xi32, #tpu.memory_space<vmem>>
      %dma_wait3A_138 = arith.constant 0 : i32
      %dma_wait3A_139 = arith.constant 0 : i32
      %dma_wait3A_140 = tpu.memref_slice %arg2[%dma_wait3A_138, %dma_wait3A_139] : memref<10000x64xf32, #tpu.memory_space<hbm>> -> memref<10000x64xf32, #tpu.memory_space<hbm>>
      tpu.wait_indirect_dma semaphore(%arg15 : memref<!tpu.dma_semaphore, #tpu.memory_space<semaphore_mem>>) src(%dma_wait3A_140 : memref<10000x64xf32, #tpu.memory_space<hbm>>) dst(%arg10 : memref<128x64xf32, #tpu.memory_space<vmem>>)
      %add3A_141 = arith.constant 3 : i32
      %add3A_142 = arith.addi %mul3A_46, %add3A_141 : i32
      %dma_start3A_143 = arith.constant 0 : i32
      %dma_start3A_144 = tpu.memref_slice %arg6[%add3A_142, %dma_start3A_143] : memref<79x128xi32, #tpu.memory_space<vmem>> -> memref<1x128xi32, #tpu.memory_space<vmem>>
      %dma_start3A_145 = tpu.memref_squeeze %dma_start3A_144 : memref<1x128xi32, #tpu.memory_space<vmem>> -> memref<128xi32, #tpu.memory_space<vmem>>
      %dma_start3A_146 = arith.constant 0 : i32
      %dma_start3A_147 = arith.constant 0 : i32
      %dma_start3A_148 = tpu.memref_slice %arg14[%dma_start3A_146, %dma_start3A_147] : memref<10240x64xf32, #tpu.memory_space<vmem_shared>> -> memref<10240x64xf32, #tpu.memory_space<vmem_shared>>
      tpu.enqueue_indirect_dma source(%arg10 : memref<128x64xf32, #tpu.memory_space<vmem>>) target(%dma_start3A_148 : memref<10240x64xf32, #tpu.memory_space<vmem_shared>>) offsets(%dma_start3A_145 : memref<128xi32, #tpu.memory_space<vmem>>) semaphore(%arg16 : memref<!tpu.dma_semaphore, #tpu.memory_space<semaphore_mem>>) {add = true}
      %dma_wait3A_149 = arith.constant 0 : i32
      %dma_wait3A_150 = tpu.memref_slice %arg5[%add3A_79, %dma_wait3A_149] : memref<79x128xi32, #tpu.memory_space<vmem>> -> memref<1x128xi32, #tpu.memory_space<vmem>>
      %dma_wait3A_151 = tpu.memref_squeeze %dma_wait3A_150 : memref<1x128xi32, #tpu.memory_space<vmem>> -> memref<128xi32, #tpu.memory_space<vmem>>
      %dma_wait3A_152 = arith.constant 0 : i32
      %dma_wait3A_153 = arith.constant 0 : i32
      %dma_wait3A_154 = tpu.memref_slice %arg2[%dma_wait3A_152, %dma_wait3A_153] : memref<10000x64xf32, #tpu.memory_space<hbm>> -> memref<10000x64xf32, #tpu.memory_space<hbm>>
      tpu.wait_indirect_dma semaphore(%arg15 : memref<!tpu.dma_semaphore, #tpu.memory_space<semaphore_mem>>) src(%dma_wait3A_154 : memref<10000x64xf32, #tpu.memory_space<hbm>>) dst(%arg11 : memref<128x64xf32, #tpu.memory_space<vmem>>)
      %add3A_155 = arith.constant 4 : i32
      %add3A_156 = arith.addi %mul3A_46, %add3A_155 : i32
      %dma_start3A_157 = arith.constant 0 : i32
      %dma_start3A_158 = tpu.memref_slice %arg6[%add3A_156, %dma_start3A_157] : memref<79x128xi32, #tpu.memory_space<vmem>> -> memref<1x128xi32, #tpu.memory_space<vmem>>
      %dma_start3A_159 = tpu.memref_squeeze %dma_start3A_158 : memref<1x128xi32, #tpu.memory_space<vmem>> -> memref<128xi32, #tpu.memory_space<vmem>>
      %dma_start3A_160 = arith.constant 0 : i32
      %dma_start3A_161 = arith.constant 0 : i32
      %dma_start3A_162 = tpu.memref_slice %arg14[%dma_start3A_160, %dma_start3A_161] : memref<10240x64xf32, #tpu.memory_space<vmem_shared>> -> memref<10240x64xf32, #tpu.memory_space<vmem_shared>>
      tpu.enqueue_indirect_dma source(%arg11 : memref<128x64xf32, #tpu.memory_space<vmem>>) target(%dma_start3A_162 : memref<10240x64xf32, #tpu.memory_space<vmem_shared>>) offsets(%dma_start3A_159 : memref<128xi32, #tpu.memory_space<vmem>>) semaphore(%arg16 : memref<!tpu.dma_semaphore, #tpu.memory_space<semaphore_mem>>) {add = true}
      %dma_wait3A_163 = arith.constant 0 : i32
      %dma_wait3A_164 = tpu.memref_slice %arg5[%add3A_87, %dma_wait3A_163] : memref<79x128xi32, #tpu.memory_space<vmem>> -> memref<1x128xi32, #tpu.memory_space<vmem>>
      %dma_wait3A_165 = tpu.memref_squeeze %dma_wait3A_164 : memref<1x128xi32, #tpu.memory_space<vmem>> -> memref<128xi32, #tpu.memory_space<vmem>>
      %dma_wait3A_166 = arith.constant 0 : i32
      %dma_wait3A_167 = arith.constant 0 : i32
      %dma_wait3A_168 = tpu.memref_slice %arg2[%dma_wait3A_166, %dma_wait3A_167] : memref<10000x64xf32, #tpu.memory_space<hbm>> -> memref<10000x64xf32, #tpu.memory_space<hbm>>
      tpu.wait_indirect_dma semaphore(%arg15 : memref<!tpu.dma_semaphore, #tpu.memory_space<semaphore_mem>>) src(%dma_wait3A_168 : memref<10000x64xf32, #tpu.memory_space<hbm>>) dst(%arg12 : memref<128x64xf32, #tpu.memory_space<vmem>>)
      %add3A_169 = arith.constant 5 : i32
      %add3A_170 = arith.addi %mul3A_46, %add3A_169 : i32
      %dma_start3A_171 = arith.constant 0 : i32
      %dma_start3A_172 = tpu.memref_slice %arg6[%add3A_170, %dma_start3A_171] : memref<79x128xi32, #tpu.memory_space<vmem>> -> memref<1x128xi32, #tpu.memory_space<vmem>>
      %dma_start3A_173 = tpu.memref_squeeze %dma_start3A_172 : memref<1x128xi32, #tpu.memory_space<vmem>> -> memref<128xi32, #tpu.memory_space<vmem>>
      %dma_start3A_174 = arith.constant 0 : i32
      %dma_start3A_175 = arith.constant 0 : i32
      %dma_start3A_176 = tpu.memref_slice %arg14[%dma_start3A_174, %dma_start3A_175] : memref<10240x64xf32, #tpu.memory_space<vmem_shared>> -> memref<10240x64xf32, #tpu.memory_space<vmem_shared>>
      tpu.enqueue_indirect_dma source(%arg12 : memref<128x64xf32, #tpu.memory_space<vmem>>) target(%dma_start3A_176 : memref<10240x64xf32, #tpu.memory_space<vmem_shared>>) offsets(%dma_start3A_173 : memref<128xi32, #tpu.memory_space<vmem>>) semaphore(%arg16 : memref<!tpu.dma_semaphore, #tpu.memory_space<semaphore_mem>>) {add = true}
      %dma_wait3A_177 = arith.constant 0 : i32
      %dma_wait3A_178 = tpu.memref_slice %arg6[%add3A_100, %dma_wait3A_177] : memref<79x128xi32, #tpu.memory_space<vmem>> -> memref<1x128xi32, #tpu.memory_space<vmem>>
      %dma_wait3A_179 = tpu.memref_squeeze %dma_wait3A_178 : memref<1x128xi32, #tpu.memory_space<vmem>> -> memref<128xi32, #tpu.memory_space<vmem>>
      %dma_wait3A_180 = arith.constant 0 : i32
      %dma_wait3A_181 = arith.constant 0 : i32
      %dma_wait3A_182 = tpu.memref_slice %arg14[%dma_wait3A_180, %dma_wait3A_181] : memref<10240x64xf32, #tpu.memory_space<vmem_shared>> -> memref<10240x64xf32, #tpu.memory_space<vmem_shared>>
      tpu.wait_indirect_dma semaphore(%arg16 : memref<!tpu.dma_semaphore, #tpu.memory_space<semaphore_mem>>) src(%arg7 : memref<128x64xf32, #tpu.memory_space<vmem>>) dst(%dma_wait3A_182 : memref<10240x64xf32, #tpu.memory_space<vmem_shared>>)
      %dma_wait3A_183 = arith.constant 0 : i32
      %dma_wait3A_184 = tpu.memref_slice %arg6[%add3A_114, %dma_wait3A_183] : memref<79x128xi32, #tpu.memory_space<vmem>> -> memref<1x128xi32, #tpu.memory_space<vmem>>
      %dma_wait3A_185 = tpu.memref_squeeze %dma_wait3A_184 : memref<1x128xi32, #tpu.memory_space<vmem>> -> memref<128xi32, #tpu.memory_space<vmem>>
      %dma_wait3A_186 = arith.constant 0 : i32
      %dma_wait3A_187 = arith.constant 0 : i32
      %dma_wait3A_188 = tpu.memref_slice %arg14[%dma_wait3A_186, %dma_wait3A_187] : memref<10240x64xf32, #tpu.memory_space<vmem_shared>> -> memref<10240x64xf32, #tpu.memory_space<vmem_shared>>
      tpu.wait_indirect_dma semaphore(%arg16 : memref<!tpu.dma_semaphore, #tpu.memory_space<semaphore_mem>>) src(%arg8 : memref<128x64xf32, #tpu.memory_space<vmem>>) dst(%dma_wait3A_188 : memref<10240x64xf32, #tpu.memory_space<vmem_shared>>)
      %dma_wait3A_189 = arith.constant 0 : i32
      %dma_wait3A_190 = tpu.memref_slice %arg6[%add3A_128, %dma_wait3A_189] : memref<79x128xi32, #tpu.memory_space<vmem>> -> memref<1x128xi32, #tpu.memory_space<vmem>>
      %dma_wait3A_191 = tpu.memref_squeeze %dma_wait3A_190 : memref<1x128xi32, #tpu.memory_space<vmem>> -> memref<128xi32, #tpu.memory_space<vmem>>
      %dma_wait3A_192 = arith.constant 0 : i32
      %dma_wait3A_193 = arith.constant 0 : i32
      %dma_wait3A_194 = tpu.memref_slice %arg14[%dma_wait3A_192, %dma_wait3A_193] : memref<10240x64xf32, #tpu.memory_space<vmem_shared>> -> memref<10240x64xf32, #tpu.memory_space<vmem_shared>>
      tpu.wait_indirect_dma semaphore(%arg16 : memref<!tpu.dma_semaphore, #tpu.memory_space<semaphore_mem>>) src(%arg9 : memref<128x64xf32, #tpu.memory_space<vmem>>) dst(%dma_wait3A_194 : memref<10240x64xf32, #tpu.memory_space<vmem_shared>>)
      %dma_wait3A_195 = arith.constant 0 : i32
      %dma_wait3A_196 = tpu.memref_slice %arg6[%add3A_142, %dma_wait3A_195] : memref<79x128xi32, #tpu.memory_space<vmem>> -> memref<1x128xi32, #tpu.memory_space<vmem>>
      %dma_wait3A_197 = tpu.memref_squeeze %dma_wait3A_196 : memref<1x128xi32, #tpu.memory_space<vmem>> -> memref<128xi32, #tpu.memory_space<vmem>>
      %dma_wait3A_198 = arith.constant 0 : i32
      %dma_wait3A_199 = arith.constant 0 : i32
      %dma_wait3A_200 = tpu.memref_slice %arg14[%dma_wait3A_198, %dma_wait3A_199] : memref<10240x64xf32, #tpu.memory_space<vmem_shared>> -> memref<10240x64xf32, #tpu.memory_space<vmem_shared>>
      tpu.wait_indirect_dma semaphore(%arg16 : memref<!tpu.dma_semaphore, #tpu.memory_space<semaphore_mem>>) src(%arg10 : memref<128x64xf32, #tpu.memory_space<vmem>>) dst(%dma_wait3A_200 : memref<10240x64xf32, #tpu.memory_space<vmem_shared>>)
      %dma_wait3A_201 = arith.constant 0 : i32
      %dma_wait3A_202 = tpu.memref_slice %arg6[%add3A_156, %dma_wait3A_201] : memref<79x128xi32, #tpu.memory_space<vmem>> -> memref<1x128xi32, #tpu.memory_space<vmem>>
      %dma_wait3A_203 = tpu.memref_squeeze %dma_wait3A_202 : memref<1x128xi32, #tpu.memory_space<vmem>> -> memref<128xi32, #tpu.memory_space<vmem>>
      %dma_wait3A_204 = arith.constant 0 : i32
      %dma_wait3A_205 = arith.constant 0 : i32
      %dma_wait3A_206 = tpu.memref_slice %arg14[%dma_wait3A_204, %dma_wait3A_205] : memref<10240x64xf32, #tpu.memory_space<vmem_shared>> -> memref<10240x64xf32, #tpu.memory_space<vmem_shared>>
      tpu.wait_indirect_dma semaphore(%arg16 : memref<!tpu.dma_semaphore, #tpu.memory_space<semaphore_mem>>) src(%arg11 : memref<128x64xf32, #tpu.memory_space<vmem>>) dst(%dma_wait3A_206 : memref<10240x64xf32, #tpu.memory_space<vmem_shared>>)
      %dma_wait3A_207 = arith.constant 0 : i32
      %dma_wait3A_208 = tpu.memref_slice %arg6[%add3A_170, %dma_wait3A_207] : memref<79x128xi32, #tpu.memory_space<vmem>> -> memref<1x128xi32, #tpu.memory_space<vmem>>
      %dma_wait3A_209 = tpu.memref_squeeze %dma_wait3A_208 : memref<1x128xi32, #tpu.memory_space<vmem>> -> memref<128xi32, #tpu.memory_space<vmem>>
      %dma_wait3A_210 = arith.constant 0 : i32
      %dma_wait3A_211 = arith.constant 0 : i32
      %dma_wait3A_212 = tpu.memref_slice %arg14[%dma_wait3A_210, %dma_wait3A_211] : memref<10240x64xf32, #tpu.memory_space<vmem_shared>> -> memref<10240x64xf32, #tpu.memory_space<vmem_shared>>
      tpu.wait_indirect_dma semaphore(%arg16 : memref<!tpu.dma_semaphore, #tpu.memory_space<semaphore_mem>>) src(%arg12 : memref<128x64xf32, #tpu.memory_space<vmem>>) dst(%dma_wait3A_212 : memref<10240x64xf32, #tpu.memory_space<vmem_shared>>)
    }
    %scan3A_37 = arith.constant 13 : i32
    %convert_element_type3A_38 = arith.extui %lt3A_5 : i1 to i32
    %cond3A_39 = arith.constant 0 : i32
    %cond3A_40 = arith.cmpi ne, %convert_element_type3A_38, %cond3A_39 : i32
    scf.if %cond3A_40 {
      %dma_start3A = arith.constant 78 : i32
      %dma_start3A_44 = arith.constant 0 : i32
      %dma_start3A_45 = tpu.memref_slice %arg5[%dma_start3A, %dma_start3A_44] : memref<79x128xi32, #tpu.memory_space<vmem>> -> memref<1x128xi32, #tpu.memory_space<vmem>>
      %dma_start3A_46 = tpu.memref_squeeze %dma_start3A_45 : memref<1x128xi32, #tpu.memory_space<vmem>> -> memref<128xi32, #tpu.memory_space<vmem>>
      %dma_start3A_47 = arith.constant 0 : i32
      %dma_start3A_48 = arith.constant 0 : i32
      %dma_start3A_49 = tpu.memref_slice %arg2[%dma_start3A_47, %dma_start3A_48] : memref<10000x64xf32, #tpu.memory_space<hbm>> -> memref<10000x64xf32, #tpu.memory_space<hbm>>
      tpu.enqueue_indirect_dma source(%dma_start3A_49 : memref<10000x64xf32, #tpu.memory_space<hbm>>) target(%arg7 : memref<128x64xf32, #tpu.memory_space<vmem>>) offsets(%dma_start3A_46 : memref<128xi32, #tpu.memory_space<vmem>>) semaphore(%arg15 : memref<!tpu.dma_semaphore, #tpu.memory_space<semaphore_mem>>)
      %dma_wait3A = arith.constant 78 : i32
      %dma_wait3A_50 = arith.constant 0 : i32
      %dma_wait3A_51 = tpu.memref_slice %arg5[%dma_wait3A, %dma_wait3A_50] : memref<79x128xi32, #tpu.memory_space<vmem>> -> memref<1x128xi32, #tpu.memory_space<vmem>>
      %dma_wait3A_52 = tpu.memref_squeeze %dma_wait3A_51 : memref<1x128xi32, #tpu.memory_space<vmem>> -> memref<128xi32, #tpu.memory_space<vmem>>
      %dma_wait3A_53 = arith.constant 0 : i32
      %dma_wait3A_54 = arith.constant 0 : i32
      %dma_wait3A_55 = tpu.memref_slice %arg2[%dma_wait3A_53, %dma_wait3A_54] : memref<10000x64xf32, #tpu.memory_space<hbm>> -> memref<10000x64xf32, #tpu.memory_space<hbm>>
      tpu.wait_indirect_dma semaphore(%arg15 : memref<!tpu.dma_semaphore, #tpu.memory_space<semaphore_mem>>) src(%dma_wait3A_55 : memref<10000x64xf32, #tpu.memory_space<hbm>>) dst(%arg7 : memref<128x64xf32, #tpu.memory_space<vmem>>)
      %dma_start3A_56 = arith.constant 78 : i32
      %dma_start3A_57 = arith.constant 0 : i32
      %dma_start3A_58 = tpu.memref_slice %arg6[%dma_start3A_56, %dma_start3A_57] : memref<79x128xi32, #tpu.memory_space<vmem>> -> memref<1x128xi32, #tpu.memory_space<vmem>>
      %dma_start3A_59 = tpu.memref_squeeze %dma_start3A_58 : memref<1x128xi32, #tpu.memory_space<vmem>> -> memref<128xi32, #tpu.memory_space<vmem>>
      %dma_start3A_60 = arith.constant 0 : i32
      %dma_start3A_61 = arith.constant 0 : i32
      %dma_start3A_62 = tpu.memref_slice %arg14[%dma_start3A_60, %dma_start3A_61] : memref<10240x64xf32, #tpu.memory_space<vmem_shared>> -> memref<10240x64xf32, #tpu.memory_space<vmem_shared>>
      tpu.enqueue_indirect_dma source(%arg7 : memref<128x64xf32, #tpu.memory_space<vmem>>) target(%dma_start3A_62 : memref<10240x64xf32, #tpu.memory_space<vmem_shared>>) offsets(%dma_start3A_59 : memref<128xi32, #tpu.memory_space<vmem>>) semaphore(%arg16 : memref<!tpu.dma_semaphore, #tpu.memory_space<semaphore_mem>>) {add = true}
      %dma_wait3A_63 = arith.constant 78 : i32
      %dma_wait3A_64 = arith.constant 0 : i32
      %dma_wait3A_65 = tpu.memref_slice %arg6[%dma_wait3A_63, %dma_wait3A_64] : memref<79x128xi32, #tpu.memory_space<vmem>> -> memref<1x128xi32, #tpu.memory_space<vmem>>
      %dma_wait3A_66 = tpu.memref_squeeze %dma_wait3A_65 : memref<1x128xi32, #tpu.memory_space<vmem>> -> memref<128xi32, #tpu.memory_space<vmem>>
      %dma_wait3A_67 = arith.constant 0 : i32
      %dma_wait3A_68 = arith.constant 0 : i32
      %dma_wait3A_69 = tpu.memref_slice %arg14[%dma_wait3A_67, %dma_wait3A_68] : memref<10240x64xf32, #tpu.memory_space<vmem_shared>> -> memref<10240x64xf32, #tpu.memory_space<vmem_shared>>
      tpu.wait_indirect_dma semaphore(%arg16 : memref<!tpu.dma_semaphore, #tpu.memory_space<semaphore_mem>>) src(%arg7 : memref<128x64xf32, #tpu.memory_space<vmem>>) dst(%dma_wait3A_69 : memref<10240x64xf32, #tpu.memory_space<vmem_shared>>)
    } else {
    }
    %barrier3A_41 = arith.constant 0 : index
    tpu.barrier barrier_id(%barrier3A_41)
    %mul3A_42 = arith.constant 640 : i32
    %mul3A_43 = arith.muli %arg1, %mul3A_42 : i32
    "tpu.region"() ({
      %run_scoped3A_44 = tpu.sem_alloc : memref<!tpu.dma_semaphore, #tpu.memory_space<semaphore_mem>>
      %dma_start3A = arith.constant 0 : i32
      %dma_start3A_45 = tpu.memref_slice %arg4[%arg0, %mul3A_43, %dma_start3A] : memref<2x10240x64xf32, #tpu.memory_space<hbm>> -> memref<1x640x64xf32, #tpu.memory_space<hbm>>
      %dma_start3A_46 = tpu.memref_squeeze %dma_start3A_45 : memref<1x640x64xf32, #tpu.memory_space<hbm>> -> memref<640x64xf32, #tpu.memory_space<hbm>>
      %dma_start3A_47 = arith.constant 0 : i32
      %dma_start3A_48 = tpu.memref_slice %arg14[%mul3A_43, %dma_start3A_47] : memref<10240x64xf32, #tpu.memory_space<vmem_shared>> -> memref<640x64xf32, #tpu.memory_space<vmem_shared>>
      tpu.enqueue_dma source(%dma_start3A_48 : memref<640x64xf32, #tpu.memory_space<vmem_shared>>) target(%dma_start3A_46 : memref<640x64xf32, #tpu.memory_space<hbm>>) target_semaphore(%run_scoped3A_44 : memref<!tpu.dma_semaphore, #tpu.memory_space<semaphore_mem>>)
      %dma_wait3A = arith.constant 0 : i32
      %dma_wait3A_49 = tpu.memref_slice %arg4[%arg0, %mul3A_43, %dma_wait3A] : memref<2x10240x64xf32, #tpu.memory_space<hbm>> -> memref<1x640x64xf32, #tpu.memory_space<hbm>>
      %dma_wait3A_50 = tpu.memref_squeeze %dma_wait3A_49 : memref<1x640x64xf32, #tpu.memory_space<hbm>> -> memref<640x64xf32, #tpu.memory_space<hbm>>
      %dma_wait3A_51 = arith.constant 0 : i32
      %dma_wait3A_52 = tpu.memref_slice %arg14[%mul3A_43, %dma_wait3A_51] : memref<10240x64xf32, #tpu.memory_space<vmem_shared>> -> memref<640x64xf32, #tpu.memory_space<vmem_shared>>
      tpu.wait_dma2 semaphore(%run_scoped3A_44 : memref<!tpu.dma_semaphore, #tpu.memory_space<semaphore_mem>>) src(%dma_wait3A_52 : memref<640x64xf32, #tpu.memory_space<vmem_shared>>) dst(%dma_wait3A_50 : memref<640x64xf32, #tpu.memory_space<hbm>>)
      tpu.yield
    }) : () -> ()
    return
  }
}

module attributes {stable_mosaic.version = 14 : i64} {
  func.func @_matmul_body(%arg0: memref<10000x128xf32, #tpu.memory_space<vmem>>, %arg1: memref<64x128xf32, #tpu.memory_space<vmem>>, %arg2: memref<10000x64xf32, #tpu.memory_space<vmem>>) attributes {dimension_semantics = [], scalar_prefetch = 0 : i64, scratch_operands = 0 : i64, tpu.core_type = #tpu.core_type<tc>} {
    %get3A = arith.constant 0 : index
    %get3A_0 = arith.constant 0 : index
    %get3A_1 = vector.load %arg0[%get3A, %get3A_0] : memref<10000x128xf32, #tpu.memory_space<vmem>>, vector<10000x128xf32>
    %get3A_2 = arith.constant 0 : index
    %get3A_3 = arith.constant 0 : index
    %get3A_4 = vector.load %arg1[%get3A_2, %get3A_3] : memref<64x128xf32, #tpu.memory_space<vmem>>, vector<64x128xf32>
    %dot_general3A = arith.constant dense<0.000000e+00> : vector<10000x64xf32>
    %dot_general3A_5 = tpu.matmul %get3A_1, %get3A_4, %dot_general3A {dimension_numbers = #tpu.dot_dimension_numbers<[1], [1], [0], [0], [0, 0, 1, 0], [], []>, transpose_lhs_hint = false} : vector<10000x128xf32>, vector<64x128xf32>, vector<10000x64xf32> -> vector<10000x64xf32>
    %swap3A = arith.constant 0 : index
    %swap3A_6 = arith.constant 0 : index
    %swap3A_7 = vector.load %arg2[%swap3A, %swap3A_6] : memref<10000x64xf32, #tpu.memory_space<vmem>>, vector<10000x64xf32>
    tpu.vector_store %arg2[%swap3A, %swap3A_6], %dot_general3A_5 {strides = array<i32>} : memref<10000x64xf32, #tpu.memory_space<vmem>>, vector<10000x64xf32>,
    return
  }
}

module attributes {stable_mosaic.version = 14 : i64} {
  func.func @_mid_body(%arg0: memref<2x10240x64xf32, #tpu.memory_space<vmem>>, %arg1: memref<2x10240xf32, #tpu.memory_space<vmem>>, %arg2: memref<10000x64xf32, #tpu.memory_space<vmem>>, %arg3: memref<1x64xf32, #tpu.memory_space<vmem>>, %arg4: memref<10000x64xf32, #tpu.memory_space<vmem>>) attributes {dimension_semantics = [], scalar_prefetch = 0 : i64, scratch_operands = 0 : i64, tpu.core_type = #tpu.core_type<tc>} {
    %get3A = arith.constant 0 : index
    %get3A_0 = arith.constant 0 : index
    %get3A_1 = arith.constant 0 : index
    %get3A_2 = vector.load %arg0[%get3A, %get3A_0, %get3A_1] : memref<2x10240x64xf32, #tpu.memory_space<vmem>>, vector<1x10000x64xf32>
    %get3A_3 = vector.shape_cast %get3A_2 : vector<1x10000x64xf32> to vector<10000x64xf32>
    %get3A_4 = arith.constant 1 : index
    %get3A_5 = arith.constant 0 : index
    %get3A_6 = arith.constant 0 : index
    %get3A_7 = vector.load %arg0[%get3A_4, %get3A_5, %get3A_6] : memref<2x10240x64xf32, #tpu.memory_space<vmem>>, vector<1x10000x64xf32>
    %get3A_8 = vector.shape_cast %get3A_7 : vector<1x10000x64xf32> to vector<10000x64xf32>
    %add3A = arith.addf %get3A_3, %get3A_8 : vector<10000x64xf32>
    %get3A_9 = arith.constant 0 : index
    %get3A_10 = arith.constant 0 : index
    %get3A_11 = vector.load %arg1[%get3A_9, %get3A_10] : memref<2x10240xf32, #tpu.memory_space<vmem>>, vector<1x10000xf32>
    %get3A_12 = vector.shape_cast %get3A_11 : vector<1x10000xf32> to vector<10000xf32>
    %get3A_13 = arith.constant 1 : index
    %get3A_14 = arith.constant 0 : index
    %get3A_15 = vector.load %arg1[%get3A_13, %get3A_14] : memref<2x10240xf32, #tpu.memory_space<vmem>>, vector<1x10000xf32>
    %get3A_16 = vector.shape_cast %get3A_15 : vector<1x10000xf32> to vector<10000xf32>
    %add3A_17 = arith.addf %get3A_12, %get3A_16 : vector<10000xf32>
    %max3A = arith.constant 1.000000e+00 : f32
    %max3A_18 = vector.broadcast %max3A : f32 to vector<10000xf32>
    %max3A_19 = arith.maximumf %add3A_17, %max3A_18 : vector<10000xf32>
    %broadcast_in_dim3A = vector.shape_cast %max3A_19 : vector<10000xf32> to vector<10000x1xf32>
    %div3A = vector.broadcast %broadcast_in_dim3A : vector<10000x1xf32> to vector<10000x64xf32>
    %div3A_20 = arith.divf %add3A, %div3A : vector<10000x64xf32>
    %get3A_21 = arith.constant 0 : index
    %get3A_22 = arith.constant 0 : index
    %get3A_23 = vector.load %arg3[%get3A_21, %get3A_22] : memref<1x64xf32, #tpu.memory_space<vmem>>, vector<1x64xf32>
    %add3A_24 = vector.broadcast %get3A_23 : vector<1x64xf32> to vector<10000x64xf32>
    %add3A_25 = arith.addf %div3A_20, %add3A_24 : vector<10000x64xf32>
    %get3A_26 = arith.constant 0 : index
    %get3A_27 = arith.constant 0 : index
    %get3A_28 = vector.load %arg2[%get3A_26, %get3A_27] : memref<10000x64xf32, #tpu.memory_space<vmem>>, vector<10000x64xf32>
    %add3A_29 = arith.addf %add3A_25, %get3A_28 : vector<10000x64xf32>
    %max3A_30 = arith.constant 0.000000e+00 : f32
    %max3A_31 = vector.broadcast %max3A_30 : f32 to vector<10000x64xf32>
    %max3A_32 = arith.maximumf %add3A_29, %max3A_31 : vector<10000x64xf32>
    %swap3A = arith.constant 0 : index
    %swap3A_33 = arith.constant 0 : index
    %swap3A_34 = vector.load %arg4[%swap3A, %swap3A_33] : memref<10000x64xf32, #tpu.memory_space<vmem>>, vector<10000x64xf32>
    tpu.vector_store %arg4[%swap3A, %swap3A_33], %max3A_32 {strides = array<i32>} : memref<10000x64xf32, #tpu.memory_space<vmem>>, vector<10000x64xf32>,
    return
  }
}

module attributes {stable_mosaic.version = 14 : i64} {
  func.func @_matmul_body(%arg0: memref<10000x64xf32, #tpu.memory_space<vmem>>, %arg1: memref<64x64xf32, #tpu.memory_space<vmem>>, %arg2: memref<10000x64xf32, #tpu.memory_space<vmem>>) attributes {dimension_semantics = [], scalar_prefetch = 0 : i64, scratch_operands = 0 : i64, tpu.core_type = #tpu.core_type<tc>} {
    %get3A = arith.constant 0 : index
    %get3A_0 = arith.constant 0 : index
    %get3A_1 = vector.load %arg0[%get3A, %get3A_0] : memref<10000x64xf32, #tpu.memory_space<vmem>>, vector<10000x64xf32>
    %get3A_2 = arith.constant 0 : index
    %get3A_3 = arith.constant 0 : index
    %get3A_4 = vector.load %arg1[%get3A_2, %get3A_3] : memref<64x64xf32, #tpu.memory_space<vmem>>, vector<64x64xf32>
    %dot_general3A = arith.constant dense<0.000000e+00> : vector<10000x64xf32>
    %dot_general3A_5 = tpu.matmul %get3A_1, %get3A_4, %dot_general3A {dimension_numbers = #tpu.dot_dimension_numbers<[1], [1], [0], [0], [0, 0, 1, 0], [], []>, transpose_lhs_hint = false} : vector<10000x64xf32>, vector<64x64xf32>, vector<10000x64xf32> -> vector<10000x64xf32>
    %swap3A = arith.constant 0 : index
    %swap3A_6 = arith.constant 0 : index
    %swap3A_7 = vector.load %arg2[%swap3A, %swap3A_6] : memref<10000x64xf32, #tpu.memory_space<vmem>>, vector<10000x64xf32>
    tpu.vector_store %arg2[%swap3A, %swap3A_6], %dot_general3A_5 {strides = array<i32>} : memref<10000x64xf32, #tpu.memory_space<vmem>>, vector<10000x64xf32>,
    return
  }
}

module attributes {stable_mosaic.version = 14 : i64} {
  func.func @_head_body(%arg0: memref<2x10240x64xf32, #tpu.memory_space<vmem>>, %arg1: memref<2x10240xf32, #tpu.memory_space<vmem>>, %arg2: memref<10000x64xf32, #tpu.memory_space<vmem>>, %arg3: memref<1x64xf32, #tpu.memory_space<vmem>>, %arg4: memref<64x64xf32, #tpu.memory_space<vmem>>, %arg5: memref<8x64xf32, #tpu.memory_space<vmem>>, %arg6: memref<1x1xf32, #tpu.memory_space<vmem>>, %arg7: memref<10000x8xf32, #tpu.memory_space<vmem>>) attributes {dimension_semantics = [], scalar_prefetch = 0 : i64, scratch_operands = 0 : i64, tpu.core_type = #tpu.core_type<tc>} {
    %get3A = arith.constant 0 : index
    %get3A_0 = arith.constant 0 : index
    %get3A_1 = arith.constant 0 : index
    %get3A_2 = vector.load %arg0[%get3A, %get3A_0, %get3A_1] : memref<2x10240x64xf32, #tpu.memory_space<vmem>>, vector<1x10000x64xf32>
    %get3A_3 = vector.shape_cast %get3A_2 : vector<1x10000x64xf32> to vector<10000x64xf32>
    %get3A_4 = arith.constant 1 : index
    %get3A_5 = arith.constant 0 : index
    %get3A_6 = arith.constant 0 : index
    %get3A_7 = vector.load %arg0[%get3A_4, %get3A_5, %get3A_6] : memref<2x10240x64xf32, #tpu.memory_space<vmem>>, vector<1x10000x64xf32>
    %get3A_8 = vector.shape_cast %get3A_7 : vector<1x10000x64xf32> to vector<10000x64xf32>
    %add3A = arith.addf %get3A_3, %get3A_8 : vector<10000x64xf32>
    %get3A_9 = arith.constant 0 : index
    %get3A_10 = arith.constant 0 : index
    %get3A_11 = vector.load %arg1[%get3A_9, %get3A_10] : memref<2x10240xf32, #tpu.memory_space<vmem>>, vector<1x10000xf32>
    %get3A_12 = vector.shape_cast %get3A_11 : vector<1x10000xf32> to vector<10000xf32>
    %get3A_13 = arith.constant 1 : index
    %get3A_14 = arith.constant 0 : index
    %get3A_15 = vector.load %arg1[%get3A_13, %get3A_14] : memref<2x10240xf32, #tpu.memory_space<vmem>>, vector<1x10000xf32>
    %get3A_16 = vector.shape_cast %get3A_15 : vector<1x10000xf32> to vector<10000xf32>
    %add3A_17 = arith.addf %get3A_12, %get3A_16 : vector<10000xf32>
    %max3A = arith.constant 1.000000e+00 : f32
    %max3A_18 = vector.broadcast %max3A : f32 to vector<10000xf32>
    %max3A_19 = arith.maximumf %add3A_17, %max3A_18 : vector<10000xf32>
    %broadcast_in_dim3A = vector.shape_cast %max3A_19 : vector<10000xf32> to vector<10000x1xf32>
    %div3A = vector.broadcast %broadcast_in_dim3A : vector<10000x1xf32> to vector<10000x64xf32>
    %div3A_20 = arith.divf %add3A, %div3A : vector<10000x64xf32>
    %get3A_21 = arith.constant 0 : index
    %get3A_22 = arith.constant 0 : index
    %get3A_23 = vector.load %arg4[%get3A_21, %get3A_22] : memref<64x64xf32, #tpu.memory_space<vmem>>, vector<64x64xf32>
    %dot_general3A = arith.constant dense<0.000000e+00> : vector<10000x64xf32>
    %dot_general3A_24 = tpu.matmul %div3A_20, %get3A_23, %dot_general3A {dimension_numbers = #tpu.dot_dimension_numbers<[1], [1], [0], [0], [0, 0, 1, 0], [], []>, transpose_lhs_hint = false} : vector<10000x64xf32>, vector<64x64xf32>, vector<10000x64xf32> -> vector<10000x64xf32>
    %get3A_25 = arith.constant 0 : index
    %get3A_26 = arith.constant 0 : index
    %get3A_27 = vector.load %arg3[%get3A_25, %get3A_26] : memref<1x64xf32, #tpu.memory_space<vmem>>, vector<1x64xf32>
    %add3A_28 = vector.broadcast %get3A_27 : vector<1x64xf32> to vector<10000x64xf32>
    %add3A_29 = arith.addf %dot_general3A_24, %add3A_28 : vector<10000x64xf32>
    %get3A_30 = arith.constant 0 : index
    %get3A_31 = arith.constant 0 : index
    %get3A_32 = vector.load %arg2[%get3A_30, %get3A_31] : memref<10000x64xf32, #tpu.memory_space<vmem>>, vector<10000x64xf32>
    %add3A_33 = arith.addf %add3A_29, %get3A_32 : vector<10000x64xf32>
    %max3A_34 = arith.constant 0.000000e+00 : f32
    %max3A_35 = vector.broadcast %max3A_34 : f32 to vector<10000x64xf32>
    %max3A_36 = arith.maximumf %add3A_33, %max3A_35 : vector<10000x64xf32>
    %get3A_37 = arith.constant 0 : index
    %get3A_38 = arith.constant 0 : index
    %get3A_39 = vector.load %arg5[%get3A_37, %get3A_38] : memref<8x64xf32, #tpu.memory_space<vmem>>, vector<8x64xf32>
    %dot_general3A_40 = arith.constant dense<0.000000e+00> : vector<10000x8xf32>
    %dot_general3A_41 = tpu.matmul %max3A_36, %get3A_39, %dot_general3A_40 {dimension_numbers = #tpu.dot_dimension_numbers<[1], [1], [0], [0], [0, 0, 1, 0], [], []>, transpose_lhs_hint = false} : vector<10000x64xf32>, vector<8x64xf32>, vector<10000x8xf32> -> vector<10000x8xf32>
    %get3A_42 = arith.constant 0 : index
    %get3A_43 = arith.constant 0 : index
    %get3A_44 = vector.load %arg6[%get3A_42, %get3A_43] : memref<1x1xf32, #tpu.memory_space<vmem>>, vector<1x1xf32>
    %get3A_45 = vector.extract %get3A_44[0, 0] : f32 from vector<1x1xf32>
    %add3A_46 = vector.broadcast %get3A_45 : f32 to vector<10000x8xf32>
    %add3A_47 = arith.addf %dot_general3A_41, %add3A_46 : vector<10000x8xf32>
    %swap3A = arith.constant 0 : index
    %swap3A_48 = arith.constant 0 : index
    %swap3A_49 = vector.load %arg7[%swap3A, %swap3A_48] : memref<10000x8xf32, #tpu.memory_space<vmem>>, vector<10000x8xf32>
    tpu.vector_store %arg7[%swap3A, %swap3A_48], %add3A_47 {strides = array<i32>} : memref<10000x8xf32, #tpu.memory_space<vmem>>, vector<10000x8xf32>,
    return
  }
}

</mosaic_0001>

<sc_bundles>
// kernel: kernel.12.cloned.1.call-start
scs
__scs_entry_jumppad:
0x0: {  	(pc) =	sbr.rel $0x88, $3  }
0x1: {  	(tag) =	ssettag $0x0;
	lr =	simm.s32 $0x1  }
0x2: {  	[smem:$0x3F97] =	sst lr;
	_ =	strace $0xD0000000  }
0x3: {  	_ = 	snop  }
0x4: {  	_ = 	snop  }
0x5: {  	_ = 	snop  }
0x6: {  	_ = 	snop  }
0x7: {  	_ = 	snop  }
__scs_overlays_trampoline_lowered:
0x8: {  	[smem:$0x3FA6] =	sst s0  }
0x9: {  	[smem:$0x3FA7] =	sst s1  }
0xa: {  	[smem:$0x3FA8] =	sst s2  }
0xb: {  	[smem:$0x3FA9] =	sst s3  }
0xc: {  	[smem:$0x3FAA] =	sst s4  }
0xd: {  	[smem:$0x3FAB] =	sst s5  }
0xe: {  	[smem:$0x3FAC] =	sst s6  }
0xf: {  	[smem:$0x3FAD] =	sst s7  }
0x10: {  	[smem:$0x3FAE] =	sst s8  }
0x11: {  	[smem:$0x3FAF] =	sst s9;
	s0 =	simm.s32 @!p0 $0x0  }
0x12: {  	s1 =	sld [smem:$0x3F95];
	s0 =	simm.s32 @p0 $0x1  }
0x13: {  	[smem:$0x3FB0] =	sst s0;
	s0 =	simm.s32 @!p1 $0x0  }
0x14: {  	s2 =	sld [smem:$0x3F94];
	s0 =	simm.s32 @p1 $0x1  }
0x15: {  	[smem:$0x3FB1] =	sst s0;
	s0 =	simm.s32 @!p2 $0x0  }
0x16: {  	s3 =	sld [smem:$0x3FDB];
	s0 =	simm.s32 @p2 $0x1  }
0x17: {  	s4 =	simm.s32 $0x1BF5;
	[smem:$0x3FB3] =	sst s0  }
0x18: {  	s0 =	sld [smem:$0x3F96];
	_ =	swait.ge [sflag:s4], $0x0  }
0x19: {  	s7 =	sld [smem:$0x3F97]  }
0x1a: {  	s8 =	sadd.s32 $0xFFFFE003, lr  }
0x1b: {  	s9 =	sadd.s32 $0xFFFFFEF7, lr;
	s5 =	simm.s32 $0xFFFFFFFF;
	p2 =	slt.u32 s8, $0xFFFFF086  }
0x1c: {  	p1 =	slt.u32 s9, $0xF7A;
	s5 =	simm.s32 @!p2 $0x0  }
0x1d: {  	s5 =	simm.s32 @p1 $0x1;
	p0 =	seq.s32 s7, s2  }
0x1e: {  	s7 =	smul.u32 @!p0 $0xF7A, s2;
	p2 =	seq.s32 @!p0 s5, $0x0  }
0x1f: {  	s9 =	smul.u32 $0xF7A, s1;
	s8 =	simm.s32 @!p0 $0x1BF5;
	p2 =	por !p2, p0  }
0x20: {  	[sflag:s8] =	ssyncset.s32 @!p0 $0xFFFFF086;
	s6 =	sadd.s32 @!p0 s3, s7;
	s7 =	simm.s32 @!p0 $0x108  }
0x21: {  	s3 =	sadd.s32 s3, s9;
	s6 =	sadd.s32 @!p0 $0x88, s6;
	s7 =	simm.s32 @p2 $0x1082  }
0x22: {  	[simem:s7], [sflag:s8] =	dma.local @!p0 [hbm:s6], $0xF7A  }
0x23: {  	s9 =	sor.u32 $0xD0000000, s2;
	s6 =	simm.s32 $0x108;
	_ =	swait.ge @!p0 [sflag:s8], $0x0  }
0x24: {  	s3 =	sadd.s32 $0x88, s3;
	s6 =	simm.s32 @!p1 $0x1082;
	[sflag:s4] =	ssyncset.s32 $0xFFFFF086  }
0x25: {  	[simem:s6], [sflag:s4] =	dma.local [hbm:s3], $0xF7A  }
0x26: {  	[smem:$0x3F97] =	sst s1;
	(tag) =	ssettag s2;
	_ =	strace s9  }
0x27: {  	s1 =	sld [smem:$0x3FA7]  }
0x28: {  	s2 =	sld [smem:$0x3FA8]  }
0x29: {  	s4 =	sld [smem:$0x3FAA]  }
0x2a: {  	p0 =	seq.s32 s5, $0x0;
	s5 =	sld [smem:$0x3FAB]  }
0x2b: {  	s6 =	sld [smem:$0x3FAC]  }
0x2c: {  	s7 =	sld [smem:$0x3FAD]  }
0x2d: {  	s3 =	simm.s32 $0x108;
	s8 =	sld [smem:$0x3FAE]  }
0x2e: {  	s3 =	simm.s32 @!p0 $0x1082;
	s9 =	sld [smem:$0x3FAF]  }
0x2f: {  	lr =	sadd.s32 s0, s3;
	s0 =	sld [smem:$0x3FA6]  }
0x30: {  	s3 =	sld [smem:$0x3FA9]  }
0x31: {  	[smem:$0x3FB2] =	sst s10  }
0x32: {  	s10 =	sld [smem:$0x3FB0];
	_ =	sdelay $0x3  }
0x33: {  	p0 =	seq.s32 s10, $0x1;
	s10 =	sld [smem:$0x3FB2];
	_ =	sdelay $0x3  }
0x34: {  	[smem:$0x3FB2] =	sst s10  }
0x35: {  	s10 =	sld [smem:$0x3FB1];
	_ =	sdelay $0x3  }
0x36: {  	p1 =	seq.s32 s10, $0x1;
	s10 =	sld [smem:$0x3FB2];
	_ =	sdelay $0x3  }
0x37: {  	[smem:$0x3FB2] =	sst s10  }
0x38: {  	s10 =	sld [smem:$0x3FB3]  }
0x39: {  	_ = 	snop;
	(pc) =	sbr.ind lr, $3  }
0x3a: {  	_ = 	snop  }
0x3b: {  	_ = 	snop  }
0x3c: {  	p2 =	seq.s32 s10, $0x1;
	s10 =	sld [smem:$0x3FB2]  }
0x3d: {  	_ =	shalt  }
0x3e: {  	_ =	shalt  }
0x3f: {  	_ =	shalt  }
0x40: {  	_ =	shalt  }
0x41: {  	_ =	shalt  }
0x42: {  	_ =	shalt  }
0x43: {  	_ =	shalt  }
0x44: {  	_ =	shalt  }
0x45: {  	_ =	shalt  }
0x46: {  	_ =	shalt  }
0x47: {  	_ =	shalt  }
0x48: {  	_ =	shalt  }
0x49: {  	_ =	shalt  }
0x4a: {  	_ =	shalt  }
0x4b: {  	_ =	shalt  }
0x4c: {  	_ =	shalt  }
0x4d: {  	_ =	shalt  }
0x4e: {  	_ =	shalt  }
0x4f: {  	_ =	shalt  }
0x50: {  	_ =	shalt  }
0x51: {  	_ =	shalt  }
0x52: {  	_ =	shalt  }
0x53: {  	_ =	shalt  }
0x54: {  	_ =	shalt  }
0x55: {  	_ =	shalt  }
0x56: {  	_ =	shalt  }
0x57: {  	_ =	shalt  }
0x58: {  	_ =	shalt  }
0x59: {  	_ =	shalt  }
0x5a: {  	_ =	shalt  }
0x5b: {  	_ =	shalt  }
0x5c: {  	_ =	shalt  }
0x5d: {  	_ =	shalt  }
0x5e: {  	_ =	shalt  }
0x5f: {  	_ =	shalt  }
0x60: {  	_ =	shalt  }
0x61: {  	_ =	shalt  }
0x62: {  	_ =	shalt  }
0x63: {  	_ =	shalt  }
0x64: {  	_ =	shalt  }
0x65: {  	_ =	shalt  }
0x66: {  	_ =	shalt  }
0x67: {  	_ =	shalt  }
0x68: {  	_ =	shalt  }
0x69: {  	_ =	shalt  }
0x6a: {  	_ =	shalt  }
0x6b: {  	_ =	shalt  }
0x6c: {  	_ =	shalt  }
0x6d: {  	_ =	shalt  }
0x6e: {  	_ =	shalt  }
0x6f: {  	_ =	shalt  }
0x70: {  	_ =	shalt  }
0x71: {  	_ =	shalt  }
0x72: {  	_ =	shalt  }
0x73: {  	_ =	shalt  }
0x74: {  	_ =	shalt  }
0x75: {  	_ =	shalt  }
0x76: {  	_ =	shalt  }
0x77: {  	_ =	shalt  }
0x78: {  	_ =	shalt  }
0x79: {  	_ =	shalt  }
0x7a: {  	_ =	shalt  }
0x7b: {  	_ =	shalt  }
0x7c: {  	_ =	shalt  }
0x7d: {  	_ =	shalt  }
0x7e: {  	_ =	shalt  }
0x7f: {  	_ =	shalt  }
0x80: {  	_ =	shalt  }
0x81: {  	_ =	shalt  }
0x82: {  	_ =	shalt  }
0x83: {  	_ =	shalt  }
0x84: {  	_ =	shalt  }
0x85: {  	_ =	shalt  }
0x86: {  	_ =	shalt  }
0x87: {  	_ =	shalt  }
.Lfunc_end0:
.L_simem_size_0:
called_computation.1_lowered:
.L_overlay_start_0:
0x88: {  	s2 =	sld [smem:$0x3FD9]  }
0x89: {  	s3 =	sld [smem:$0x3FFE];
	_ =	sdelay $0x1  }
0x8a: {  	s1 =	srdreg.scid  }
0x8b: {  	s0 =	sand.u32 $0x1, s1  }
0x8c: {  	s16 =	sshll.u32 s0, $0xA;
	s2 =	sadd.s32 s3, s2  }
0x8d: {  	s2 =	sadd.s32 s2, s16  }
0x8e: {  	[smem:$0x3FBE] =	sst s2  }
0x8f: {  	_ = 	snop  }
0x90: {  	(tm) =	ssettm $0x1  }
0x91: {  	s17 =	sld [smem:$0x3FFB];
	_ =	sdelay $0x3  }
0x92: {  	_ =	strace s17  }
0x93: {  	s2 =	sld [smem:$0x3FFC];
	_ =	sdelay $0x3  }
0x94: {  	_ =	strace s2  }
0x95: {  	s2 =	sld [smem:$0x3FFD];
	_ =	sdelay $0x3  }
0x96: {  	_ =	strace s2  }
0x97: {  	_ =	strace $0x8FFFFFFF  }
0x98: {  	s18 =	sld [smem:$0x3FDB];
	_ =	sdelay $0x1  }
0x99: {  	s19 =	simm.s32 $_scs_section_size  }
0x9a: {  	s4 =	simm.s32 $_size__tile_overlayer_lowered;
	s5 =	simm.s32 $_tile_overlayer_lowered  }
0x9b: {  	s22 =	simm.s32 $0x1BFF;
	s21 =	sshll.u32 s5, $0x1;
	s2 =	sadd.s32 s19, s18  }
0x9c: {  	s6 =	simm.s32 $0x0;
	s20 =	sshll.u32 s4, $0x1;
	s4 =	sadd.s32 s21, s2  }
0x9d: {  	[timem:s6], [sflag:s22] =	dma.local [hbm:s4], s20  }
0x9e: {  	_ =	swait.ge [sflag:s22], s20  }
0x9f: {  	s3 =	ssub.s32 $0x0, s20;
	[sflag:s22] =	ssyncset.done $0x0  }
0xa0: {  	[sflag:s22] =	ssyncadd.s32 s3;
	_ =	sdelay $0x1  }
0xa1: {  	s23 =	simm.s32 $0x1B8B  }
0xa2: {  	_ =	swait.ge [sflag:s23], $0x1  }
0xa3: {  	[sflag:s23] =	ssyncset.done $0x0  }
0xa4: {  	s25 =	simm.s32 $0x1B8E;
	s24 =	sld [smem:$0x3FFE];
	[sflag:s23] =	ssyncadd.s32 $0xFFFFFFFF  }
0xa5: {  	s26 =	simm.s32 $execute0_lowered;
	[smem:$0x3FD2] =	sst s25  }
0xa6: {  	s4 =	sshll.u32 s26, $0x1;
	_ =	strace $0x80000049;
	[dreg:$0x1] =	wrdreg $0xFFFFFFFF  }
0xa7: {  	s28 =	simm.s32 $_size_execute0_lowered;
	s2 =	sadd.s32 s2, s4;
	[dreg:$0x0] =	wrdreg $0x0  }
0xa8: {  	s4 =	sshll.u32 s28, $0x1;
	[dreg:$0x2] =	wrdreg s2  }
0xa9: {  	[dreg:$0x3] =	wrdreg s4  }
0xaa: {  	[dreg:$0x4] =	wrdreg $0xC0  }
0xab: {  	_ =	task [dreg:s6], $0x5FFFF  }
0xac: {  	[dreg:$0x1] =	wrdreg $0xFFFFFFFF  }
0xad: {  	[dreg:$0x0] =	wrdreg $0x60  }
0xae: {  	[dreg:$0x2] =	wrdreg s24  }
0xaf: {  	[dreg:$0x3] =	wrdreg $0x12F000  }
0xb0: {  	[dreg:$0x4] =	wrdreg $0x9  }
0xb1: {  	_ =	task.clear_ibuf [dreg:s6], $0x5FFFF;
	_ =	strace $0x90000049  }
0xb2: {  	s29 =	simm.s32 $0x9;
	_ =	strace $0x8000004B  }
0xb3: {  	_ =	swait.ge [sflag:s29], $0x1  }
0xb4: {  	[sflag:s29] =	ssyncadd.s32 $0xFFFFFFFF  }
0xb5: {  	_ =	strace $0x9000004B  }
0xb6: {  	_ =	sfence  }
0xb7: {  	s30 =	sld [smem:$0x0];
	_ =	sdelay $0x2  }
0xb8: {  	s31 =	sshll.u32 s1, $0xD;
	s1 =	sshrl.u32 s1, $0x2  }
0xb9: {  	s3 =	sand.u32 $0x4000, s31;
	s1 =	sadd.s32 s1, s30  }
0xba: {  	s0 =	sor.u32 s3, s0;
	s1 =	sshll.u32 s1, $0x11  }
0xbb: {  	s0 =	sor.u32 s1, s0  }
0xbc: {  	s0 =	sadd.s32 $0x8F2B, s0  }
0xbd: {  	[sflag:s0] =	ssyncadd.remote.s32 $0x1  }
0xbe: {  	_ =	sfence.sel $0xFFFF  }
0xbf: {  	[dreg:$0x0] =	wrdreg $0xFFFFFFFF;
	(pc) =	sbr.abs _section_cstart, $3  }
0xc0: {  	[dreg:$0x1] =	wrdreg $0xFFFFFFFF  }
0xc1: {  	_ =	task.clear_ibuf [dreg:s6], $0x2FFFF;
	_ =	strace $0x9FFFFFFF  }
0xc2: {  	(tm) =	ssettm $0x7FFFFFFF  }
0xc3: {  	_ =	shalt  }
tec
execute0_lowered:
.L_overlay_start_1:
0x0: {  	(tag) =	ssettag $0x1  }
0x1: {  	s1 =	srdreg.scid  }
0x2: {  	s0 =	stileid.u32;
	s5 =	rddreg [dreg:$0x0]  }
0x3: {  	s3 =	simm.s32 $0x0;
	s16 =	simm.s32 $0x10F00;
	s17 =	simm.s32 $0x3  }
0x4: {  	s19 =	simm.s32 $0x80;
	s20 =	simm.s32 $0x4F00;
	s21 =	simm.s32 $0x6F00  }
0x5: {  	s22 =	simm.s32 $0x8F00;
	s23 =	simm.s32 $0xAF00;
	s28 =	simm.s32 $0x2  }
0x6: {  	s29 =	simm.s32 $0x0;
	s1 =	sand.u32 $0x1, s1;
	s7 =	smul.u32 $0xA000, s0  }
0x7: {  	s2 =	sshll.u32 s0, $0x1;
	[smem:$0x7FF] =	sst s3;
	s25 =	smul.u32 $0x28000, s0  }
0x8: {  	p0 =	sgt.u32 s0, $0x1;
	s4 =	sor.u32 s1, s2;
	s2 =	rddreg [dreg:$0x1]  }
0x9: {  	s9 =	smul.u32 $0xA0000, s1;
	_ =	strace $0x8000004A;
	s1 =	ssub.s32 $0x2, s1  }
0xa: {  	s6 =	smul.u32 $0x4E, s4;
	s8 =	smin.u32 s4, $0x4;
	s4 =	sadd.s32 $0x15200, s5  }
0xb: {  	s30 =	sshrl.u32 s1, $0x1;
	s31 =	sshrl.u32 s25, $0x2;
	s25 =	simm.s32 $0xEF00  }
0xc: {  	s24 =	sadd.s32 s7, s9;
	s1 =	ssub.s32 s1, s30;
	s9 =	sadd.s32 s31, s2  }
0xd: {  	s6 =	sadd.s32 s8, s6;
	s26 =	sshrl.u32 s24, $0x3;
	s8 =	sadd.s32 $0x6000, s9  }
0xe: {  	s15 =	smax.u32 s1, $0x1;
	s24 =	simm.s32 $0xCF00;
	s6 =	sshll.u32 s6, $0x4  }
0xf: {  	s14 =	sadd.s32 s26, s5;
	s26 =	simm.s32 $0x1;
	s13 =	sadd.s32 s6, s5  }
0x10: {  	s5 =	sadd.s32 s7, s2;
	s6 =	sadd.s32 $0x2000, s9;
	s7 =	sadd.s32 $0x4000, s9  }
0x11: {  	s9 =	sadd.s32 $0x8000, s9;
	s14 =	sadd.s32 $0x28C00, s14;
	s10 =	sadd.s32 $0x1800, s13  }
0x12: {  	v0 =	vimm.f32 $0.0e+00;
	s11 =	sadd.s32 $0xB440, s13;
	s12 =	sadd.s32 $0x1CE0, s13;
	s13 =	sadd.s32 $0xB920, s13  }
.LBB2_1:
0x13: {  	s30 =	simm.s32 $0x100;
	s1 =	simm.s32 $0x0  }
.LBB2_2:
0x14: {  	p1 =	sne.s32 s30, $0x7F00;
	[tilespmem:s1+$0x10F30] =	vst v0;
	s18 =	smov.u32 s30;
	s30 =	sadd.s32 $0x100, s30  }
.Ltmp0:
0x15: {  	[tilespmem:s1+$0x10F20] =	vst v0;
	(pc) =	sbr.rel @p1 .LBB2_2-.Ltmp0, $3  }
0x16: {  	[tilespmem:s1+$0x10F00] =	vst v0  }
0x17: {  	[tilespmem:s1+$0x10F10] =	vst v0;
	_ =	sdelay $0x1  }
0x18: {  	s1 =	sshra.s32 s18, $0x2  }
0x19: {  	[tilespmem:s1+$0x10F30] =	vst v0  }
0x1a: {  	[tilespmem:s1+$0x10F20] =	vst v0  }
0x1b: {  	[tilespmem:s1+$0x10F00] =	vst v0  }
0x1c: {  	[tilespmem:s1+$0x10F10] =	vst v0  }
0x1d: {  	[spmem:s5] =	stream.linear.scatter [tilespmem:s16], [sflag:$0x3], $0x2000, $0x38;
	[tilespmem:$0x1CF00] =	vst v63  }
0x1e: {  	_ =	swait.ge [sflag:s17], $0x2000  }
0x1f: {  	[sflag:s17] =	ssyncset.done $0x0  }
0x20: {  	[sflag:s17] =	ssyncadd.s32 $0xFFFFE000  }
0x21: {  	[spmem:s6] =	stream.linear.scatter [tilespmem:s16], [sflag:$0x3], $0x2000, $0x38;
	[tilespmem:$0x1CF00] =	vst v63  }
0x22: {  	_ =	swait.ge [sflag:s17], $0x2000  }
0x23: {  	[sflag:s17] =	ssyncset.done $0x0  }
0x24: {  	[sflag:s17] =	ssyncadd.s32 $0xFFFFE000  }
0x25: {  	[spmem:s7] =	stream.linear.scatter [tilespmem:s16], [sflag:$0x3], $0x2000, $0x38;
	[tilespmem:$0x1CF00] =	vst v63  }
0x26: {  	_ =	swait.ge [sflag:s17], $0x2000  }
0x27: {  	[sflag:s17] =	ssyncset.done $0x0  }
0x28: {  	[sflag:s17] =	ssyncadd.s32 $0xFFFFE000  }
0x29: {  	[spmem:s8] =	stream.linear.scatter [tilespmem:s16], [sflag:$0x3], $0x2000, $0x38;
	[tilespmem:$0x1CF00] =	vst v63  }
0x2a: {  	_ =	swait.ge [sflag:s17], $0x2000  }
0x2b: {  	[sflag:s17] =	ssyncset.done $0x0  }
0x2c: {  	[sflag:s17] =	ssyncadd.s32 $0xFFFFE000  }
0x2d: {  	[spmem:s9] =	stream.linear.scatter [tilespmem:s16], [sflag:$0x3], $0x2000, $0x38;
	[tilespmem:$0x1CF00] =	vst v63  }
0x2e: {  	_ =	swait.ge [sflag:s17], $0x2000  }
0x2f: {  	[sflag:s17] =	ssyncset.done $0x0  }
0x30: {  	[sflag:s17] =	ssyncadd.s32 $0xFFFFE000  }
0x31: {  	[bflag:$0x0] =	sbarrier.arrive $0xFFFF  }
0x32: {  	[tilespmem:s3], [sflag:$0x3] =	stream.linear.gather [hbm4b:s10+s3], $0x2700, $0x38;
	[tilespmem:$0x1CF00] =	vst v63  }
0x33: {  	_ =	swait.ge [sflag:s17], $0x2700  }
0x34: {  	[sflag:s17] =	ssyncset.done $0x0  }
0x35: {  	s18 =	simm.s32 $0x2780;
	[sflag:s17] =	ssyncadd.s32 $0xFFFFD900  }
0x36: {  	[tilespmem:s18], [sflag:$0x3] =	stream.linear.gather [hbm4b:s11+s3], $0x2700, $0x38;
	[tilespmem:$0x1CF00] =	vst v63  }
0x37: {  	_ =	swait.ge [sflag:s17], $0x2700  }
0x38: {  	[sflag:s17] =	ssyncset.done $0x0  }
0x39: {  	s1 =	simm.s32 @!p0 $0x0;
	s18 =	simm.s32 @!p0 $0x2700;
	[sflag:s17] =	ssyncadd.s32 $0xFFFFD900  }
0x3a: {  	[tilespmem:s18], [sflag:$0x3] =	stream.linear.gather @!p0 [hbm4b:s12+s1], $0x80, $0x38;
	[tilespmem:$0x1CF00] =	vst v63  }
0x3b: {  	s18 =	simm.s32 @!p0 $0x3  }
0x3c: {  	_ =	swait.ge @!p0 [sflag:s18], $0x80  }
0x3d: {  	[sflag:s18] =	ssyncset.done @!p0 $0x0  }
0x3e: {  	s30 =	simm.s32 @!p0 $0x4E80;
	[sflag:s18] =	ssyncadd.s32 @!p0 $0xFFFFFF80  }
0x3f: {  	[tilespmem:s30], [sflag:$0x3] =	stream.linear.gather @!p0 [hbm4b:s13+s1], $0x80, $0x38;
	[tilespmem:$0x1CF00] =	vst v63  }
0x40: {  	_ =	swait.ge @!p0 [sflag:s18], $0x80  }
0x41: {  	[sflag:s18] =	ssyncset.done @!p0 $0x0  }
0x42: {  	[sflag:s18] =	ssyncadd.s32 @!p0 $0xFFFFFF80;
	s18 =	simm.s32 $0x0  }
0x43: {  	[tilespmem:s20], [sflag:$0x1] =	stream.indirect.gather [hbm4b:s4+s19], $0x40, s18, s19, $0xb8;
	[tilespmem:$0x1CF00] =	vst v63  }
0x44: {  	s18 =	simm.s32 $0x80  }
0x45: {  	[tilespmem:s21], [sflag:$0x1] =	stream.indirect.gather [hbm4b:s4+s19], $0x40, s18, s19, $0xb8;
	[tilespmem:$0x1CF00] =	vst v63  }
0x46: {  	s18 =	simm.s32 $0x100  }
0x47: {  	[tilespmem:s22], [sflag:$0x1] =	stream.indirect.gather [hbm4b:s4+s19], $0x40, s18, s19, $0xb8;
	[tilespmem:$0x1CF00] =	vst v63  }
0x48: {  	s18 =	simm.s32 $0x180  }
0x49: {  	[tilespmem:s23], [sflag:$0x1] =	stream.indirect.gather [hbm4b:s4+s19], $0x40, s18, s19, $0xb8;
	[tilespmem:$0x1CF00] =	vst v63  }
0x4a: {  	s18 =	simm.s32 $0x200  }
0x4b: {  	[tilespmem:s24], [sflag:$0x1] =	stream.indirect.gather [hbm4b:s4+s19], $0x40, s18, s19, $0xb8;
	[tilespmem:$0x1CF00] =	vst v63  }
0x4c: {  	s18 =	simm.s32 $0x280  }
0x4d: {  	[tilespmem:s25], [sflag:$0x1] =	stream.indirect.gather [hbm4b:s4+s19], $0x40, s18, s19, $0xb8;
	[tilespmem:$0x1CF00] =	vst v63  }
0x4e: {  	_ =	swait.ge [sflag:s26], $0x2000  }
0x4f: {  	[sflag:s26] =	ssyncset.done $0x0  }
0x50: {  	s18 =	simm.s32 $0x2780;
	[sflag:s26] =	ssyncadd.s32 $0xFFFFE000  }
0x51: {  	[spmem:s2] =	stream.indirect.scatter.add.f32 [tilespmem:s20], [sflag:$0x2], $0x40, s18, s19, $0xb8;
	[tilespmem:$0x1CF00] =	vst v63  }
0x52: {  	_ =	swait.ge [sflag:s26], $0x2000  }
0x53: {  	[sflag:s26] =	ssyncset.done $0x0  }
0x54: {  	s18 =	simm.s32 $0x2800;
	[sflag:s26] =	ssyncadd.s32 $0xFFFFE000  }
0x55: {  	[spmem:s2] =	stream.indirect.scatter.add.f32 [tilespmem:s21], [sflag:$0x2], $0x40, s18, s19, $0xb8;
	[tilespmem:$0x1CF00] =	vst v63  }
0x56: {  	_ =	swait.ge [sflag:s26], $0x2000  }
0x57: {  	[sflag:s26] =	ssyncset.done $0x0  }
0x58: {  	s18 =	simm.s32 $0x2880;
	[sflag:s26] =	ssyncadd.s32 $0xFFFFE000  }
0x59: {  	[spmem:s2] =	stream.indirect.scatter.add.f32 [tilespmem:s22], [sflag:$0x2], $0x40, s18, s19, $0xb8;
	[tilespmem:$0x1CF00] =	vst v63  }
0x5a: {  	_ =	swait.ge [sflag:s26], $0x2000  }
0x5b: {  	[sflag:s26] =	ssyncset.done $0x0  }
0x5c: {  	s18 =	simm.s32 $0x2900;
	[sflag:s26] =	ssyncadd.s32 $0xFFFFE000  }
0x5d: {  	[spmem:s2] =	stream.indirect.scatter.add.f32 [tilespmem:s23], [sflag:$0x2], $0x40, s18, s19, $0xb8;
	[tilespmem:$0x1CF00] =	vst v63  }
0x5e: {  	_ =	swait.ge [sflag:s26], $0x2000  }
0x5f: {  	[sflag:s26] =	ssyncset.done $0x0  }
0x60: {  	s18 =	simm.s32 $0x2980;
	[sflag:s26] =	ssyncadd.s32 $0xFFFFE000  }
0x61: {  	[spmem:s2] =	stream.indirect.scatter.add.f32 [tilespmem:s24], [sflag:$0x2], $0x40, s18, s19, $0xb8;
	[tilespmem:$0x1CF00] =	vst v63  }
0x62: {  	_ =	swait.ge [sflag:s26], $0x2000  }
0x63: {  	[sflag:s26] =	ssyncset.done $0x0  }
0x64: {  	s18 =	simm.s32 $0x2A00;
	[sflag:s26] =	ssyncadd.s32 $0xFFFFE000  }
0x65: {  	[spmem:s2] =	stream.indirect.scatter.add.f32 [tilespmem:s25], [sflag:$0x2], $0x40, s18, s19, $0xb8;
	[tilespmem:$0x1CF00] =	vst v63  }
0x66: {  	_ =	swait.ge [sflag:s28], $0x2000  }
0x67: {  	[sflag:s28] =	ssyncset.done $0x0  }
0x68: {  	[sflag:s28] =	ssyncadd.s32 $0xFFFFE000  }
0x69: {  	_ =	swait.ge [sflag:s28], $0x2000  }
0x6a: {  	[sflag:s28] =	ssyncset.done $0x0  }
0x6b: {  	[sflag:s28] =	ssyncadd.s32 $0xFFFFE000  }
0x6c: {  	_ =	swait.ge [sflag:s28], $0x2000  }
0x6d: {  	[sflag:s28] =	ssyncset.done $0x0  }
0x6e: {  	[sflag:s28] =	ssyncadd.s32 $0xFFFFE000  }
0x6f: {  	_ =	swait.ge [sflag:s28], $0x2000  }
0x70: {  	[sflag:s28] =	ssyncset.done $0x0  }
0x71: {  	[sflag:s28] =	ssyncadd.s32 $0xFFFFE000  }
0x72: {  	_ =	swait.ge [sflag:s28], $0x2000  }
0x73: {  	[sflag:s28] =	ssyncset.done $0x0  }
0x74: {  	[sflag:s28] =	ssyncadd.s32 $0xFFFFE000  }
0x75: {  	_ =	swait.ge [sflag:s28], $0x2000  }
0x76: {  	s31 =	simm.s32 $0x1800;
	s30 =	simm.s32 $0xC00;
	[sflag:s28] =	ssyncset.done $0x0  }
.LBB2_4:
0x77: {  	s1 =	sshra.s32 s30, $0x2  }
0x78: {  	[sflag:s28] =	ssyncadd.s32 $0xFFFFE000;
	s30 =	smov.u32 s31;
	s18 =	sadd.s32 $0xC00, s31  }
0x79: {  	[tilespmem:s20], [sflag:$0x1] =	stream.indirect.gather [hbm4b:s4+s19], $0x40, s1, s19, $0xb8;
	[tilespmem:$0x1CF00] =	vst v63  }
0x7a: {  	p1 =	sne.s32 s31, $0x9000;
	s31 =	sadd.s32 $0x80, s1  }
0x7b: {  	[tilespmem:s21], [sflag:$0x1] =	stream.indirect.gather [hbm4b:s4+s19], $0x40, s31, s19, $0xb8;
	[tilespmem:$0x1CF00] =	vst v63  }
0x7c: {  	s31 =	sadd.s32 $0x100, s1  }
0x7d: {  	[tilespmem:s22], [sflag:$0x1] =	stream.indirect.gather [hbm4b:s4+s19], $0x40, s31, s19, $0xb8;
	[tilespmem:$0x1CF00] =	vst v63  }
0x7e: {  	s31 =	sadd.s32 $0x180, s1  }
0x7f: {  	[tilespmem:s23], [sflag:$0x1] =	stream.indirect.gather [hbm4b:s4+s19], $0x40, s31, s19, $0xb8;
	[tilespmem:$0x1CF00] =	vst v63  }
0x80: {  	s31 =	sadd.s32 $0x200, s1  }
0x81: {  	[tilespmem:s24], [sflag:$0x1] =	stream.indirect.gather [hbm4b:s4+s19], $0x40, s31, s19, $0xb8;
	[tilespmem:$0x1CF00] =	vst v63  }
0x82: {  	s31 =	sadd.s32 $0x280, s1  }
0x83: {  	[tilespmem:s25], [sflag:$0x1] =	stream.indirect.gather [hbm4b:s4+s19], $0x40, s31, s19, $0xb8;
	[tilespmem:$0x1CF00] =	vst v63  }
0x84: {  	_ =	swait.ge [sflag:s26], $0x2000  }
0x85: {  	[sflag:s26] =	ssyncset.done $0x0  }
0x86: {  	s31 =	sadd.s32 $0x2780, s1;
	[sflag:s26] =	ssyncadd.s32 $0xFFFFE000  }
0x87: {  	[spmem:s2] =	stream.indirect.scatter.add.f32 [tilespmem:s20], [sflag:$0x2], $0x40, s31, s19, $0xb8;
	[tilespmem:$0x1CF00] =	vst v63  }
0x88: {  	_ =	swait.ge [sflag:s26], $0x2000  }
0x89: {  	[sflag:s26] =	ssyncset.done $0x0  }
0x8a: {  	s31 =	sadd.s32 $0x2800, s1;
	[sflag:s26] =	ssyncadd.s32 $0xFFFFE000  }
0x8b: {  	[spmem:s2] =	stream.indirect.scatter.add.f32 [tilespmem:s21], [sflag:$0x2], $0x40, s31, s19, $0xb8;
	[tilespmem:$0x1CF00] =	vst v63  }
0x8c: {  	_ =	swait.ge [sflag:s26], $0x2000  }
0x8d: {  	[sflag:s26] =	ssyncset.done $0x0  }
0x8e: {  	s31 =	sadd.s32 $0x2880, s1;
	[sflag:s26] =	ssyncadd.s32 $0xFFFFE000  }
0x8f: {  	[spmem:s2] =	stream.indirect.scatter.add.f32 [tilespmem:s22], [sflag:$0x2], $0x40, s31, s19, $0xb8;
	[tilespmem:$0x1CF00] =	vst v63  }
0x90: {  	_ =	swait.ge [sflag:s26], $0x2000  }
0x91: {  	[sflag:s26] =	ssyncset.done $0x0  }
0x92: {  	s31 =	sadd.s32 $0x2900, s1;
	[sflag:s26] =	ssyncadd.s32 $0xFFFFE000  }
0x93: {  	[spmem:s2] =	stream.indirect.scatter.add.f32 [tilespmem:s23], [sflag:$0x2], $0x40, s31, s19, $0xb8;
	[tilespmem:$0x1CF00] =	vst v63  }
0x94: {  	_ =	swait.ge [sflag:s26], $0x2000  }
0x95: {  	[sflag:s26] =	ssyncset.done $0x0  }
0x96: {  	s31 =	sadd.s32 $0x2980, s1;
	[sflag:s26] =	ssyncadd.s32 $0xFFFFE000  }
0x97: {  	[spmem:s2] =	stream.indirect.scatter.add.f32 [tilespmem:s24], [sflag:$0x2], $0x40, s31, s19, $0xb8;
	[tilespmem:$0x1CF00] =	vst v63  }
0x98: {  	_ =	swait.ge [sflag:s26], $0x2000  }
0x99: {  	[sflag:s26] =	ssyncset.done $0x0  }
0x9a: {  	s1 =	sadd.s32 $0x2A00, s1;
	[sflag:s26] =	ssyncadd.s32 $0xFFFFE000  }
0x9b: {  	[spmem:s2] =	stream.indirect.scatter.add.f32 [tilespmem:s25], [sflag:$0x2], $0x40, s1, s19, $0xb8;
	[tilespmem:$0x1CF00] =	vst v63  }
0x9c: {  	_ =	swait.ge [sflag:s28], $0x2000  }
0x9d: {  	[sflag:s28] =	ssyncset.done $0x0  }
0x9e: {  	[sflag:s28] =	ssyncadd.s32 $0xFFFFE000  }
0x9f: {  	_ =	swait.ge [sflag:s28], $0x2000  }
0xa0: {  	[sflag:s28] =	ssyncset.done $0x0  }
0xa1: {  	[sflag:s28] =	ssyncadd.s32 $0xFFFFE000  }
0xa2: {  	_ =	swait.ge [sflag:s28], $0x2000  }
0xa3: {  	[sflag:s28] =	ssyncset.done $0x0  }
0xa4: {  	[sflag:s28] =	ssyncadd.s32 $0xFFFFE000  }
0xa5: {  	_ =	swait.ge [sflag:s28], $0x2000  }
0xa6: {  	[sflag:s28] =	ssyncset.done $0x0  }
0xa7: {  	[sflag:s28] =	ssyncadd.s32 $0xFFFFE000  }
.Ltmp1:
0xa8: {  	_ =	swait.ge [sflag:s28], $0x2000;
	(pc) =	sbr.rel @p1 .LBB2_4-.Ltmp1, $4  }
0xa9: {  	[sflag:s28] =	ssyncset.done $0x0  }
0xaa: {  	[sflag:s28] =	ssyncadd.s32 $0xFFFFE000  }
0xab: {  	_ =	swait.ge [sflag:s28], $0x2000  }
0xac: {  	s31 =	smov.u32 s18;
	[sflag:s28] =	ssyncset.done $0x0  }
0xad: {  	s1 =	sshra.s32 s30, $0x2;
	[sflag:s28] =	ssyncadd.s32 $0xFFFFE000  }
0xae: {  	[tilespmem:s20], [sflag:$0x1] =	stream.indirect.gather [hbm4b:s4+s19], $0x40, s1, s19, $0xb8;
	[tilespmem:$0x1CF00] =	vst v63  }
0xaf: {  	s18 =	sadd.s32 $0x80, s1  }
0xb0: {  	[tilespmem:s21], [sflag:$0x1] =	stream.indirect.gather [hbm4b:s4+s19], $0x40, s18, s19, $0xb8;
	[tilespmem:$0x1CF00] =	vst v63  }
0xb1: {  	s31 =	sadd.s32 $0x100, s1  }
0xb2: {  	[tilespmem:s22], [sflag:$0x1] =	stream.indirect.gather [hbm4b:s4+s19], $0x40, s31, s19, $0xb8;
	[tilespmem:$0x1CF00] =	vst v63  }
0xb3: {  	s30 =	sadd.s32 $0x180, s1  }
0xb4: {  	[tilespmem:s23], [sflag:$0x1] =	stream.indirect.gather [hbm4b:s4+s19], $0x40, s30, s19, $0xb8;
	[tilespmem:$0x1CF00] =	vst v63  }
0xb5: {  	s31 =	sadd.s32 $0x200, s1  }
0xb6: {  	[tilespmem:s24], [sflag:$0x1] =	stream.indirect.gather [hbm4b:s4+s19], $0x40, s31, s19, $0xb8;
	[tilespmem:$0x1CF00] =	vst v63  }
0xb7: {  	s30 =	sadd.s32 $0x280, s1  }
0xb8: {  	[tilespmem:s25], [sflag:$0x1] =	stream.indirect.gather [hbm4b:s4+s19], $0x40, s30, s19, $0xb8;
	[tilespmem:$0x1CF00] =	vst v63  }
0xb9: {  	_ =	swait.ge [sflag:s26], $0x2000  }
0xba: {  	[sflag:s26] =	ssyncset.done $0x0  }
0xbb: {  	s31 =	sadd.s32 $0x2780, s1;
	[sflag:s26] =	ssyncadd.s32 $0xFFFFE000  }
0xbc: {  	[spmem:s2] =	stream.indirect.scatter.add.f32 [tilespmem:s20], [sflag:$0x2], $0x40, s31, s19, $0xb8;
	[tilespmem:$0x1CF00] =	vst v63  }
0xbd: {  	_ =	swait.ge [sflag:s26], $0x2000  }
0xbe: {  	[sflag:s26] =	ssyncset.done $0x0  }
0xbf: {  	s30 =	sadd.s32 $0x2800, s1;
	[sflag:s26] =	ssyncadd.s32 $0xFFFFE000  }
0xc0: {  	[spmem:s2] =	stream.indirect.scatter.add.f32 [tilespmem:s21], [sflag:$0x2], $0x40, s30, s19, $0xb8;
	[tilespmem:$0x1CF00] =	vst v63  }
0xc1: {  	_ =	swait.ge [sflag:s26], $0x2000  }
0xc2: {  	[sflag:s26] =	ssyncset.done $0x0  }
0xc3: {  	s31 =	sadd.s32 $0x2880, s1;
	[sflag:s26] =	ssyncadd.s32 $0xFFFFE000  }
0xc4: {  	[spmem:s2] =	stream.indirect.scatter.add.f32 [tilespmem:s22], [sflag:$0x2], $0x40, s31, s19, $0xb8;
	[tilespmem:$0x1CF00] =	vst v63  }
0xc5: {  	_ =	swait.ge [sflag:s26], $0x2000  }
0xc6: {  	[sflag:s26] =	ssyncset.done $0x0  }
0xc7: {  	s30 =	sadd.s32 $0x2900, s1;
	[sflag:s26] =	ssyncadd.s32 $0xFFFFE000  }
0xc8: {  	[spmem:s2] =	stream.indirect.scatter.add.f32 [tilespmem:s23], [sflag:$0x2], $0x40, s30, s19, $0xb8;
	[tilespmem:$0x1CF00] =	vst v63  }
0xc9: {  	_ =	swait.ge [sflag:s26], $0x2000  }
0xca: {  	[sflag:s26] =	ssyncset.done $0x0  }
0xcb: {  	s31 =	sadd.s32 $0x2980, s1;
	[sflag:s26] =	ssyncadd.s32 $0xFFFFE000  }
0xcc: {  	[spmem:s2] =	stream.indirect.scatter.add.f32 [tilespmem:s24], [sflag:$0x2], $0x40, s31, s19, $0xb8;
	[tilespmem:$0x1CF00] =	vst v63  }
0xcd: {  	_ =	swait.ge [sflag:s26], $0x2000  }
0xce: {  	[sflag:s26] =	ssyncset.done $0x0  }
0xcf: {  	s1 =	sadd.s32 $0x2A00, s1;
	[sflag:s26] =	ssyncadd.s32 $0xFFFFE000  }
0xd0: {  	[spmem:s2] =	stream.indirect.scatter.add.f32 [tilespmem:s25], [sflag:$0x2], $0x40, s1, s19, $0xb8;
	[tilespmem:$0x1CF00] =	vst v63  }
0xd1: {  	_ =	swait.ge [sflag:s28], $0x2000  }
0xd2: {  	[sflag:s28] =	ssyncset.done $0x0  }
0xd3: {  	[sflag:s28] =	ssyncadd.s32 $0xFFFFE000  }
0xd4: {  	_ =	swait.ge [sflag:s28], $0x2000  }
0xd5: {  	[sflag:s28] =	ssyncset.done $0x0  }
0xd6: {  	[sflag:s28] =	ssyncadd.s32 $0xFFFFE000  }
0xd7: {  	_ =	swait.ge [sflag:s28], $0x2000  }
0xd8: {  	[sflag:s28] =	ssyncset.done $0x0  }
0xd9: {  	[sflag:s28] =	ssyncadd.s32 $0xFFFFE000  }
0xda: {  	_ =	swait.ge [sflag:s28], $0x2000  }
0xdb: {  	[sflag:s28] =	ssyncset.done $0x0  }
0xdc: {  	[sflag:s28] =	ssyncadd.s32 $0xFFFFE000  }
0xdd: {  	_ =	swait.ge [sflag:s28], $0x2000  }
0xde: {  	[sflag:s28] =	ssyncset.done $0x0  }
0xdf: {  	[sflag:s28] =	ssyncadd.s32 $0xFFFFE000  }
0xe0: {  	_ =	swait.ge [sflag:s28], $0x2000  }
0xe1: {  	s18 =	simm.s32 @!p0 $0x2700;
	[sflag:s28] =	ssyncset.done $0x0  }
0xe2: {  	s30 =	simm.s32 @!p0 $0x4F00;
	s1 =	simm.s32 @!p0 $0x80;
	[sflag:s28] =	ssyncadd.s32 $0xFFFFE000  }
0xe3: {  	[tilespmem:s30], [sflag:$0x1] =	stream.indirect.gather @!p0 [hbm4b:s4+s1], $0x40, s18, s1, $0xb8;
	[tilespmem:$0x1CF00] =	vst v63  }
0xe4: {  	s18 =	simm.s32 @!p0 $0x1  }
0xe5: {  	_ =	swait.ge @!p0 [sflag:s18], $0x2000  }
0xe6: {  	[sflag:s18] =	ssyncset.done @!p0 $0x0  }
0xe7: {  	[sflag:s18] =	ssyncadd.s32 @!p0 $0xFFFFE000;
	s18 =	simm.s32 @!p0 $0x4E80  }
0xe8: {  	[spmem:s2] =	stream.indirect.scatter.add.f32 @!p0 [tilespmem:s30], [sflag:$0x2], $0x40, s18, s1, $0xb8;
	[tilespmem:$0x1CF00] =	vst v63  }
0xe9: {  	s1 =	simm.s32 @!p0 $0x2  }
0xea: {  	s29 =	sadd.s32 $0x1, s29;
	_ =	swait.ge @!p0 [sflag:s1], $0x2000  }
0xeb: {  	p1 =	sne.s32 s29, s15;
	[sflag:s1] =	ssyncset.done @!p0 $0x0  }
0xec: {  	s31 =	sshrl.u32 s5, $0x3;
	s30 =	sshll.u32 s0, $0x6;
	[sflag:s1] =	ssyncadd.s32 @!p0 $0xFFFFE000  }
.Ltmp2:
0xed: {  	s1 =	sor.u32 $0x1C03, s30;
	[bflag:$0x0] =	sbarrier.arrive $0xFFFF;
	(pc) =	sbr.rel @p1 .LBB2_1-.Ltmp2, $4  }
0xee: {  	[hbm:s14], [sflag:s1] =	dma.local [spmem:s31], $0x1400  }
0xef: {  	_ =	swait.ge [sflag:s17], $0x1400  }
0xf0: {  	[sflag:s17] =	ssyncset.done $0x0  }
0xf1: {  	[sflag:s17] =	ssyncadd.s32 $0xFFFFEC00  }
0xf2: {  	_ =	sfence.sel $0x180000  }
0xf3: {  	[bflag:$0x0] =	sbarrier.arrive $0xFFFF  }
0xf4: {  	_ =	strace $0x9000004A  }
0xf5: {  	[bflag:$0x2] =	sbarrier.arrive $0xFFFF  }
0xf6: {  	p0 =	sne.s32 s0, $0x0;
	s0 =	rddreg [dreg:$0x2]  }
0xf7: {  	s0 =	sadd.s32 @!p0 $0x100000, s0  }
0xf8: {  	[sflag:s0] =	ssyncadd.tile.s32 @!p0 $0x1;
	_ =	shalt  }
.Lfunc_end2:
_tile_overlayer_lowered:
.L_overlay_start_2:
0xf9: {  	(tag) =	ssettag $0x2  }
0xfa: {  	s0 =	rddreg [dreg:$0x0];
	s2 =	stileid.u32  }
0xfb: {  	s1 =	rddreg [dreg:$0x1];
	p0 =	sne.s32 s2, $0x0  }
0xfc: {  	s3 =	rddreg [dreg:$0x2];
	[bflag:$0x3] =	sbarrier.arrive $0xFFFF;
	s2 =	simm.s32 @!p0 $0x1C03  }
0xfd: {  	[timem:s3], [sflag:s2] =	dma.local @!p0 [hbm:s0], s1  }
0xfe: {  	s0 =	simm.s32 @!p0 $0x3  }
0xff: {  	_ =	swait.ge @!p0 [sflag:s0], s1  }
0x100: {  	s1 =	ssub.s32 @!p0 $0x0, s1;
	[sflag:s0] =	ssyncset.done @!p0 $0x0  }
0x101: {  	[sflag:s0] =	ssyncadd.s32 @!p0 s1  }
0x102: {  	[bflag:$0x3] =	sbarrier.arrive $0xFFFF  }
0x103: {  	_ =	shalt  }

// kernel: kernel.9.cloned.1.call-start
scs
__scs_entry_jumppad:
0x0: {  	(pc) =	sbr.rel $0x88, $3  }
0x1: {  	(tag) =	ssettag $0x0;
	lr =	simm.s32 $0x1  }
0x2: {  	[smem:$0x3F97] =	sst lr;
	_ =	strace $0xD0000000  }
0x3: {  	_ = 	snop  }
0x4: {  	_ = 	snop  }
0x5: {  	_ = 	snop  }
0x6: {  	_ = 	snop  }
0x7: {  	_ = 	snop  }
__scs_overlays_trampoline_lowered:
0x8: {  	[smem:$0x3FA6] =	sst s0  }
0x9: {  	[smem:$0x3FA7] =	sst s1  }
0xa: {  	[smem:$0x3FA8] =	sst s2  }
0xb: {  	[smem:$0x3FA9] =	sst s3  }
0xc: {  	[smem:$0x3FAA] =	sst s4  }
0xd: {  	[smem:$0x3FAB] =	sst s5  }
0xe: {  	[smem:$0x3FAC] =	sst s6  }
0xf: {  	[smem:$0x3FAD] =	sst s7  }
0x10: {  	[smem:$0x3FAE] =	sst s8  }
0x11: {  	[smem:$0x3FAF] =	sst s9;
	s0 =	simm.s32 @!p0 $0x0  }
0x12: {  	s1 =	sld [smem:$0x3F95];
	s0 =	simm.s32 @p0 $0x1  }
0x13: {  	[smem:$0x3FB0] =	sst s0;
	s0 =	simm.s32 @!p1 $0x0  }
0x14: {  	s2 =	sld [smem:$0x3F94];
	s0 =	simm.s32 @p1 $0x1  }
0x15: {  	[smem:$0x3FB1] =	sst s0;
	s0 =	simm.s32 @!p2 $0x0  }
0x16: {  	s3 =	sld [smem:$0x3FDB];
	s0 =	simm.s32 @p2 $0x1  }
0x17: {  	s4 =	simm.s32 $0x1BF5;
	[smem:$0x3FB3] =	sst s0  }
0x18: {  	s0 =	sld [smem:$0x3F96];
	_ =	swait.ge [sflag:s4], $0x0  }
0x19: {  	s7 =	sld [smem:$0x3F97]  }
0x1a: {  	s8 =	sadd.s32 $0xFFFFE003, lr  }
0x1b: {  	s9 =	sadd.s32 $0xFFFFFEF7, lr;
	s5 =	simm.s32 $0xFFFFFFFF;
	p2 =	slt.u32 s8, $0xFFFFF086  }
0x1c: {  	p1 =	slt.u32 s9, $0xF7A;
	s5 =	simm.s32 @!p2 $0x0  }
0x1d: {  	s5 =	simm.s32 @p1 $0x1;
	p0 =	seq.s32 s7, s2  }
0x1e: {  	s7 =	smul.u32 @!p0 $0xF7A, s2;
	p2 =	seq.s32 @!p0 s5, $0x0  }
0x1f: {  	s9 =	smul.u32 $0xF7A, s1;
	s8 =	simm.s32 @!p0 $0x1BF5;
	p2 =	por !p2, p0  }
0x20: {  	[sflag:s8] =	ssyncset.s32 @!p0 $0xFFFFF086;
	s6 =	sadd.s32 @!p0 s3, s7;
	s7 =	simm.s32 @!p0 $0x108  }
0x21: {  	s3 =	sadd.s32 s3, s9;
	s6 =	sadd.s32 @!p0 $0x88, s6;
	s7 =	simm.s32 @p2 $0x1082  }
0x22: {  	[simem:s7], [sflag:s8] =	dma.local @!p0 [hbm:s6], $0xF7A  }
0x23: {  	s9 =	sor.u32 $0xD0000000, s2;
	s6 =	simm.s32 $0x108;
	_ =	swait.ge @!p0 [sflag:s8], $0x0  }
0x24: {  	s3 =	sadd.s32 $0x88, s3;
	s6 =	simm.s32 @!p1 $0x1082;
	[sflag:s4] =	ssyncset.s32 $0xFFFFF086  }
0x25: {  	[simem:s6], [sflag:s4] =	dma.local [hbm:s3], $0xF7A  }
0x26: {  	[smem:$0x3F97] =	sst s1;
	(tag) =	ssettag s2;
	_ =	strace s9  }
0x27: {  	s1 =	sld [smem:$0x3FA7]  }
0x28: {  	s2 =	sld [smem:$0x3FA8]  }
0x29: {  	s4 =	sld [smem:$0x3FAA]  }
0x2a: {  	p0 =	seq.s32 s5, $0x0;
	s5 =	sld [smem:$0x3FAB]  }
0x2b: {  	s6 =	sld [smem:$0x3FAC]  }
0x2c: {  	s7 =	sld [smem:$0x3FAD]  }
0x2d: {  	s3 =	simm.s32 $0x108;
	s8 =	sld [smem:$0x3FAE]  }
0x2e: {  	s3 =	simm.s32 @!p0 $0x1082;
	s9 =	sld [smem:$0x3FAF]  }
0x2f: {  	lr =	sadd.s32 s0, s3;
	s0 =	sld [smem:$0x3FA6]  }
0x30: {  	s3 =	sld [smem:$0x3FA9]  }
0x31: {  	[smem:$0x3FB2] =	sst s10  }
0x32: {  	s10 =	sld [smem:$0x3FB0];
	_ =	sdelay $0x3  }
0x33: {  	p0 =	seq.s32 s10, $0x1;
	s10 =	sld [smem:$0x3FB2];
	_ =	sdelay $0x3  }
0x34: {  	[smem:$0x3FB2] =	sst s10  }
0x35: {  	s10 =	sld [smem:$0x3FB1];
	_ =	sdelay $0x3  }
0x36: {  	p1 =	seq.s32 s10, $0x1;
	s10 =	sld [smem:$0x3FB2];
	_ =	sdelay $0x3  }
0x37: {  	[smem:$0x3FB2] =	sst s10  }
0x38: {  	s10 =	sld [smem:$0x3FB3]  }
0x39: {  	_ = 	snop;
	(pc) =	sbr.ind lr, $3  }
0x3a: {  	_ = 	snop  }
0x3b: {  	_ = 	snop  }
0x3c: {  	p2 =	seq.s32 s10, $0x1;
	s10 =	sld [smem:$0x3FB2]  }
0x3d: {  	_ =	shalt  }
0x3e: {  	_ =	shalt  }
0x3f: {  	_ =	shalt  }
0x40: {  	_ =	shalt  }
0x41: {  	_ =	shalt  }
0x42: {  	_ =	shalt  }
0x43: {  	_ =	shalt  }
0x44: {  	_ =	shalt  }
0x45: {  	_ =	shalt  }
0x46: {  	_ =	shalt  }
0x47: {  	_ =	shalt  }
0x48: {  	_ =	shalt  }
0x49: {  	_ =	shalt  }
0x4a: {  	_ =	shalt  }
0x4b: {  	_ =	shalt  }
0x4c: {  	_ =	shalt  }
0x4d: {  	_ =	shalt  }
0x4e: {  	_ =	shalt  }
0x4f: {  	_ =	shalt  }
0x50: {  	_ =	shalt  }
0x51: {  	_ =	shalt  }
0x52: {  	_ =	shalt  }
0x53: {  	_ =	shalt  }
0x54: {  	_ =	shalt  }
0x55: {  	_ =	shalt  }
0x56: {  	_ =	shalt  }
0x57: {  	_ =	shalt  }
0x58: {  	_ =	shalt  }
0x59: {  	_ =	shalt  }
0x5a: {  	_ =	shalt  }
0x5b: {  	_ =	shalt  }
0x5c: {  	_ =	shalt  }
0x5d: {  	_ =	shalt  }
0x5e: {  	_ =	shalt  }
0x5f: {  	_ =	shalt  }
0x60: {  	_ =	shalt  }
0x61: {  	_ =	shalt  }
0x62: {  	_ =	shalt  }
0x63: {  	_ =	shalt  }
0x64: {  	_ =	shalt  }
0x65: {  	_ =	shalt  }
0x66: {  	_ =	shalt  }
0x67: {  	_ =	shalt  }
0x68: {  	_ =	shalt  }
0x69: {  	_ =	shalt  }
0x6a: {  	_ =	shalt  }
0x6b: {  	_ =	shalt  }
0x6c: {  	_ =	shalt  }
0x6d: {  	_ =	shalt  }
0x6e: {  	_ =	shalt  }
0x6f: {  	_ =	shalt  }
0x70: {  	_ =	shalt  }
0x71: {  	_ =	shalt  }
0x72: {  	_ =	shalt  }
0x73: {  	_ =	shalt  }
0x74: {  	_ =	shalt  }
0x75: {  	_ =	shalt  }
0x76: {  	_ =	shalt  }
0x77: {  	_ =	shalt  }
0x78: {  	_ =	shalt  }
0x79: {  	_ =	shalt  }
0x7a: {  	_ =	shalt  }
0x7b: {  	_ =	shalt  }
0x7c: {  	_ =	shalt  }
0x7d: {  	_ =	shalt  }
0x7e: {  	_ =	shalt  }
0x7f: {  	_ =	shalt  }
0x80: {  	_ =	shalt  }
0x81: {  	_ =	shalt  }
0x82: {  	_ =	shalt  }
0x83: {  	_ =	shalt  }
0x84: {  	_ =	shalt  }
0x85: {  	_ =	shalt  }
0x86: {  	_ =	shalt  }
0x87: {  	_ =	shalt  }
.Lfunc_end0:
.L_simem_size_0:
called_computation_lowered:
.L_overlay_start_0:
0x88: {  	s2 =	sld [smem:$0x3FD9]  }
0x89: {  	s3 =	sld [smem:$0x3FFE];
	_ =	sdelay $0x1  }
0x8a: {  	s1 =	srdreg.scid  }
0x8b: {  	s0 =	sand.u32 $0x1, s1  }
0x8c: {  	s16 =	sshll.u32 s0, $0xA;
	s2 =	sadd.s32 s3, s2  }
0x8d: {  	s2 =	sadd.s32 s2, s16  }
0x8e: {  	[smem:$0x3FBE] =	sst s2  }
0x8f: {  	_ = 	snop  }
0x90: {  	(tm) =	ssettm $0x1  }
0x91: {  	s17 =	sld [smem:$0x3FFB];
	_ =	sdelay $0x3  }
0x92: {  	_ =	strace s17  }
0x93: {  	s2 =	sld [smem:$0x3FFC];
	_ =	sdelay $0x3  }
0x94: {  	_ =	strace s2  }
0x95: {  	s2 =	sld [smem:$0x3FFD];
	_ =	sdelay $0x3  }
0x96: {  	_ =	strace s2  }
0x97: {  	_ =	strace $0x8FFFFFFF  }
0x98: {  	s18 =	sld [smem:$0x3FDB];
	_ =	sdelay $0x1  }
0x99: {  	s19 =	simm.s32 $_scs_section_size  }
0x9a: {  	s4 =	simm.s32 $_size__tile_overlayer_lowered;
	s5 =	simm.s32 $_tile_overlayer_lowered  }
0x9b: {  	s22 =	simm.s32 $0x1BFF;
	s21 =	sshll.u32 s5, $0x1;
	s2 =	sadd.s32 s19, s18  }
0x9c: {  	s6 =	simm.s32 $0x0;
	s20 =	sshll.u32 s4, $0x1;
	s4 =	sadd.s32 s21, s2  }
0x9d: {  	[timem:s6], [sflag:s22] =	dma.local [hbm:s4], s20  }
0x9e: {  	_ =	swait.ge [sflag:s22], s20  }
0x9f: {  	s3 =	ssub.s32 $0x0, s20;
	[sflag:s22] =	ssyncset.done $0x0  }
0xa0: {  	[sflag:s22] =	ssyncadd.s32 s3;
	_ =	sdelay $0x1  }
0xa1: {  	s23 =	simm.s32 $0x1B8B  }
0xa2: {  	_ =	swait.ge [sflag:s23], $0x1  }
0xa3: {  	[sflag:s23] =	ssyncset.done $0x0  }
0xa4: {  	s25 =	simm.s32 $0x1B8E;
	s24 =	sld [smem:$0x3FFE];
	[sflag:s23] =	ssyncadd.s32 $0xFFFFFFFF  }
0xa5: {  	s26 =	simm.s32 $execute0_lowered;
	[smem:$0x3FD2] =	sst s25  }
0xa6: {  	s4 =	sshll.u32 s26, $0x1;
	_ =	strace $0x80000046;
	[dreg:$0x1] =	wrdreg $0xFFFFFFFF  }
0xa7: {  	s28 =	simm.s32 $_size_execute0_lowered;
	s2 =	sadd.s32 s2, s4;
	[dreg:$0x0] =	wrdreg $0x0  }
0xa8: {  	s4 =	sshll.u32 s28, $0x1;
	[dreg:$0x2] =	wrdreg s2  }
0xa9: {  	[dreg:$0x3] =	wrdreg s4  }
0xaa: {  	[dreg:$0x4] =	wrdreg $0xC0  }
0xab: {  	_ =	task [dreg:s6], $0x5FFFF  }
0xac: {  	[dreg:$0x1] =	wrdreg $0xFFFFFFFF  }
0xad: {  	[dreg:$0x0] =	wrdreg $0x60  }
0xae: {  	[dreg:$0x2] =	wrdreg s24  }
0xaf: {  	[dreg:$0x3] =	wrdreg $0x12F000  }
0xb0: {  	[dreg:$0x4] =	wrdreg $0x1D2000  }
0xb1: {  	[dreg:$0x5] =	wrdreg $0x9  }
0xb2: {  	_ =	task.clear_ibuf [dreg:s6], $0x6FFFF;
	_ =	strace $0x90000046  }
0xb3: {  	s29 =	simm.s32 $0x9;
	_ =	strace $0x80000048  }
0xb4: {  	_ =	swait.ge [sflag:s29], $0x1  }
0xb5: {  	[sflag:s29] =	ssyncadd.s32 $0xFFFFFFFF  }
0xb6: {  	_ =	strace $0x90000048  }
0xb7: {  	_ =	sfence  }
0xb8: {  	s30 =	sld [smem:$0x0];
	_ =	sdelay $0x2  }
0xb9: {  	s31 =	sshll.u32 s1, $0xD;
	s1 =	sshrl.u32 s1, $0x2  }
0xba: {  	s3 =	sand.u32 $0x4000, s31;
	s1 =	sadd.s32 s1, s30  }
0xbb: {  	s0 =	sor.u32 s3, s0;
	s1 =	sshll.u32 s1, $0x11  }
0xbc: {  	s0 =	sor.u32 s1, s0  }
0xbd: {  	s0 =	sadd.s32 $0x8F2B, s0  }
0xbe: {  	[sflag:s0] =	ssyncadd.remote.s32 $0x1  }
0xbf: {  	_ =	sfence.sel $0xFFFF  }
0xc0: {  	[dreg:$0x0] =	wrdreg $0xFFFFFFFF;
	(pc) =	sbr.abs _section_cstart, $3  }
0xc1: {  	[dreg:$0x1] =	wrdreg $0xFFFFFFFF  }
0xc2: {  	_ =	task.clear_ibuf [dreg:s6], $0x2FFFF;
	_ =	strace $0x9FFFFFFF  }
0xc3: {  	(tm) =	ssettm $0x7FFFFFFF  }
tec
execute0_lowered:
.L_overlay_start_1:
0x0: {  	(tag) =	ssettag $0x1  }
0x1: {  	s0 =	rddreg [dreg:$0x0]  }
0x2: {  	s1 =	srdreg.scid;
	s2 =	rddreg [dreg:$0x1]  }
0x3: {  	s19 =	stileid.u32;
	s3 =	rddreg [dreg:$0x2]  }
0x4: {  	s5 =	simm.s32 $0x0;
	s28 =	simm.s32 $0xAF00;
	s29 =	simm.s32 $0xCF00  }
0x5: {  	s30 =	simm.s32 $0xEF00;
	s31 =	simm.s32 $0x1;
	s7 =	smul.u32 $0xA000, s19  }
0x6: {  	s1 =	sand.u32 $0x1, s1;
	s4 =	sshll.u32 s19, $0x1;
	s11 =	smul.u32 $0x280, s19  }
0x7: {  	[smem:$0x7FF] =	sst s5;
	s5 =	sadd.s32 $0x15200, s0;
	s9 =	smul.u32 $0x28000, s19  }
0x8: {  	p0 =	sgt.u32 s19, $0x1;
	s19 =	simm.s32 $0x10F00;
	s8 =	smul.u32 $0xA0000, s1  }
0x9: {  	s4 =	sor.u32 s1, s4;
	_ =	strace $0x80000047;
	s21 =	smul.u32 $0x2800, s1  }
0xa: {  	s1 =	ssub.s32 $0x2, s1;
	s6 =	smul.u32 $0x4E, s4;
	s4 =	smin.u32 s4, $0x4  }
0xb: {  	s23 =	sshrl.u32 s9, $0x2;
	s24 =	sshrl.u32 s1, $0x1;
	s20 =	sadd.s32 s7, s8  }
0xc: {  	s22 =	sadd.s32 s11, s21;
	s8 =	sadd.s32 s23, s2;
	s1 =	ssub.s32 s1, s24  }
0xd: {  	s11 =	sadd.s32 s11, s3;
	s23 =	simm.s32 $0x80;
	s24 =	simm.s32 $0x4F00  }
0xe: {  	s21 =	simm.s32 $0x2;
	s4 =	sadd.s32 s4, s6;
	s6 =	sshrl.u32 s20, $0x3  }
0xf: {  	s25 =	sadd.s32 $0x2000, s8;
	s26 =	sadd.s32 $0x4000, s8;
	s9 =	sadd.s32 $0x6000, s8  }
0x10: {  	s10 =	sadd.s32 $0x8000, s8;
	s18 =	smax.u32 s1, $0x1;
	s20 =	simm.s32 $0x3  }
0x11: {  	s1 =	simm.s32 $0x1CF00;
	s4 =	sshll.u32 s4, $0x4;
	[dreg:$0x4] =	wrdreg s25  }
0x12: {  	s16 =	sadd.s32 s6, s0;
	s6 =	sshrl.u32 s22, $0x3;
	[dreg:$0x5] =	wrdreg s26  }
0x13: {  	s25 =	simm.s32 $0x6F00;
	s26 =	simm.s32 $0x8F00;
	s22 =	simm.s32 $0x0  }
0x14: {  	s4 =	sadd.s32 s4, s0;
	s0 =	sadd.s32 s6, s0;
	s6 =	sadd.s32 s7, s2  }
0x15: {  	s16 =	sadd.s32 $0x29600, s16;
	s12 =	sadd.s32 $0x1800, s4;
	s13 =	sadd.s32 $0xB440, s4  }
0x16: {  	v0 =	vimm.f32 $0.0e+00;
	v1 =	vimm.f32 $1.000000000e+00;
	s14 =	sadd.s32 $0x1CE0, s4;
	s15 =	sadd.s32 $0xB920, s4;
	s17 =	sadd.s32 $0x28C00, s0  }
.LBB2_1:
0x17: {  	s4 =	simm.s32 $0x100;
	s0 =	simm.s32 $0x0  }
.LBB2_2:
0x18: {  	p1 =	sne.s32 s4, $0x7F00;
	[tilespmem:s0+$0x10F30] =	vst v0;
	s7 =	smov.u32 s4;
	s4 =	sadd.s32 $0x100, s4  }
.Ltmp0:
0x19: {  	[tilespmem:s0+$0x10F20] =	vst v0;
	(pc) =	sbr.rel @p1 .LBB2_2-.Ltmp0, $3  }
0x1a: {  	[tilespmem:s0+$0x10F00] =	vst v0  }
0x1b: {  	[tilespmem:s0+$0x10F10] =	vst v0;
	_ =	sdelay $0x1  }
0x1c: {  	s0 =	sshra.s32 s7, $0x2  }
0x1d: {  	[tilespmem:s0+$0x10F30] =	vst v0  }
0x1e: {  	[tilespmem:s0+$0x10F20] =	vst v0  }
0x1f: {  	[tilespmem:s0+$0x10F00] =	vst v0  }
0x20: {  	[tilespmem:s0+$0x10F10] =	vst v0  }
0x21: {  	[tilespmem:$0x1CF00] =	vst v1  }
0x22: {  	[tilespmem:$0x1CF10] =	vst v1  }
0x23: {  	[tilespmem:$0x1CF20] =	vst v1  }
0x24: {  	[tilespmem:$0x1CF30] =	vst v1  }
0x25: {  	[tilespmem:$0x1CF40] =	vst v1  }
0x26: {  	[tilespmem:$0x1CF50] =	vst v1  }
0x27: {  	[tilespmem:$0x1CF60] =	vst v1  }
0x28: {  	[tilespmem:$0x1CF70] =	vst v1  }
0x29: {  	[tilespmem:$0x1CF80] =	vst v0  }
0x2a: {  	[tilespmem:$0x1CF90] =	vst v0  }
0x2b: {  	[tilespmem:$0x1CFA0] =	vst v0  }
0x2c: {  	[tilespmem:$0x1CFB0] =	vst v0  }
0x2d: {  	[tilespmem:$0x1CFC0] =	vst v0  }
0x2e: {  	[tilespmem:$0x1CFD0] =	vst v0  }
0x2f: {  	[tilespmem:$0x1CFE0] =	vst v0  }
0x30: {  	[tilespmem:$0x1CFF0] =	vst v0  }
0x31: {  	[tilespmem:$0x1D000] =	vst v0  }
0x32: {  	[tilespmem:$0x1D010] =	vst v0  }
0x33: {  	[tilespmem:$0x1D020] =	vst v0  }
0x34: {  	[tilespmem:$0x1D030] =	vst v0  }
0x35: {  	[tilespmem:$0x1D040] =	vst v0  }
0x36: {  	[tilespmem:$0x1D050] =	vst v0  }
0x37: {  	[tilespmem:$0x1D060] =	vst v0  }
0x38: {  	[tilespmem:$0x1D070] =	vst v0  }
0x39: {  	[tilespmem:$0x1D080] =	vst v0  }
0x3a: {  	[tilespmem:$0x1D090] =	vst v0  }
0x3b: {  	[tilespmem:$0x1D0A0] =	vst v0  }
0x3c: {  	[tilespmem:$0x1D0B0] =	vst v0  }
0x3d: {  	[tilespmem:$0x1D0C0] =	vst v0  }
0x3e: {  	[tilespmem:$0x1D0D0] =	vst v0  }
0x3f: {  	[tilespmem:$0x1D0E0] =	vst v0  }
0x40: {  	[tilespmem:$0x1D0F0] =	vst v0  }
0x41: {  	[tilespmem:$0x1D100] =	vst v0  }
0x42: {  	[tilespmem:$0x1D110] =	vst v0  }
0x43: {  	[tilespmem:$0x1D120] =	vst v0  }
0x44: {  	[tilespmem:$0x1D130] =	vst v0  }
0x45: {  	[tilespmem:$0x1D140] =	vst v0  }
0x46: {  	[tilespmem:$0x1D150] =	vst v0  }
0x47: {  	[tilespmem:$0x1D160] =	vst v0  }
0x48: {  	[tilespmem:$0x1D170] =	vst v0  }
0x49: {  	[tilespmem:$0x1D180] =	vst v0  }
0x4a: {  	[tilespmem:$0x1D190] =	vst v0  }
0x4b: {  	[tilespmem:$0x1D1A0] =	vst v0  }
0x4c: {  	[tilespmem:$0x1D1B0] =	vst v0  }
0x4d: {  	[tilespmem:$0x1D1C0] =	vst v0  }
0x4e: {  	[tilespmem:$0x1D1D0] =	vst v0  }
0x4f: {  	[tilespmem:$0x1D1E0] =	vst v0  }
0x50: {  	[tilespmem:$0x1D1F0] =	vst v0  }
0x51: {  	[spmem:s6] =	stream.linear.scatter [tilespmem:s19], [sflag:$0x3], $0x2000, $0x38;
	[tilespmem:$0x1D480] =	vst v63  }
0x52: {  	_ =	swait.ge [sflag:s20], $0x2000  }
0x53: {  	[sflag:s20] =	ssyncset.done $0x0  }
0x54: {  	s8 =	rddreg [dreg:$0x4];
	[sflag:s20] =	ssyncadd.s32 $0xFFFFE000  }
0x55: {  	[spmem:s8] =	stream.linear.scatter [tilespmem:s19], [sflag:$0x3], $0x2000, $0x38;
	[tilespmem:$0x1D480] =	vst v63  }
0x56: {  	_ =	swait.ge [sflag:s20], $0x2000  }
0x57: {  	[sflag:s20] =	ssyncset.done $0x0  }
0x58: {  	s4 =	rddreg [dreg:$0x5];
	[sflag:s20] =	ssyncadd.s32 $0xFFFFE000  }
0x59: {  	[spmem:s4] =	stream.linear.scatter [tilespmem:s19], [sflag:$0x3], $0x2000, $0x38;
	[tilespmem:$0x1D480] =	vst v63  }
0x5a: {  	_ =	swait.ge [sflag:s20], $0x2000  }
0x5b: {  	[sflag:s20] =	ssyncset.done $0x0  }
0x5c: {  	[sflag:s20] =	ssyncadd.s32 $0xFFFFE000  }
0x5d: {  	[spmem:s9] =	stream.linear.scatter [tilespmem:s19], [sflag:$0x3], $0x2000, $0x38;
	[tilespmem:$0x1D480] =	vst v63  }
0x5e: {  	_ =	swait.ge [sflag:s20], $0x2000  }
0x5f: {  	[sflag:s20] =	ssyncset.done $0x0  }
0x60: {  	[sflag:s20] =	ssyncadd.s32 $0xFFFFE000  }
0x61: {  	[spmem:s10] =	stream.linear.scatter [tilespmem:s19], [sflag:$0x3], $0x2000, $0x38;
	[tilespmem:$0x1D480] =	vst v63  }
0x62: {  	_ =	swait.ge [sflag:s20], $0x2000  }
0x63: {  	[sflag:s20] =	ssyncset.done $0x0  }
0x64: {  	s7 =	simm.s32 $0x1CF80;
	[sflag:s20] =	ssyncadd.s32 $0xFFFFE000  }
0x65: {  	[spmem:s11] =	stream.linear.scatter [tilespmem:s7], [sflag:$0x3], $0x280, $0x38;
	[tilespmem:$0x1D480] =	vst v63  }
0x66: {  	_ =	swait.ge [sflag:s20], $0x280  }
0x67: {  	[sflag:s20] =	ssyncset.done $0x0  }
0x68: {  	[sflag:s20] =	ssyncadd.s32 $0xFFFFFD80  }
0x69: {  	s8 =	simm.s32 $0x0;
	[bflag:$0x0] =	sbarrier.arrive $0xFFFF  }
0x6a: {  	[tilespmem:s8], [sflag:$0x3] =	stream.linear.gather [hbm4b:s12+s8], $0x2700, $0x38;
	[tilespmem:$0x1D480] =	vst v63  }
0x6b: {  	_ =	swait.ge [sflag:s20], $0x2700  }
0x6c: {  	[sflag:s20] =	ssyncset.done $0x0  }
0x6d: {  	s4 =	simm.s32 $0x2780;
	[sflag:s20] =	ssyncadd.s32 $0xFFFFD900  }
0x6e: {  	[tilespmem:s4], [sflag:$0x3] =	stream.linear.gather [hbm4b:s13+s8], $0x2700, $0x38;
	[tilespmem:$0x1D480] =	vst v63  }
0x6f: {  	_ =	swait.ge [sflag:s20], $0x2700  }
0x70: {  	[sflag:s20] =	ssyncset.done $0x0  }
0x71: {  	s0 =	simm.s32 @!p0 $0x0;
	s4 =	simm.s32 @!p0 $0x2700;
	[sflag:s20] =	ssyncadd.s32 $0xFFFFD900  }
0x72: {  	[tilespmem:s4], [sflag:$0x3] =	stream.linear.gather @!p0 [hbm4b:s14+s0], $0x80, $0x38;
	[tilespmem:$0x1D480] =	vst v63  }
0x73: {  	s4 =	simm.s32 @!p0 $0x3  }
0x74: {  	_ =	swait.ge @!p0 [sflag:s4], $0x80  }
0x75: {  	[sflag:s4] =	ssyncset.done @!p0 $0x0  }
0x76: {  	s7 =	simm.s32 @!p0 $0x4E80;
	[sflag:s4] =	ssyncadd.s32 @!p0 $0xFFFFFF80  }
0x77: {  	[tilespmem:s7], [sflag:$0x3] =	stream.linear.gather @!p0 [hbm4b:s15+s0], $0x80, $0x38;
	[tilespmem:$0x1D480] =	vst v63  }
0x78: {  	_ =	swait.ge @!p0 [sflag:s4], $0x80  }
0x79: {  	[sflag:s4] =	ssyncset.done @!p0 $0x0  }
0x7a: {  	[sflag:s4] =	ssyncadd.s32 @!p0 $0xFFFFFF80;
	s4 =	simm.s32 $0x0  }
0x7b: {  	[tilespmem:s24], [sflag:$0x1] =	stream.indirect.gather [hbm4b:s5+s23], $0x40, s4, s23, $0xb8;
	[tilespmem:$0x1D480] =	vst v63  }
0x7c: {  	s7 =	simm.s32 $0x80  }
0x7d: {  	[tilespmem:s25], [sflag:$0x1] =	stream.indirect.gather [hbm4b:s5+s23], $0x40, s7, s23, $0xb8;
	[tilespmem:$0x1D480] =	vst v63  }
0x7e: {  	s8 =	simm.s32 $0x100  }
0x7f: {  	[tilespmem:s26], [sflag:$0x1] =	stream.indirect.gather [hbm4b:s5+s23], $0x40, s8, s23, $0xb8;
	[tilespmem:$0x1D480] =	vst v63  }
0x80: {  	s4 =	simm.s32 $0x180  }
0x81: {  	[tilespmem:s28], [sflag:$0x1] =	stream.indirect.gather [hbm4b:s5+s23], $0x40, s4, s23, $0xb8;
	[tilespmem:$0x1D480] =	vst v63  }
0x82: {  	s7 =	simm.s32 $0x200  }
0x83: {  	[tilespmem:s29], [sflag:$0x1] =	stream.indirect.gather [hbm4b:s5+s23], $0x40, s7, s23, $0xb8;
	[tilespmem:$0x1D480] =	vst v63  }
0x84: {  	s8 =	simm.s32 $0x280  }
0x85: {  	[tilespmem:s30], [sflag:$0x1] =	stream.indirect.gather [hbm4b:s5+s23], $0x40, s8, s23, $0xb8;
	[tilespmem:$0x1D480] =	vst v63  }
0x86: {  	_ =	swait.ge [sflag:s31], $0x2000  }
0x87: {  	[sflag:s31] =	ssyncset.done $0x0  }
0x88: {  	s4 =	simm.s32 $0x2780;
	[sflag:s31] =	ssyncadd.s32 $0xFFFFE000  }
0x89: {  	[spmem:s2] =	stream.indirect.scatter.add.f32 [tilespmem:s24], [sflag:$0x2], $0x40, s4, s23, $0xb8;
	[tilespmem:$0x1D480] =	vst v63  }
0x8a: {  	_ = 	snop  }
0x8b: {  	[spmem:s3] =	stream.indirect.scatter.add.f32 [tilespmem:s1], [sflag:$0x2], $0x1, s4, s23, $0xb8;
	[tilespmem:$0x1D480] =	vst v63  }
0x8c: {  	_ =	swait.ge [sflag:s31], $0x2000  }
0x8d: {  	[sflag:s31] =	ssyncset.done $0x0  }
0x8e: {  	s7 =	simm.s32 $0x2800;
	[sflag:s31] =	ssyncadd.s32 $0xFFFFE000  }
0x8f: {  	[spmem:s2] =	stream.indirect.scatter.add.f32 [tilespmem:s25], [sflag:$0x2], $0x40, s7, s23, $0xb8;
	[tilespmem:$0x1D480] =	vst v63  }
0x90: {  	_ = 	snop  }
0x91: {  	[spmem:s3] =	stream.indirect.scatter.add.f32 [tilespmem:s1], [sflag:$0x2], $0x1, s7, s23, $0xb8;
	[tilespmem:$0x1D480] =	vst v63  }
0x92: {  	_ =	swait.ge [sflag:s31], $0x2000  }
0x93: {  	[sflag:s31] =	ssyncset.done $0x0  }
0x94: {  	s8 =	simm.s32 $0x2880;
	[sflag:s31] =	ssyncadd.s32 $0xFFFFE000  }
0x95: {  	[spmem:s2] =	stream.indirect.scatter.add.f32 [tilespmem:s26], [sflag:$0x2], $0x40, s8, s23, $0xb8;
	[tilespmem:$0x1D480] =	vst v63  }
0x96: {  	_ = 	snop  }
0x97: {  	[spmem:s3] =	stream.indirect.scatter.add.f32 [tilespmem:s1], [sflag:$0x2], $0x1, s8, s23, $0xb8;
	[tilespmem:$0x1D480] =	vst v63  }
0x98: {  	_ =	swait.ge [sflag:s31], $0x2000  }
0x99: {  	[sflag:s31] =	ssyncset.done $0x0  }
0x9a: {  	s4 =	simm.s32 $0x2900;
	[sflag:s31] =	ssyncadd.s32 $0xFFFFE000  }
0x9b: {  	[spmem:s2] =	stream.indirect.scatter.add.f32 [tilespmem:s28], [sflag:$0x2], $0x40, s4, s23, $0xb8;
	[tilespmem:$0x1D480] =	vst v63  }
0x9c: {  	_ = 	snop  }
0x9d: {  	[spmem:s3] =	stream.indirect.scatter.add.f32 [tilespmem:s1], [sflag:$0x2], $0x1, s4, s23, $0xb8;
	[tilespmem:$0x1D480] =	vst v63  }
0x9e: {  	_ =	swait.ge [sflag:s31], $0x2000  }
0x9f: {  	[sflag:s31] =	ssyncset.done $0x0  }
0xa0: {  	s7 =	simm.s32 $0x2980;
	[sflag:s31] =	ssyncadd.s32 $0xFFFFE000  }
0xa1: {  	[spmem:s2] =	stream.indirect.scatter.add.f32 [tilespmem:s29], [sflag:$0x2], $0x40, s7, s23, $0xb8;
	[tilespmem:$0x1D480] =	vst v63  }
0xa2: {  	_ = 	snop  }
0xa3: {  	[spmem:s3] =	stream.indirect.scatter.add.f32 [tilespmem:s1], [sflag:$0x2], $0x1, s7, s23, $0xb8;
	[tilespmem:$0x1D480] =	vst v63  }
0xa4: {  	_ =	swait.ge [sflag:s31], $0x2000  }
0xa5: {  	[sflag:s31] =	ssyncset.done $0x0  }
0xa6: {  	s8 =	simm.s32 $0x2A00;
	[sflag:s31] =	ssyncadd.s32 $0xFFFFE000  }
0xa7: {  	[spmem:s2] =	stream.indirect.scatter.add.f32 [tilespmem:s30], [sflag:$0x2], $0x40, s8, s23, $0xb8;
	[tilespmem:$0x1D480] =	vst v63  }
0xa8: {  	_ = 	snop  }
0xa9: {  	[spmem:s3] =	stream.indirect.scatter.add.f32 [tilespmem:s1], [sflag:$0x2], $0x1, s8, s23, $0xb8;
	[tilespmem:$0x1D480] =	vst v63  }
0xaa: {  	_ =	swait.ge [sflag:s21], $0x2000  }
0xab: {  	[sflag:s21] =	ssyncset.done $0x0  }
0xac: {  	[sflag:s21] =	ssyncadd.s32 $0xFFFFE000  }
0xad: {  	_ =	swait.ge [sflag:s21], $0x80  }
0xae: {  	[sflag:s21] =	ssyncset.done $0x0  }
0xaf: {  	[sflag:s21] =	ssyncadd.s32 $0xFFFFFF80  }
0xb0: {  	_ =	swait.ge [sflag:s21], $0x2000  }
0xb1: {  	[sflag:s21] =	ssyncset.done $0x0  }
0xb2: {  	[sflag:s21] =	ssyncadd.s32 $0xFFFFE000  }
0xb3: {  	_ =	swait.ge [sflag:s21], $0x80  }
0xb4: {  	[sflag:s21] =	ssyncset.done $0x0  }
0xb5: {  	[sflag:s21] =	ssyncadd.s32 $0xFFFFFF80  }
0xb6: {  	_ =	swait.ge [sflag:s21], $0x2000  }
0xb7: {  	[sflag:s21] =	ssyncset.done $0x0  }
0xb8: {  	[sflag:s21] =	ssyncadd.s32 $0xFFFFE000  }
0xb9: {  	_ =	swait.ge [sflag:s21], $0x80  }
0xba: {  	[sflag:s21] =	ssyncset.done $0x0  }
0xbb: {  	[sflag:s21] =	ssyncadd.s32 $0xFFFFFF80  }
0xbc: {  	_ =	swait.ge [sflag:s21], $0x2000  }
0xbd: {  	[sflag:s21] =	ssyncset.done $0x0  }
0xbe: {  	[sflag:s21] =	ssyncadd.s32 $0xFFFFE000  }
0xbf: {  	_ =	swait.ge [sflag:s21], $0x80  }
0xc0: {  	[sflag:s21] =	ssyncset.done $0x0  }
0xc1: {  	[sflag:s21] =	ssyncadd.s32 $0xFFFFFF80  }
0xc2: {  	_ =	swait.ge [sflag:s21], $0x2000  }
0xc3: {  	[sflag:s21] =	ssyncset.done $0x0  }
0xc4: {  	[sflag:s21] =	ssyncadd.s32 $0xFFFFE000  }
0xc5: {  	_ =	swait.ge [sflag:s21], $0x80  }
0xc6: {  	[sflag:s21] =	ssyncset.done $0x0  }
0xc7: {  	[sflag:s21] =	ssyncadd.s32 $0xFFFFFF80  }
0xc8: {  	_ =	swait.ge [sflag:s21], $0x2000  }
0xc9: {  	[sflag:s21] =	ssyncset.done $0x0  }
0xca: {  	[sflag:s21] =	ssyncadd.s32 $0xFFFFE000  }
0xcb: {  	_ =	swait.ge [sflag:s21], $0x80  }
0xcc: {  	s0 =	simm.s32 $0xC00;
	s4 =	simm.s32 $0x1800;
	[sflag:s21] =	ssyncset.done $0x0  }
.LBB2_4:
0xcd: {  	s7 =	sshra.s32 s0, $0x2  }
0xce: {  	[sflag:s21] =	ssyncadd.s32 $0xFFFFFF80;
	s0 =	smov.u32 s4;
	s8 =	sadd.s32 $0xC00, s4  }
0xcf: {  	[tilespmem:s24], [sflag:$0x1] =	stream.indirect.gather [hbm4b:s5+s23], $0x40, s7, s23, $0xb8;
	[tilespmem:$0x1D480] =	vst v63  }
0xd0: {  	p1 =	sne.s32 s4, $0x9000;
	s4 =	sadd.s32 $0x80, s7  }
0xd1: {  	[tilespmem:s25], [sflag:$0x1] =	stream.indirect.gather [hbm4b:s5+s23], $0x40, s4, s23, $0xb8;
	[tilespmem:$0x1D480] =	vst v63  }
0xd2: {  	s4 =	sadd.s32 $0x100, s7  }
0xd3: {  	[tilespmem:s26], [sflag:$0x1] =	stream.indirect.gather [hbm4b:s5+s23], $0x40, s4, s23, $0xb8;
	[tilespmem:$0x1D480] =	vst v63  }
0xd4: {  	s4 =	sadd.s32 $0x180, s7  }
0xd5: {  	[tilespmem:s28], [sflag:$0x1] =	stream.indirect.gather [hbm4b:s5+s23], $0x40, s4, s23, $0xb8;
	[tilespmem:$0x1D480] =	vst v63  }
0xd6: {  	s4 =	sadd.s32 $0x200, s7  }
0xd7: {  	[tilespmem:s29], [sflag:$0x1] =	stream.indirect.gather [hbm4b:s5+s23], $0x40, s4, s23, $0xb8;
	[tilespmem:$0x1D480] =	vst v63  }
0xd8: {  	s4 =	sadd.s32 $0x280, s7  }
0xd9: {  	[tilespmem:s30], [sflag:$0x1] =	stream.indirect.gather [hbm4b:s5+s23], $0x40, s4, s23, $0xb8;
	[tilespmem:$0x1D480] =	vst v63  }
0xda: {  	_ =	swait.ge [sflag:s31], $0x2000  }
0xdb: {  	[sflag:s31] =	ssyncset.done $0x0  }
0xdc: {  	s4 =	sadd.s32 $0x2780, s7;
	[sflag:s31] =	ssyncadd.s32 $0xFFFFE000  }
0xdd: {  	[spmem:s2] =	stream.indirect.scatter.add.f32 [tilespmem:s24], [sflag:$0x2], $0x40, s4, s23, $0xb8;
	[tilespmem:$0x1D480] =	vst v63  }
0xde: {  	_ = 	snop  }
0xdf: {  	[spmem:s3] =	stream.indirect.scatter.add.f32 [tilespmem:s1], [sflag:$0x2], $0x1, s4, s23, $0xb8;
	[tilespmem:$0x1D480] =	vst v63  }
0xe0: {  	_ =	swait.ge [sflag:s31], $0x2000  }
0xe1: {  	[sflag:s31] =	ssyncset.done $0x0  }
0xe2: {  	s4 =	sadd.s32 $0x2800, s7;
	[sflag:s31] =	ssyncadd.s32 $0xFFFFE000  }
0xe3: {  	[spmem:s2] =	stream.indirect.scatter.add.f32 [tilespmem:s25], [sflag:$0x2], $0x40, s4, s23, $0xb8;
	[tilespmem:$0x1D480] =	vst v63  }
0xe4: {  	_ = 	snop  }
0xe5: {  	[spmem:s3] =	stream.indirect.scatter.add.f32 [tilespmem:s1], [sflag:$0x2], $0x1, s4, s23, $0xb8;
	[tilespmem:$0x1D480] =	vst v63  }
0xe6: {  	_ =	swait.ge [sflag:s31], $0x2000  }
0xe7: {  	[sflag:s31] =	ssyncset.done $0x0  }
0xe8: {  	s4 =	sadd.s32 $0x2880, s7;
	[sflag:s31] =	ssyncadd.s32 $0xFFFFE000  }
0xe9: {  	[spmem:s2] =	stream.indirect.scatter.add.f32 [tilespmem:s26], [sflag:$0x2], $0x40, s4, s23, $0xb8;
	[tilespmem:$0x1D480] =	vst v63  }
0xea: {  	_ = 	snop  }
0xeb: {  	[spmem:s3] =	stream.indirect.scatter.add.f32 [tilespmem:s1], [sflag:$0x2], $0x1, s4, s23, $0xb8;
	[tilespmem:$0x1D480] =	vst v63  }
0xec: {  	_ =	swait.ge [sflag:s31], $0x2000  }
0xed: {  	[sflag:s31] =	ssyncset.done $0x0  }
0xee: {  	s4 =	sadd.s32 $0x2900, s7;
	[sflag:s31] =	ssyncadd.s32 $0xFFFFE000  }
0xef: {  	[spmem:s2] =	stream.indirect.scatter.add.f32 [tilespmem:s28], [sflag:$0x2], $0x40, s4, s23, $0xb8;
	[tilespmem:$0x1D480] =	vst v63  }
0xf0: {  	_ = 	snop  }
0xf1: {  	[spmem:s3] =	stream.indirect.scatter.add.f32 [tilespmem:s1], [sflag:$0x2], $0x1, s4, s23, $0xb8;
	[tilespmem:$0x1D480] =	vst v63  }
0xf2: {  	_ =	swait.ge [sflag:s31], $0x2000  }
0xf3: {  	[sflag:s31] =	ssyncset.done $0x0  }
0xf4: {  	s4 =	sadd.s32 $0x2980, s7;
	[sflag:s31] =	ssyncadd.s32 $0xFFFFE000  }
0xf5: {  	[spmem:s2] =	stream.indirect.scatter.add.f32 [tilespmem:s29], [sflag:$0x2], $0x40, s4, s23, $0xb8;
	[tilespmem:$0x1D480] =	vst v63  }
0xf6: {  	_ = 	snop  }
0xf7: {  	[spmem:s3] =	stream.indirect.scatter.add.f32 [tilespmem:s1], [sflag:$0x2], $0x1, s4, s23, $0xb8;
	[tilespmem:$0x1D480] =	vst v63  }
0xf8: {  	_ =	swait.ge [sflag:s31], $0x2000  }
0xf9: {  	[sflag:s31] =	ssyncset.done $0x0  }
0xfa: {  	s4 =	sadd.s32 $0x2A00, s7;
	[sflag:s31] =	ssyncadd.s32 $0xFFFFE000  }
0xfb: {  	[spmem:s2] =	stream.indirect.scatter.add.f32 [tilespmem:s30], [sflag:$0x2], $0x40, s4, s23, $0xb8;
	[tilespmem:$0x1D480] =	vst v63  }
0xfc: {  	_ = 	snop  }
0xfd: {  	[spmem:s3] =	stream.indirect.scatter.add.f32 [tilespmem:s1], [sflag:$0x2], $0x1, s4, s23, $0xb8;
	[tilespmem:$0x1D480] =	vst v63  }
0xfe: {  	_ =	swait.ge [sflag:s21], $0x2000  }
0xff: {  	[sflag:s21] =	ssyncset.done $0x0  }
0x100: {  	[sflag:s21] =	ssyncadd.s32 $0xFFFFE000  }
0x101: {  	_ =	swait.ge [sflag:s21], $0x80  }
0x102: {  	[sflag:s21] =	ssyncset.done $0x0  }
0x103: {  	[sflag:s21] =	ssyncadd.s32 $0xFFFFFF80  }
0x104: {  	_ =	swait.ge [sflag:s21], $0x2000  }
0x105: {  	[sflag:s21] =	ssyncset.done $0x0  }
0x106: {  	[sflag:s21] =	ssyncadd.s32 $0xFFFFE000  }
0x107: {  	_ =	swait.ge [sflag:s21], $0x80  }
0x108: {  	[sflag:s21] =	ssyncset.done $0x0  }
0x109: {  	[sflag:s21] =	ssyncadd.s32 $0xFFFFFF80  }
0x10a: {  	_ =	swait.ge [sflag:s21], $0x2000  }
0x10b: {  	[sflag:s21] =	ssyncset.done $0x0  }
0x10c: {  	[sflag:s21] =	ssyncadd.s32 $0xFFFFE000  }
0x10d: {  	_ =	swait.ge [sflag:s21], $0x80  }
0x10e: {  	[sflag:s21] =	ssyncset.done $0x0  }
0x10f: {  	[sflag:s21] =	ssyncadd.s32 $0xFFFFFF80  }
0x110: {  	_ =	swait.ge [sflag:s21], $0x2000  }
0x111: {  	[sflag:s21] =	ssyncset.done $0x0  }
0x112: {  	[sflag:s21] =	ssyncadd.s32 $0xFFFFE000  }
0x113: {  	_ =	swait.ge [sflag:s21], $0x80  }
0x114: {  	[sflag:s21] =	ssyncset.done $0x0  }
0x115: {  	[sflag:s21] =	ssyncadd.s32 $0xFFFFFF80  }
0x116: {  	_ =	swait.ge [sflag:s21], $0x2000  }
0x117: {  	[sflag:s21] =	ssyncset.done $0x0  }
0x118: {  	[sflag:s21] =	ssyncadd.s32 $0xFFFFE000  }
0x119: {  	_ =	swait.ge [sflag:s21], $0x80  }
0x11a: {  	[sflag:s21] =	ssyncset.done $0x0  }
0x11b: {  	[sflag:s21] =	ssyncadd.s32 $0xFFFFFF80  }
.Ltmp1:
0x11c: {  	_ =	swait.ge [sflag:s21], $0x2000;
	(pc) =	sbr.rel @p1 .LBB2_4-.Ltmp1, $4  }
0x11d: {  	[sflag:s21] =	ssyncset.done $0x0  }
0x11e: {  	[sflag:s21] =	ssyncadd.s32 $0xFFFFE000  }
0x11f: {  	_ =	swait.ge [sflag:s21], $0x80  }
0x120: {  	s4 =	smov.u32 s8;
	[sflag:s21] =	ssyncset.done $0x0  }
0x121: {  	s0 =	sshra.s32 s0, $0x2;
	[sflag:s21] =	ssyncadd.s32 $0xFFFFFF80  }
0x122: {  	[tilespmem:s24], [sflag:$0x1] =	stream.indirect.gather [hbm4b:s5+s23], $0x40, s0, s23, $0xb8;
	[tilespmem:$0x1D480] =	vst v63  }
0x123: {  	s4 =	sadd.s32 $0x80, s0  }
0x124: {  	[tilespmem:s25], [sflag:$0x1] =	stream.indirect.gather [hbm4b:s5+s23], $0x40, s4, s23, $0xb8;
	[tilespmem:$0x1D480] =	vst v63  }
0x125: {  	s8 =	sadd.s32 $0x100, s0  }
0x126: {  	[tilespmem:s26], [sflag:$0x1] =	stream.indirect.gather [hbm4b:s5+s23], $0x40, s8, s23, $0xb8;
	[tilespmem:$0x1D480] =	vst v63  }
0x127: {  	s7 =	sadd.s32 $0x180, s0  }
0x128: {  	[tilespmem:s28], [sflag:$0x1] =	stream.indirect.gather [hbm4b:s5+s23], $0x40, s7, s23, $0xb8;
	[tilespmem:$0x1D480] =	vst v63  }
0x129: {  	s8 =	sadd.s32 $0x200, s0  }
0x12a: {  	[tilespmem:s29], [sflag:$0x1] =	stream.indirect.gather [hbm4b:s5+s23], $0x40, s8, s23, $0xb8;
	[tilespmem:$0x1D480] =	vst v63  }
0x12b: {  	s7 =	sadd.s32 $0x280, s0  }
0x12c: {  	[tilespmem:s30], [sflag:$0x1] =	stream.indirect.gather [hbm4b:s5+s23], $0x40, s7, s23, $0xb8;
	[tilespmem:$0x1D480] =	vst v63  }
0x12d: {  	_ =	swait.ge [sflag:s31], $0x2000  }
0x12e: {  	[sflag:s31] =	ssyncset.done $0x0  }
0x12f: {  	s8 =	sadd.s32 $0x2780, s0;
	[sflag:s31] =	ssyncadd.s32 $0xFFFFE000  }
0x130: {  	[spmem:s2] =	stream.indirect.scatter.add.f32 [tilespmem:s24], [sflag:$0x2], $0x40, s8, s23, $0xb8;
	[tilespmem:$0x1D480] =	vst v63  }
0x131: {  	_ = 	snop  }
0x132: {  	[spmem:s3] =	stream.indirect.scatter.add.f32 [tilespmem:s1], [sflag:$0x2], $0x1, s8, s23, $0xb8;
	[tilespmem:$0x1D480] =	vst v63  }
0x133: {  	_ =	swait.ge [sflag:s31], $0x2000  }
0x134: {  	[sflag:s31] =	ssyncset.done $0x0  }
0x135: {  	s7 =	sadd.s32 $0x2800, s0;
	[sflag:s31] =	ssyncadd.s32 $0xFFFFE000  }
0x136: {  	[spmem:s2] =	stream.indirect.scatter.add.f32 [tilespmem:s25], [sflag:$0x2], $0x40, s7, s23, $0xb8;
	[tilespmem:$0x1D480] =	vst v63  }
0x137: {  	_ = 	snop  }
0x138: {  	[spmem:s3] =	stream.indirect.scatter.add.f32 [tilespmem:s1], [sflag:$0x2], $0x1, s7, s23, $0xb8;
	[tilespmem:$0x1D480] =	vst v63  }
0x139: {  	_ =	swait.ge [sflag:s31], $0x2000  }
0x13a: {  	[sflag:s31] =	ssyncset.done $0x0  }
0x13b: {  	s8 =	sadd.s32 $0x2880, s0;
	[sflag:s31] =	ssyncadd.s32 $0xFFFFE000  }
0x13c: {  	[spmem:s2] =	stream.indirect.scatter.add.f32 [tilespmem:s26], [sflag:$0x2], $0x40, s8, s23, $0xb8;
	[tilespmem:$0x1D480] =	vst v63  }
0x13d: {  	_ = 	snop  }
0x13e: {  	[spmem:s3] =	stream.indirect.scatter.add.f32 [tilespmem:s1], [sflag:$0x2], $0x1, s8, s23, $0xb8;
	[tilespmem:$0x1D480] =	vst v63  }
0x13f: {  	_ =	swait.ge [sflag:s31], $0x2000  }
0x140: {  	[sflag:s31] =	ssyncset.done $0x0  }
0x141: {  	s7 =	sadd.s32 $0x2900, s0;
	[sflag:s31] =	ssyncadd.s32 $0xFFFFE000  }
0x142: {  	[spmem:s2] =	stream.indirect.scatter.add.f32 [tilespmem:s28], [sflag:$0x2], $0x40, s7, s23, $0xb8;
	[tilespmem:$0x1D480] =	vst v63  }
0x143: {  	_ = 	snop  }
0x144: {  	[spmem:s3] =	stream.indirect.scatter.add.f32 [tilespmem:s1], [sflag:$0x2], $0x1, s7, s23, $0xb8;
	[tilespmem:$0x1D480] =	vst v63  }
0x145: {  	_ =	swait.ge [sflag:s31], $0x2000  }
0x146: {  	[sflag:s31] =	ssyncset.done $0x0  }
0x147: {  	s8 =	sadd.s32 $0x2980, s0;
	[sflag:s31] =	ssyncadd.s32 $0xFFFFE000  }
0x148: {  	[spmem:s2] =	stream.indirect.scatter.add.f32 [tilespmem:s29], [sflag:$0x2], $0x40, s8, s23, $0xb8;
	[tilespmem:$0x1D480] =	vst v63  }
0x149: {  	_ = 	snop  }
0x14a: {  	[spmem:s3] =	stream.indirect.scatter.add.f32 [tilespmem:s1], [sflag:$0x2], $0x1, s8, s23, $0xb8;
	[tilespmem:$0x1D480] =	vst v63  }
0x14b: {  	_ =	swait.ge [sflag:s31], $0x2000  }
0x14c: {  	[sflag:s31] =	ssyncset.done $0x0  }
0x14d: {  	s0 =	sadd.s32 $0x2A00, s0;
	[sflag:s31] =	ssyncadd.s32 $0xFFFFE000  }
0x14e: {  	[spmem:s2] =	stream.indirect.scatter.add.f32 [tilespmem:s30], [sflag:$0x2], $0x40, s0, s23, $0xb8;
	[tilespmem:$0x1D480] =	vst v63  }
0x14f: {  	_ = 	snop  }
0x150: {  	[spmem:s3] =	stream.indirect.scatter.add.f32 [tilespmem:s1], [sflag:$0x2], $0x1, s0, s23, $0xb8;
	[tilespmem:$0x1D480] =	vst v63  }
0x151: {  	_ =	swait.ge [sflag:s21], $0x2000  }
0x152: {  	[sflag:s21] =	ssyncset.done $0x0  }
0x153: {  	[sflag:s21] =	ssyncadd.s32 $0xFFFFE000  }
0x154: {  	_ =	swait.ge [sflag:s21], $0x80  }
0x155: {  	[sflag:s21] =	ssyncset.done $0x0  }
0x156: {  	[sflag:s21] =	ssyncadd.s32 $0xFFFFFF80  }
0x157: {  	_ =	swait.ge [sflag:s21], $0x2000  }
0x158: {  	[sflag:s21] =	ssyncset.done $0x0  }
0x159: {  	[sflag:s21] =	ssyncadd.s32 $0xFFFFE000  }
0x15a: {  	_ =	swait.ge [sflag:s21], $0x80  }
0x15b: {  	[sflag:s21] =	ssyncset.done $0x0  }
0x15c: {  	[sflag:s21] =	ssyncadd.s32 $0xFFFFFF80  }
0x15d: {  	_ =	swait.ge [sflag:s21], $0x2000  }
0x15e: {  	[sflag:s21] =	ssyncset.done $0x0  }
0x15f: {  	[sflag:s21] =	ssyncadd.s32 $0xFFFFE000  }
0x160: {  	_ =	swait.ge [sflag:s21], $0x80  }
0x161: {  	[sflag:s21] =	ssyncset.done $0x0  }
0x162: {  	[sflag:s21] =	ssyncadd.s32 $0xFFFFFF80  }
0x163: {  	_ =	swait.ge [sflag:s21], $0x2000  }
0x164: {  	[sflag:s21] =	ssyncset.done $0x0  }
0x165: {  	[sflag:s21] =	ssyncadd.s32 $0xFFFFE000  }
0x166: {  	_ =	swait.ge [sflag:s21], $0x80  }
0x167: {  	[sflag:s21] =	ssyncset.done $0x0  }
0x168: {  	[sflag:s21] =	ssyncadd.s32 $0xFFFFFF80  }
0x169: {  	_ =	swait.ge [sflag:s21], $0x2000  }
0x16a: {  	[sflag:s21] =	ssyncset.done $0x0  }
0x16b: {  	[sflag:s21] =	ssyncadd.s32 $0xFFFFE000  }
0x16c: {  	_ =	swait.ge [sflag:s21], $0x80  }
0x16d: {  	[sflag:s21] =	ssyncset.done $0x0  }
0x16e: {  	[sflag:s21] =	ssyncadd.s32 $0xFFFFFF80  }
0x16f: {  	_ =	swait.ge [sflag:s21], $0x2000  }
0x170: {  	[sflag:s21] =	ssyncset.done $0x0  }
0x171: {  	[sflag:s21] =	ssyncadd.s32 $0xFFFFE000  }
0x172: {  	_ =	swait.ge [sflag:s21], $0x80  }
0x173: {  	s4 =	simm.s32 @!p0 $0x2700;
	[sflag:s21] =	ssyncset.done $0x0  }
0x174: {  	s7 =	simm.s32 @!p0 $0x4F00;
	s0 =	simm.s32 @!p0 $0x80;
	[sflag:s21] =	ssyncadd.s32 $0xFFFFFF80  }
0x175: {  	[tilespmem:s7], [sflag:$0x1] =	stream.indirect.gather @!p0 [hbm4b:s5+s0], $0x40, s4, s0, $0xb8;
	[tilespmem:$0x1D480] =	vst v63  }
0x176: {  	s4 =	simm.s32 @!p0 $0x1  }
0x177: {  	_ =	swait.ge @!p0 [sflag:s4], $0x2000  }
0x178: {  	[sflag:s4] =	ssyncset.done @!p0 $0x0  }
0x179: {  	[sflag:s4] =	ssyncadd.s32 @!p0 $0xFFFFE000;
	s4 =	simm.s32 @!p0 $0x4E80  }
0x17a: {  	[spmem:s2] =	stream.indirect.scatter.add.f32 @!p0 [tilespmem:s7], [sflag:$0x2], $0x40, s4, s0, $0xb8;
	[tilespmem:$0x1D480] =	vst v63  }
0x17b: {  	s7 =	simm.s32 @!p0 $0x1CF00  }
0x17c: {  	[spmem:s3] =	stream.indirect.scatter.add.f32 @!p0 [tilespmem:s7], [sflag:$0x2], $0x1, s4, s0, $0xb8;
	[tilespmem:$0x1D480] =	vst v63  }
0x17d: {  	s0 =	simm.s32 @!p0 $0x2  }
0x17e: {  	_ =	swait.ge @!p0 [sflag:s0], $0x2000  }
0x17f: {  	[sflag:s0] =	ssyncset.done @!p0 $0x0  }
0x180: {  	[sflag:s0] =	ssyncadd.s32 @!p0 $0xFFFFE000  }
0x181: {  	_ =	swait.ge @!p0 [sflag:s0], $0x80  }
0x182: {  	s4 =	stileid.u32;
	[sflag:s0] =	ssyncset.done @!p0 $0x0  }
0x183: {  	[sflag:s0] =	ssyncadd.s32 @!p0 $0xFFFFFF80;
	s0 =	sshll.u32 s4, $0x6  }
0x184: {  	s7 =	sshrl.u32 s6, $0x3;
	[bflag:$0x0] =	sbarrier.arrive $0xFFFF;
	s0 =	sor.u32 $0x1C03, s0  }
0x185: {  	[hbm:s16], [sflag:s0] =	dma.local [spmem:s7], $0x1400  }
0x186: {  	s22 =	sadd.s32 $0x1, s22;
	_ =	swait.ge [sflag:s20], $0x1400  }
0x187: {  	p1 =	sne.s32 s22, s18;
	[sflag:s20] =	ssyncset.done $0x0  }
.Ltmp2:
0x188: {  	s8 =	sshrl.u32 s11, $0x3;
	[sflag:s20] =	ssyncadd.s32 $0xFFFFEC00;
	(pc) =	sbr.rel @p1 .LBB2_1-.Ltmp2, $4  }
0x189: {  	[hbm:s17], [sflag:s0] =	dma.local [spmem:s8], $0x50  }
0x18a: {  	_ =	swait.ge [sflag:s20], $0x50  }
0x18b: {  	[sflag:s20] =	ssyncset.done $0x0  }
0x18c: {  	[sflag:s20] =	ssyncadd.s32 $0xFFFFFFB0  }
0x18d: {  	_ =	sfence.sel $0x180000  }
0x18e: {  	[bflag:$0x0] =	sbarrier.arrive $0xFFFF  }
0x18f: {  	_ =	strace $0x90000047  }
0x190: {  	s0 =	stileid.u32;
	[bflag:$0x2] =	sbarrier.arrive $0xFFFF  }
0x191: {  	p0 =	sne.s32 s0, $0x0;
	s0 =	rddreg [dreg:$0x3]  }
0x192: {  	s0 =	sadd.s32 @!p0 $0x100000, s0  }
0x193: {  	[sflag:s0] =	ssyncadd.tile.s32 @!p0 $0x1;
	_ =	shalt  }
.Lfunc_end2:
_tile_overlayer_lowered:
.L_overlay_start_2:
0x194: {  	(tag) =	ssettag $0x2  }
0x195: {  	s0 =	rddreg [dreg:$0x0];
	s2 =	stileid.u32  }
0x196: {  	s1 =	rddreg [dreg:$0x1];
	p0 =	sne.s32 s2, $0x0  }
0x197: {  	s3 =	rddreg [dreg:$0x2];
	[bflag:$0x3] =	sbarrier.arrive $0xFFFF;
	s2 =	simm.s32 @!p0 $0x1C03  }
0x198: {  	[timem:s3], [sflag:s2] =	dma.local @!p0 [hbm:s0], s1  }
0x199: {  	s0 =	simm.s32 @!p0 $0x3  }
0x19a: {  	_ =	swait.ge @!p0 [sflag:s0], s1  }
0x19b: {  	s1 =	ssub.s32 @!p0 $0x0, s1;
	[sflag:s0] =	ssyncset.done @!p0 $0x0  }
0x19c: {  	[sflag:s0] =	ssyncadd.s32 @!p0 s1  }
0x19d: {  	[bflag:$0x3] =	sbarrier.arrive $0xFFFF  }
0x19e: {  	_ =	shalt  }

</sc_bundles>
